<compile_context>
chip_gen: v7x
topology: tpu7x:2x2x1
jax: 0.10.2.dev20260603
libtpu: 0.0.44.dev20260713+nightly
codegen_flags: <defaults>
</compile_context>

<pallas_src>
import functools

import jax
import jax.numpy as jnp
from jax import lax
from jax.experimental import pallas as pl
from jax.experimental.pallas import tpu as pltpu
from jax.experimental.pallas import tpu_sc as plsc

N = 100000
K = 27
C = 16

CB = 128
NPAD = 100096
NCHUNK = NPAD // CB
NW = 32
ROWS = K * CB
LASTV = N - (NCHUNK - 1) * CB
BASE_CNT = NCHUNK // NW
EXTRA = NCHUNK % NW
MAXC = BASE_CNT + 1
OROWS = 12504

K2 = 32
NT = 4
PLANE = N * 8
BN = 2000


def _mm_body(x_ref, w_ref, o_ref):
    for t in range(NT):
        o_ref[t] = jnp.dot(x_ref[...], w_ref[..., t * 128:(t + 1) * 128],
                           preferred_element_type=jnp.float32)


def _tc_matmul(x, wcat):
    return pl.pallas_call(
        _mm_body,
        grid=(N // BN,),
        in_specs=[pl.BlockSpec((BN, C), lambda i: (i, 0)),
                  pl.BlockSpec((C, K2 * C), lambda i: (0, 0))],
        out_specs=pl.BlockSpec((NT, BN, 8 * C), lambda i: (0, i, 0)),
        out_shape=jax.ShapeDtypeStruct((NT, N, 8 * C), jnp.float32),
    )(x, wcat)


_MESH = plsc.VectorSubcoreMesh(core_axis_name="c", subcore_axis_name="s")


@functools.partial(
    pl.kernel,
    out_type=jax.ShapeDtypeStruct((OROWS, 8 * C), jnp.float32),
    mesh=_MESH,
    scratch_types=[
        pltpu.VMEM((K, CB), jnp.int32),
        pltpu.VMEM((K, CB), jnp.int32),
        pltpu.VMEM((ROWS, C), jnp.float32),
        pltpu.VMEM((ROWS, C), jnp.float32),
        pltpu.VMEM((CB // 8, 8 * C), jnp.float32),
        pltpu.VMEM((C,), jnp.float32),
        pltpu.SemaphoreType.DMA,
        pltpu.SemaphoreType.DMA,
    ],
    compiler_params=pltpu.CompilerParams(use_tc_tiling_on_sc=False),
)
def _sc_gather_reduce(ztab, idxn, bias_h, out, idx0, idx1, rows0, rows1,
                      out_v, bias_v, sem0, sem1):
    w = lax.axis_index("s") * 2 + lax.axis_index("c")
    start = w * BASE_CNT + jnp.minimum(w, EXTRA)
    cnt = BASE_CNT + jnp.where(w < EXTRA, 1, 0)
    pltpu.sync_copy(bias_h, bias_v)
    iot = lax.iota(jnp.int32, 16)

    def prep(i, idx_v, rows_v, sem):
        c = start + i
        pltpu.sync_copy(idxn.at[c], idx_v)

        def krow(g, carry):
            for t in range(CB // 16):
                sl = pl.ds(t * 16, 16)
                p = g * CB + t * 16 + iot
                k = lax.rem(p, K)
                idx_v[g, sl] = (lax.shift_left(idx_v[g, sl], 3)
                                + lax.shift_right_logical(k, 3) * PLANE
                                + lax.bitwise_and(k, 7))
            return carry

        lax.fori_loop(0, K, krow, 0)

        def fire(g, carry):
            pltpu.async_copy(ztab.at[idx_v.at[g]],
                             rows_v.at[pl.ds(g * CB, CB)], sem)
            return carry

        lax.fori_loop(0, K, fire, 0)

    def consume(i, rows_v, sem):
        c = start + i
        pltpu.make_async_copy(ztab.at[pl.ds(0, ROWS)], rows_v, sem).wait()

        def node(j, carry):
            base = j * K
            acc = bias_v[...] + rows_v[base, :]
            for k in range(1, K):
                acc = acc + rows_v[base + k, :]
            out_v[lax.shift_right_logical(j, 3),
                  pl.ds(lax.bitwise_and(j, 7) * C, C)] = acc
            return carry

        lax.fori_loop(0, CB, node, 0)

        @pl.when(c < NCHUNK - 1)
        def _():
            pltpu.sync_copy(out_v, out.at[pl.ds(c * (CB // 8), CB // 8)])

        @pl.when(c == NCHUNK - 1)
        def _():
            pltpu.sync_copy(out_v.at[pl.ds(0, LASTV // 8)],
                            out.at[pl.ds(c * (CB // 8), LASTV // 8)])

    prep(0, idx0, rows0, sem0)

    def pipe(t, carry):
        i0 = t * 2
        i1 = i0 + 1

        @pl.when(i1 < cnt)
        def _():
            prep(i1, idx1, rows1, sem1)

        @pl.when(i0 < cnt)
        def _():
            consume(i0, rows0, sem0)

        @pl.when(i1 + 1 < cnt)
        def _():
            prep(i1 + 1, idx0, rows0, sem0)

        @pl.when(i1 < cnt)
        def _():
            consume(i1, rows1, sem1)

        return carry

    lax.fori_loop(0, (MAXC + 1) // 2, pipe, 0)


def kernel(input, neighbor_idx, weight, bias):
    nid = jnp.pad(neighbor_idx, ((0, NPAD - N), (0, 0)))
    idxn = nid.reshape(NCHUNK, K, CB)
    wpad = jnp.pad(weight, ((0, K2 - K), (0, 0), (0, 0)))
    wcat = jnp.transpose(wpad, (1, 0, 2)).reshape(C, K2 * C)
    z3 = _tc_matmul(input, wcat)
    ztab = z3.reshape(N * K2, C)
    out8 = _sc_gather_reduce(ztab, idxn, bias)
    return out8.reshape(OROWS * 8, C)[:N]

# --- scband reference (transcript-rebuilt; emitter-appended) ---
"""Pipeline reference for scband-conv3d-86517821212455 (READ-ONLY COPY).

The authoritative reference and input builder live on the scoring server;
editing this copy changes nothing except your own understanding.
"""

import jax, jax.numpy as jnp
import numpy as np

N = 100000
K = 27
C_IN = 16
C_OUT = 16


def setup_inputs(seed: int = 0) -> dict:
    key = jax.random.key(seed)
    k1, k2, k3, k4 = jax.random.split(key, 4)
    inp = jax.random.normal(k1, (N, C_IN), dtype=jnp.float32)
    # neighbor_idx[i, k] = n(i, k): the octree neighborhood function of kaolin's
    # SPC conv3d, materialized as explicit gather indices (the CUDA kernel computes
    # these from octrees/point_hierarchies/pyramids/exsum internally).
    neighbor_idx = jax.random.randint(k2, (N, K), 0, N, dtype=jnp.int32)
    weight = jax.random.normal(k3, (K, C_IN, C_OUT), dtype=jnp.float32) * (1.0 / np.sqrt(K * C_IN))
    bias = jax.random.normal(k4, (C_OUT,), dtype=jnp.float32) * 0.01
    return {"input": inp, "neighbor_idx": neighbor_idx, "weight": weight, "bias": bias}


def reference(input, neighbor_idx, weight, bias):
    # Y_i = sum_k W_k . X_{n(i,k)} + b
    gathered = jnp.take(input, neighbor_idx, axis=0)          # [N, K, C_IN]
    out = jnp.einsum('nkc,kcd->nd', gathered, weight)          # [N, C_OUT]
    return out + bias

if __name__ == "__main__":
    import jax
    _d = setup_inputs()
    print(jax.jit(kernel)(*tuple(_d.values())))

</pallas_src>

<mosaic_0001>
#map = affine_map<(d0, d1) -> (0, 0)>
#map1 = affine_map<(d0, d1) -> (0, 0, 0)>
#map2 = affine_map<(d0, d1) -> (0)>
module attributes {stable_mosaic.version = 14 : i64} {
  func.func @_sc_gather_reduce(%arg0: i32, %arg1: i32, %arg2: memref<3200000x16xf32, #tpu.memory_space<hbm>>, %arg3: memref<782x27x128xi32, #tpu.memory_space<hbm>>, %arg4: memref<16xf32, #tpu.memory_space<hbm>>, %arg5: memref<12504x128xf32, #tpu.memory_space<hbm>>, %arg6: memref<27x128xi32, #tpu.memory_space<vmem>>, %arg7: memref<27x128xi32, #tpu.memory_space<vmem>>, %arg8: memref<3456x16xf32, #tpu.memory_space<vmem>>, %arg9: memref<3456x16xf32, #tpu.memory_space<vmem>>, %arg10: memref<16x128xf32, #tpu.memory_space<vmem>>, %arg11: memref<16xf32, #tpu.memory_space<vmem>>, %arg12: memref<!tpu.dma_semaphore, #tpu.memory_space<semaphore_mem>>, %arg13: memref<!tpu.dma_semaphore, #tpu.memory_space<semaphore_mem>>) attributes {dimension_semantics = [#tpu.dimension_semantics<core_parallel>, #tpu.dimension_semantics<subcore_parallel>], iteration_bounds = array<i64: 2, 16>, scalar_prefetch = 0 : i64, scratch_operands = 8 : i64, tpu.core_type = #tpu.core_type<sc_vector_subcore>, window_params = [{transform_indices = #map}, {transform_indices = #map1}, {transform_indices = #map2}, {transform_indices = #map}]} {
    %mul3A = arith.constant 2 : i32
    %mul3A_0 = arith.muli %arg1, %mul3A : i32
    %add3A = arith.addi %mul3A_0, %arg0 : i32
    %mul3A_1 = arith.constant 24 : i32
    %mul3A_2 = arith.muli %add3A, %mul3A_1 : i32
    %min3A = arith.constant 14 : i32
    %min3A_3 = arith.minsi %add3A, %min3A : i32
    %add3A_4 = arith.addi %mul3A_2, %min3A_3 : i32
    %lt3A = arith.constant 14 : i32
    %lt3A_5 = arith.cmpi slt, %add3A, %lt3A : i32
    %jit3A = arith.constant 1 : i32
    %jit3A_6 = arith.constant 0 : i32
    %select_n3A = arith.select %lt3A_5, %jit3A, %jit3A_6 : i32
    %add3A_7 = arith.constant 24 : i32
    %add3A_8 = arith.addi %add3A_7, %select_n3A : i32
    "tpu.region"() ({
      %run_scoped3A = tpu.sem_alloc : memref<!tpu.dma_semaphore, #tpu.memory_space<semaphore_mem>>
      tpu.enqueue_dma source(%arg4 : memref<16xf32, #tpu.memory_space<hbm>>) target(%arg11 : memref<16xf32, #tpu.memory_space<vmem>>) target_semaphore(%run_scoped3A : memref<!tpu.dma_semaphore, #tpu.memory_space<semaphore_mem>>)
      tpu.wait_dma2 semaphore(%run_scoped3A : memref<!tpu.dma_semaphore, #tpu.memory_space<semaphore_mem>>) src(%arg4 : memref<16xf32, #tpu.memory_space<hbm>>) dst(%arg11 : memref<16xf32, #tpu.memory_space<vmem>>)
      tpu.yield
    }) : () -> ()
    %iota3A = tpu.iota {dimensions = array<i32: 0>} : vector<16xi32>
    %add3A_9 = arith.constant 0 : i32
    %add3A_10 = arith.addi %add3A_4, %add3A_9 : i32
    "tpu.region"() ({
      %run_scoped3A = tpu.sem_alloc : memref<!tpu.dma_semaphore, #tpu.memory_space<semaphore_mem>>
      %dma_start3A = arith.constant 0 : i32
      %dma_start3A_28 = arith.constant 0 : i32
      %dma_start3A_29 = tpu.memref_slice %arg3[%add3A_10, %dma_start3A, %dma_start3A_28] : memref<782x27x128xi32, #tpu.memory_space<hbm>> -> memref<1x27x128xi32, #tpu.memory_space<hbm>>
      %dma_start3A_30 = tpu.memref_squeeze %dma_start3A_29 : memref<1x27x128xi32, #tpu.memory_space<hbm>> -> memref<27x128xi32, #tpu.memory_space<hbm>>
      %dma_start3A_31 = arith.constant 0 : i32
      %dma_start3A_32 = arith.constant 0 : i32
      %dma_start3A_33 = tpu.memref_slice %arg3[%add3A_10, %dma_start3A_31, %dma_start3A_32] : memref<782x27x128xi32, #tpu.memory_space<hbm>> -> memref<1x27x128xi32, #tpu.memory_space<hbm>>
      %dma_start3A_34 = tpu.memref_squeeze %dma_start3A_33 : memref<1x27x128xi32, #tpu.memory_space<hbm>> -> memref<27x128xi32, #tpu.memory_space<hbm>>
      tpu.enqueue_dma source(%dma_start3A_34 : memref<27x128xi32, #tpu.memory_space<hbm>>) target(%arg6 : memref<27x128xi32, #tpu.memory_space<vmem>>) target_semaphore(%run_scoped3A : memref<!tpu.dma_semaphore, #tpu.memory_space<semaphore_mem>>)
      %dma_wait3A = arith.constant 0 : i32
      %dma_wait3A_35 = arith.constant 0 : i32
      %dma_wait3A_36 = tpu.memref_slice %arg3[%add3A_10, %dma_wait3A, %dma_wait3A_35] : memref<782x27x128xi32, #tpu.memory_space<hbm>> -> memref<1x27x128xi32, #tpu.memory_space<hbm>>
      %dma_wait3A_37 = tpu.memref_squeeze %dma_wait3A_36 : memref<1x27x128xi32, #tpu.memory_space<hbm>> -> memref<27x128xi32, #tpu.memory_space<hbm>>
      %dma_wait3A_38 = arith.constant 0 : i32
      %dma_wait3A_39 = arith.constant 0 : i32
      %dma_wait3A_40 = tpu.memref_slice %arg3[%add3A_10, %dma_wait3A_38, %dma_wait3A_39] : memref<782x27x128xi32, #tpu.memory_space<hbm>> -> memref<1x27x128xi32, #tpu.memory_space<hbm>>
      %dma_wait3A_41 = tpu.memref_squeeze %dma_wait3A_40 : memref<1x27x128xi32, #tpu.memory_space<hbm>> -> memref<27x128xi32, #tpu.memory_space<hbm>>
      tpu.wait_dma2 semaphore(%run_scoped3A : memref<!tpu.dma_semaphore, #tpu.memory_space<semaphore_mem>>) src(%dma_wait3A_41 : memref<27x128xi32, #tpu.memory_space<hbm>>) dst(%arg6 : memref<27x128xi32, #tpu.memory_space<vmem>>)
      tpu.yield
    }) : () -> ()
    %scan3A = arith.constant 0 : i32
    %scan3A_11 = arith.constant 0 : i32
    %scan3A_12 = arith.constant 27 : i32
    %scan3A_13 = arith.addi %scan3A_11, %scan3A_12 : i32
    %scan3A_14 = arith.constant 1 : i32
    scf.for %scan3A_28 = %scan3A_11 to %scan3A_13 step %scan3A_14  : i32 {
      %mul3A_29 = arith.constant 128 : i32
      %mul3A_30 = arith.muli %scan3A_28, %mul3A_29 : i32
      %add3A_31 = arith.constant 0 : i32
      %add3A_32 = arith.addi %mul3A_30, %add3A_31 : i32
      %add3A_33 = vector.broadcast %add3A_32 : i32 to vector<16xi32>
      %add3A_34 = arith.addi %add3A_33, %iota3A : vector<16xi32>
      %rem3A = arith.constant 27 : i32
      %rem3A_35 = vector.broadcast %rem3A : i32 to vector<16xi32>
      %rem3A_36 = arith.remsi %add3A_34, %rem3A_35 : vector<16xi32>
      %get3A = arith.index_cast %scan3A_28 : i32 to index
      %get3A_37 = arith.constant 0 : index
      %get3A_38 = tpu.vector_load %arg6[%get3A, %get3A_37] {strides = array<i32>} : memref<27x128xi32, #tpu.memory_space<vmem>>, vector<1x16xi32>,
      %get3A_39 = vector.shape_cast %get3A_38 : vector<1x16xi32> to vector<16xi32>
      %shift_left3A = arith.constant 3 : i32
      %shift_left3A_40 = vector.broadcast %shift_left3A : i32 to vector<16xi32>
      %shift_left3A_41 = arith.shli %get3A_39, %shift_left3A_40 : vector<16xi32>
      %shift_right_logical3A = arith.constant 3 : i32
      %shift_right_logical3A_42 = vector.broadcast %shift_right_logical3A : i32 to vector<16xi32>
      %shift_right_logical3A_43 = arith.shrui %rem3A_36, %shift_right_logical3A_42 : vector<16xi32>
      %mul3A_44 = arith.constant 800000 : i32
      %mul3A_45 = vector.broadcast %mul3A_44 : i32 to vector<16xi32>
      %mul3A_46 = arith.muli %shift_right_logical3A_43, %mul3A_45 : vector<16xi32>
      %add3A_47 = arith.addi %shift_left3A_41, %mul3A_46 : vector<16xi32>
      %and3A = arith.constant 7 : i32
      %and3A_48 = vector.broadcast %and3A : i32 to vector<16xi32>
      %and3A_49 = arith.andi %rem3A_36, %and3A_48 : vector<16xi32>
      %add3A_50 = arith.addi %add3A_47, %and3A_49 : vector<16xi32>
      %swap3A = arith.index_cast %scan3A_28 : i32 to index
      %swap3A_51 = arith.constant 0 : index
      %swap3A_52 = tpu.vector_load %arg6[%swap3A, %swap3A_51] {strides = array<i32>} : memref<27x128xi32, #tpu.memory_space<vmem>>, vector<1x16xi32>,
      %swap3A_53 = vector.shape_cast %swap3A_52 : vector<1x16xi32> to vector<16xi32>
      %swap3A_54 = vector.shape_cast %add3A_50 : vector<16xi32> to vector<1x16xi32>
      tpu.vector_store %arg6[%swap3A, %swap3A_51], %swap3A_54 {strides = array<i32>} : memref<27x128xi32, #tpu.memory_space<vmem>>, vector<1x16xi32>,
      %mul3A_55 = arith.constant 128 : i32
      %mul3A_56 = arith.muli %scan3A_28, %mul3A_55 : i32
      %add3A_57 = arith.constant 16 : i32
      %add3A_58 = arith.addi %mul3A_56, %add3A_57 : i32
      %add3A_59 = vector.broadcast %add3A_58 : i32 to vector<16xi32>
      %add3A_60 = arith.addi %add3A_59, %iota3A : vector<16xi32>
      %rem3A_61 = arith.constant 27 : i32
      %rem3A_62 = vector.broadcast %rem3A_61 : i32 to vector<16xi32>
      %rem3A_63 = arith.remsi %add3A_60, %rem3A_62 : vector<16xi32>
      %get3A_64 = arith.index_cast %scan3A_28 : i32 to index
      %get3A_65 = arith.constant 16 : index
      %get3A_66 = tpu.vector_load %arg6[%get3A_64, %get3A_65] {strides = array<i32>} : memref<27x128xi32, #tpu.memory_space<vmem>>, vector<1x16xi32>,
      %get3A_67 = vector.shape_cast %get3A_66 : vector<1x16xi32> to vector<16xi32>
      %shift_left3A_68 = arith.constant 3 : i32
      %shift_left3A_69 = vector.broadcast %shift_left3A_68 : i32 to vector<16xi32>
      %shift_left3A_70 = arith.shli %get3A_67, %shift_left3A_69 : vector<16xi32>
      %shift_right_logical3A_71 = arith.constant 3 : i32
      %shift_right_logical3A_72 = vector.broadcast %shift_right_logical3A_71 : i32 to vector<16xi32>
      %shift_right_logical3A_73 = arith.shrui %rem3A_63, %shift_right_logical3A_72 : vector<16xi32>
      %mul3A_74 = arith.constant 800000 : i32
      %mul3A_75 = vector.broadcast %mul3A_74 : i32 to vector<16xi32>
      %mul3A_76 = arith.muli %shift_right_logical3A_73, %mul3A_75 : vector<16xi32>
      %add3A_77 = arith.addi %shift_left3A_70, %mul3A_76 : vector<16xi32>
      %and3A_78 = arith.constant 7 : i32
      %and3A_79 = vector.broadcast %and3A_78 : i32 to vector<16xi32>
      %and3A_80 = arith.andi %rem3A_63, %and3A_79 : vector<16xi32>
      %add3A_81 = arith.addi %add3A_77, %and3A_80 : vector<16xi32>
      %swap3A_82 = arith.index_cast %scan3A_28 : i32 to index
      %swap3A_83 = arith.constant 16 : index
      %swap3A_84 = tpu.vector_load %arg6[%swap3A_82, %swap3A_83] {strides = array<i32>} : memref<27x128xi32, #tpu.memory_space<vmem>>, vector<1x16xi32>,
      %swap3A_85 = vector.shape_cast %swap3A_84 : vector<1x16xi32> to vector<16xi32>
      %swap3A_86 = vector.shape_cast %add3A_81 : vector<16xi32> to vector<1x16xi32>
      tpu.vector_store %arg6[%swap3A_82, %swap3A_83], %swap3A_86 {strides = array<i32>} : memref<27x128xi32, #tpu.memory_space<vmem>>, vector<1x16xi32>,
      %mul3A_87 = arith.constant 128 : i32
      %mul3A_88 = arith.muli %scan3A_28, %mul3A_87 : i32
      %add3A_89 = arith.constant 32 : i32
      %add3A_90 = arith.addi %mul3A_88, %add3A_89 : i32
      %add3A_91 = vector.broadcast %add3A_90 : i32 to vector<16xi32>
      %add3A_92 = arith.addi %add3A_91, %iota3A : vector<16xi32>
      %rem3A_93 = arith.constant 27 : i32
      %rem3A_94 = vector.broadcast %rem3A_93 : i32 to vector<16xi32>
      %rem3A_95 = arith.remsi %add3A_92, %rem3A_94 : vector<16xi32>
      %get3A_96 = arith.index_cast %scan3A_28 : i32 to index
      %get3A_97 = arith.constant 32 : index
      %get3A_98 = tpu.vector_load %arg6[%get3A_96, %get3A_97] {strides = array<i32>} : memref<27x128xi32, #tpu.memory_space<vmem>>, vector<1x16xi32>,
      %get3A_99 = vector.shape_cast %get3A_98 : vector<1x16xi32> to vector<16xi32>
      %shift_left3A_100 = arith.constant 3 : i32
      %shift_left3A_101 = vector.broadcast %shift_left3A_100 : i32 to vector<16xi32>
      %shift_left3A_102 = arith.shli %get3A_99, %shift_left3A_101 : vector<16xi32>
      %shift_right_logical3A_103 = arith.constant 3 : i32
      %shift_right_logical3A_104 = vector.broadcast %shift_right_logical3A_103 : i32 to vector<16xi32>
      %shift_right_logical3A_105 = arith.shrui %rem3A_95, %shift_right_logical3A_104 : vector<16xi32>
      %mul3A_106 = arith.constant 800000 : i32
      %mul3A_107 = vector.broadcast %mul3A_106 : i32 to vector<16xi32>
      %mul3A_108 = arith.muli %shift_right_logical3A_105, %mul3A_107 : vector<16xi32>
      %add3A_109 = arith.addi %shift_left3A_102, %mul3A_108 : vector<16xi32>
      %and3A_110 = arith.constant 7 : i32
      %and3A_111 = vector.broadcast %and3A_110 : i32 to vector<16xi32>
      %and3A_112 = arith.andi %rem3A_95, %and3A_111 : vector<16xi32>
      %add3A_113 = arith.addi %add3A_109, %and3A_112 : vector<16xi32>
      %swap3A_114 = arith.index_cast %scan3A_28 : i32 to index
      %swap3A_115 = arith.constant 32 : index
      %swap3A_116 = tpu.vector_load %arg6[%swap3A_114, %swap3A_115] {strides = array<i32>} : memref<27x128xi32, #tpu.memory_space<vmem>>, vector<1x16xi32>,
      %swap3A_117 = vector.shape_cast %swap3A_116 : vector<1x16xi32> to vector<16xi32>
      %swap3A_118 = vector.shape_cast %add3A_113 : vector<16xi32> to vector<1x16xi32>
      tpu.vector_store %arg6[%swap3A_114, %swap3A_115], %swap3A_118 {strides = array<i32>} : memref<27x128xi32, #tpu.memory_space<vmem>>, vector<1x16xi32>,
      %mul3A_119 = arith.constant 128 : i32
      %mul3A_120 = arith.muli %scan3A_28, %mul3A_119 : i32
      %add3A_121 = arith.constant 48 : i32
      %add3A_122 = arith.addi %mul3A_120, %add3A_121 : i32
      %add3A_123 = vector.broadcast %add3A_122 : i32 to vector<16xi32>
      %add3A_124 = arith.addi %add3A_123, %iota3A : vector<16xi32>
      %rem3A_125 = arith.constant 27 : i32
      %rem3A_126 = vector.broadcast %rem3A_125 : i32 to vector<16xi32>
      %rem3A_127 = arith.remsi %add3A_124, %rem3A_126 : vector<16xi32>
      %get3A_128 = arith.index_cast %scan3A_28 : i32 to index
      %get3A_129 = arith.constant 48 : index
      %get3A_130 = tpu.vector_load %arg6[%get3A_128, %get3A_129] {strides = array<i32>} : memref<27x128xi32, #tpu.memory_space<vmem>>, vector<1x16xi32>,
      %get3A_131 = vector.shape_cast %get3A_130 : vector<1x16xi32> to vector<16xi32>
      %shift_left3A_132 = arith.constant 3 : i32
      %shift_left3A_133 = vector.broadcast %shift_left3A_132 : i32 to vector<16xi32>
      %shift_left3A_134 = arith.shli %get3A_131, %shift_left3A_133 : vector<16xi32>
      %shift_right_logical3A_135 = arith.constant 3 : i32
      %shift_right_logical3A_136 = vector.broadcast %shift_right_logical3A_135 : i32 to vector<16xi32>
      %shift_right_logical3A_137 = arith.shrui %rem3A_127, %shift_right_logical3A_136 : vector<16xi32>
      %mul3A_138 = arith.constant 800000 : i32
      %mul3A_139 = vector.broadcast %mul3A_138 : i32 to vector<16xi32>
      %mul3A_140 = arith.muli %shift_right_logical3A_137, %mul3A_139 : vector<16xi32>
      %add3A_141 = arith.addi %shift_left3A_134, %mul3A_140 : vector<16xi32>
      %and3A_142 = arith.constant 7 : i32
      %and3A_143 = vector.broadcast %and3A_142 : i32 to vector<16xi32>
      %and3A_144 = arith.andi %rem3A_127, %and3A_143 : vector<16xi32>
      %add3A_145 = arith.addi %add3A_141, %and3A_144 : vector<16xi32>
      %swap3A_146 = arith.index_cast %scan3A_28 : i32 to index
      %swap3A_147 = arith.constant 48 : index
      %swap3A_148 = tpu.vector_load %arg6[%swap3A_146, %swap3A_147] {strides = array<i32>} : memref<27x128xi32, #tpu.memory_space<vmem>>, vector<1x16xi32>,
      %swap3A_149 = vector.shape_cast %swap3A_148 : vector<1x16xi32> to vector<16xi32>
      %swap3A_150 = vector.shape_cast %add3A_145 : vector<16xi32> to vector<1x16xi32>
      tpu.vector_store %arg6[%swap3A_146, %swap3A_147], %swap3A_150 {strides = array<i32>} : memref<27x128xi32, #tpu.memory_space<vmem>>, vector<1x16xi32>,
      %mul3A_151 = arith.constant 128 : i32
      %mul3A_152 = arith.muli %scan3A_28, %mul3A_151 : i32
      %add3A_153 = arith.constant 64 : i32
      %add3A_154 = arith.addi %mul3A_152, %add3A_153 : i32
      %add3A_155 = vector.broadcast %add3A_154 : i32 to vector<16xi32>
      %add3A_156 = arith.addi %add3A_155, %iota3A : vector<16xi32>
      %rem3A_157 = arith.constant 27 : i32
      %rem3A_158 = vector.broadcast %rem3A_157 : i32 to vector<16xi32>
      %rem3A_159 = arith.remsi %add3A_156, %rem3A_158 : vector<16xi32>
      %get3A_160 = arith.index_cast %scan3A_28 : i32 to index
      %get3A_161 = arith.constant 64 : index
      %get3A_162 = tpu.vector_load %arg6[%get3A_160, %get3A_161] {strides = array<i32>} : memref<27x128xi32, #tpu.memory_space<vmem>>, vector<1x16xi32>,
      %get3A_163 = vector.shape_cast %get3A_162 : vector<1x16xi32> to vector<16xi32>
      %shift_left3A_164 = arith.constant 3 : i32
      %shift_left3A_165 = vector.broadcast %shift_left3A_164 : i32 to vector<16xi32>
      %shift_left3A_166 = arith.shli %get3A_163, %shift_left3A_165 : vector<16xi32>
      %shift_right_logical3A_167 = arith.constant 3 : i32
      %shift_right_logical3A_168 = vector.broadcast %shift_right_logical3A_167 : i32 to vector<16xi32>
      %shift_right_logical3A_169 = arith.shrui %rem3A_159, %shift_right_logical3A_168 : vector<16xi32>
      %mul3A_170 = arith.constant 800000 : i32
      %mul3A_171 = vector.broadcast %mul3A_170 : i32 to vector<16xi32>
      %mul3A_172 = arith.muli %shift_right_logical3A_169, %mul3A_171 : vector<16xi32>
      %add3A_173 = arith.addi %shift_left3A_166, %mul3A_172 : vector<16xi32>
      %and3A_174 = arith.constant 7 : i32
      %and3A_175 = vector.broadcast %and3A_174 : i32 to vector<16xi32>
      %and3A_176 = arith.andi %rem3A_159, %and3A_175 : vector<16xi32>
      %add3A_177 = arith.addi %add3A_173, %and3A_176 : vector<16xi32>
      %swap3A_178 = arith.index_cast %scan3A_28 : i32 to index
      %swap3A_179 = arith.constant 64 : index
      %swap3A_180 = tpu.vector_load %arg6[%swap3A_178, %swap3A_179] {strides = array<i32>} : memref<27x128xi32, #tpu.memory_space<vmem>>, vector<1x16xi32>,
      %swap3A_181 = vector.shape_cast %swap3A_180 : vector<1x16xi32> to vector<16xi32>
      %swap3A_182 = vector.shape_cast %add3A_177 : vector<16xi32> to vector<1x16xi32>
      tpu.vector_store %arg6[%swap3A_178, %swap3A_179], %swap3A_182 {strides = array<i32>} : memref<27x128xi32, #tpu.memory_space<vmem>>, vector<1x16xi32>,
      %mul3A_183 = arith.constant 128 : i32
      %mul3A_184 = arith.muli %scan3A_28, %mul3A_183 : i32
      %add3A_185 = arith.constant 80 : i32
      %add3A_186 = arith.addi %mul3A_184, %add3A_185 : i32
      %add3A_187 = vector.broadcast %add3A_186 : i32 to vector<16xi32>
      %add3A_188 = arith.addi %add3A_187, %iota3A : vector<16xi32>
      %rem3A_189 = arith.constant 27 : i32
      %rem3A_190 = vector.broadcast %rem3A_189 : i32 to vector<16xi32>
      %rem3A_191 = arith.remsi %add3A_188, %rem3A_190 : vector<16xi32>
      %get3A_192 = arith.index_cast %scan3A_28 : i32 to index
      %get3A_193 = arith.constant 80 : index
      %get3A_194 = tpu.vector_load %arg6[%get3A_192, %get3A_193] {strides = array<i32>} : memref<27x128xi32, #tpu.memory_space<vmem>>, vector<1x16xi32>,
      %get3A_195 = vector.shape_cast %get3A_194 : vector<1x16xi32> to vector<16xi32>
      %shift_left3A_196 = arith.constant 3 : i32
      %shift_left3A_197 = vector.broadcast %shift_left3A_196 : i32 to vector<16xi32>
      %shift_left3A_198 = arith.shli %get3A_195, %shift_left3A_197 : vector<16xi32>
      %shift_right_logical3A_199 = arith.constant 3 : i32
      %shift_right_logical3A_200 = vector.broadcast %shift_right_logical3A_199 : i32 to vector<16xi32>
      %shift_right_logical3A_201 = arith.shrui %rem3A_191, %shift_right_logical3A_200 : vector<16xi32>
      %mul3A_202 = arith.constant 800000 : i32
      %mul3A_203 = vector.broadcast %mul3A_202 : i32 to vector<16xi32>
      %mul3A_204 = arith.muli %shift_right_logical3A_201, %mul3A_203 : vector<16xi32>
      %add3A_205 = arith.addi %shift_left3A_198, %mul3A_204 : vector<16xi32>
      %and3A_206 = arith.constant 7 : i32
      %and3A_207 = vector.broadcast %and3A_206 : i32 to vector<16xi32>
      %and3A_208 = arith.andi %rem3A_191, %and3A_207 : vector<16xi32>
      %add3A_209 = arith.addi %add3A_205, %and3A_208 : vector<16xi32>
      %swap3A_210 = arith.index_cast %scan3A_28 : i32 to index
      %swap3A_211 = arith.constant 80 : index
      %swap3A_212 = tpu.vector_load %arg6[%swap3A_210, %swap3A_211] {strides = array<i32>} : memref<27x128xi32, #tpu.memory_space<vmem>>, vector<1x16xi32>,
      %swap3A_213 = vector.shape_cast %swap3A_212 : vector<1x16xi32> to vector<16xi32>
      %swap3A_214 = vector.shape_cast %add3A_209 : vector<16xi32> to vector<1x16xi32>
      tpu.vector_store %arg6[%swap3A_210, %swap3A_211], %swap3A_214 {strides = array<i32>} : memref<27x128xi32, #tpu.memory_space<vmem>>, vector<1x16xi32>,
      %mul3A_215 = arith.constant 128 : i32
      %mul3A_216 = arith.muli %scan3A_28, %mul3A_215 : i32
      %add3A_217 = arith.constant 96 : i32
      %add3A_218 = arith.addi %mul3A_216, %add3A_217 : i32
      %add3A_219 = vector.broadcast %add3A_218 : i32 to vector<16xi32>
      %add3A_220 = arith.addi %add3A_219, %iota3A : vector<16xi32>
      %rem3A_221 = arith.constant 27 : i32
      %rem3A_222 = vector.broadcast %rem3A_221 : i32 to vector<16xi32>
      %rem3A_223 = arith.remsi %add3A_220, %rem3A_222 : vector<16xi32>
      %get3A_224 = arith.index_cast %scan3A_28 : i32 to index
      %get3A_225 = arith.constant 96 : index
      %get3A_226 = tpu.vector_load %arg6[%get3A_224, %get3A_225] {strides = array<i32>} : memref<27x128xi32, #tpu.memory_space<vmem>>, vector<1x16xi32>,
      %get3A_227 = vector.shape_cast %get3A_226 : vector<1x16xi32> to vector<16xi32>
      %shift_left3A_228 = arith.constant 3 : i32
      %shift_left3A_229 = vector.broadcast %shift_left3A_228 : i32 to vector<16xi32>
      %shift_left3A_230 = arith.shli %get3A_227, %shift_left3A_229 : vector<16xi32>
      %shift_right_logical3A_231 = arith.constant 3 : i32
      %shift_right_logical3A_232 = vector.broadcast %shift_right_logical3A_231 : i32 to vector<16xi32>
      %shift_right_logical3A_233 = arith.shrui %rem3A_223, %shift_right_logical3A_232 : vector<16xi32>
      %mul3A_234 = arith.constant 800000 : i32
      %mul3A_235 = vector.broadcast %mul3A_234 : i32 to vector<16xi32>
      %mul3A_236 = arith.muli %shift_right_logical3A_233, %mul3A_235 : vector<16xi32>
      %add3A_237 = arith.addi %shift_left3A_230, %mul3A_236 : vector<16xi32>
      %and3A_238 = arith.constant 7 : i32
      %and3A_239 = vector.broadcast %and3A_238 : i32 to vector<16xi32>
      %and3A_240 = arith.andi %rem3A_223, %and3A_239 : vector<16xi32>
      %add3A_241 = arith.addi %add3A_237, %and3A_240 : vector<16xi32>
      %swap3A_242 = arith.index_cast %scan3A_28 : i32 to index
      %swap3A_243 = arith.constant 96 : index
      %swap3A_244 = tpu.vector_load %arg6[%swap3A_242, %swap3A_243] {strides = array<i32>} : memref<27x128xi32, #tpu.memory_space<vmem>>, vector<1x16xi32>,
      %swap3A_245 = vector.shape_cast %swap3A_244 : vector<1x16xi32> to vector<16xi32>
      %swap3A_246 = vector.shape_cast %add3A_241 : vector<16xi32> to vector<1x16xi32>
      tpu.vector_store %arg6[%swap3A_242, %swap3A_243], %swap3A_246 {strides = array<i32>} : memref<27x128xi32, #tpu.memory_space<vmem>>, vector<1x16xi32>,
      %mul3A_247 = arith.constant 128 : i32
      %mul3A_248 = arith.muli %scan3A_28, %mul3A_247 : i32
      %add3A_249 = arith.constant 112 : i32
      %add3A_250 = arith.addi %mul3A_248, %add3A_249 : i32
      %add3A_251 = vector.broadcast %add3A_250 : i32 to vector<16xi32>
      %add3A_252 = arith.addi %add3A_251, %iota3A : vector<16xi32>
      %rem3A_253 = arith.constant 27 : i32
      %rem3A_254 = vector.broadcast %rem3A_253 : i32 to vector<16xi32>
      %rem3A_255 = arith.remsi %add3A_252, %rem3A_254 : vector<16xi32>
      %get3A_256 = arith.index_cast %scan3A_28 : i32 to index
      %get3A_257 = arith.constant 112 : index
      %get3A_258 = tpu.vector_load %arg6[%get3A_256, %get3A_257] {strides = array<i32>} : memref<27x128xi32, #tpu.memory_space<vmem>>, vector<1x16xi32>,
      %get3A_259 = vector.shape_cast %get3A_258 : vector<1x16xi32> to vector<16xi32>
      %shift_left3A_260 = arith.constant 3 : i32
      %shift_left3A_261 = vector.broadcast %shift_left3A_260 : i32 to vector<16xi32>
      %shift_left3A_262 = arith.shli %get3A_259, %shift_left3A_261 : vector<16xi32>
      %shift_right_logical3A_263 = arith.constant 3 : i32
      %shift_right_logical3A_264 = vector.broadcast %shift_right_logical3A_263 : i32 to vector<16xi32>
      %shift_right_logical3A_265 = arith.shrui %rem3A_255, %shift_right_logical3A_264 : vector<16xi32>
      %mul3A_266 = arith.constant 800000 : i32
      %mul3A_267 = vector.broadcast %mul3A_266 : i32 to vector<16xi32>
      %mul3A_268 = arith.muli %shift_right_logical3A_265, %mul3A_267 : vector<16xi32>
      %add3A_269 = arith.addi %shift_left3A_262, %mul3A_268 : vector<16xi32>
      %and3A_270 = arith.constant 7 : i32
      %and3A_271 = vector.broadcast %and3A_270 : i32 to vector<16xi32>
      %and3A_272 = arith.andi %rem3A_255, %and3A_271 : vector<16xi32>
      %add3A_273 = arith.addi %add3A_269, %and3A_272 : vector<16xi32>
      %swap3A_274 = arith.index_cast %scan3A_28 : i32 to index
      %swap3A_275 = arith.constant 112 : index
      %swap3A_276 = tpu.vector_load %arg6[%swap3A_274, %swap3A_275] {strides = array<i32>} : memref<27x128xi32, #tpu.memory_space<vmem>>, vector<1x16xi32>,
      %swap3A_277 = vector.shape_cast %swap3A_276 : vector<1x16xi32> to vector<16xi32>
      %swap3A_278 = vector.shape_cast %add3A_273 : vector<16xi32> to vector<1x16xi32>
      tpu.vector_store %arg6[%swap3A_274, %swap3A_275], %swap3A_278 {strides = array<i32>} : memref<27x128xi32, #tpu.memory_space<vmem>>, vector<1x16xi32>,
    }
    %scan3A_15 = arith.constant 27 : i32
    %scan3A_16 = arith.constant 0 : i32
    %scan3A_17 = arith.constant 0 : i32
    %scan3A_18 = arith.constant 27 : i32
    %scan3A_19 = arith.addi %scan3A_17, %scan3A_18 : i32
    %scan3A_20 = arith.constant 1 : i32
    scf.for %scan3A_28 = %scan3A_17 to %scan3A_19 step %scan3A_20  : i32 {
      %mul3A_29 = arith.constant 128 : i32
      %mul3A_30 = arith.muli %scan3A_28, %mul3A_29 : i32
      %dma_start3A = arith.constant 0 : i32
      %dma_start3A_31 = tpu.memref_slice %arg8[%mul3A_30, %dma_start3A] : memref<3456x16xf32, #tpu.memory_space<vmem>> -> memref<128x16xf32, #tpu.memory_space<vmem>>
      %dma_start3A_32 = arith.constant 0 : i32
      %dma_start3A_33 = tpu.memref_slice %arg6[%scan3A_28, %dma_start3A_32] : memref<27x128xi32, #tpu.memory_space<vmem>> -> memref<1x128xi32, #tpu.memory_space<vmem>>
      %dma_start3A_34 = tpu.memref_squeeze %dma_start3A_33 : memref<1x128xi32, #tpu.memory_space<vmem>> -> memref<128xi32, #tpu.memory_space<vmem>>
      %dma_start3A_35 = arith.constant 0 : i32
      %dma_start3A_36 = arith.constant 0 : i32
      %dma_start3A_37 = tpu.memref_slice %arg2[%dma_start3A_35, %dma_start3A_36] : memref<3200000x16xf32, #tpu.memory_space<hbm>> -> memref<3200000x16xf32, #tpu.memory_space<hbm>>
      tpu.enqueue_indirect_dma source(%dma_start3A_37 : memref<3200000x16xf32, #tpu.memory_space<hbm>>) target(%dma_start3A_31 : memref<128x16xf32, #tpu.memory_space<vmem>>) offsets(%dma_start3A_34 : memref<128xi32, #tpu.memory_space<vmem>>) semaphore(%arg12 : memref<!tpu.dma_semaphore, #tpu.memory_space<semaphore_mem>>)
    }
    %scan3A_21 = arith.constant 27 : i32
    %scan3A_22 = arith.constant 0 : i32
    %scan3A_23 = arith.constant 0 : i32
    %scan3A_24 = arith.constant 13 : i32
    %scan3A_25 = arith.addi %scan3A_23, %scan3A_24 : i32
    %scan3A_26 = arith.constant 1 : i32
    scf.for %scan3A_28 = %scan3A_23 to %scan3A_25 step %scan3A_26  : i32 {
      %mul3A_29 = arith.constant 2 : i32
      %mul3A_30 = arith.muli %scan3A_28, %mul3A_29 : i32
      %add3A_31 = arith.constant 1 : i32
      %add3A_32 = arith.addi %mul3A_30, %add3A_31 : i32
      %lt3A_33 = arith.cmpi slt, %add3A_32, %add3A_8 : i32
      %convert_element_type3A = arith.extui %lt3A_33 : i1 to i32
      %cond3A = arith.constant 0 : i32
      %cond3A_34 = arith.cmpi ne, %convert_element_type3A, %cond3A : i32
      scf.if %cond3A_34 {
        %add3A_49 = arith.addi %add3A_4, %add3A_32 : i32
        "tpu.region"() ({
          %run_scoped3A = tpu.sem_alloc : memref<!tpu.dma_semaphore, #tpu.memory_space<semaphore_mem>>
          %dma_start3A = arith.constant 0 : i32
          %dma_start3A_62 = arith.constant 0 : i32
          %dma_start3A_63 = tpu.memref_slice %arg3[%add3A_49, %dma_start3A, %dma_start3A_62] : memref<782x27x128xi32, #tpu.memory_space<hbm>> -> memref<1x27x128xi32, #tpu.memory_space<hbm>>
          %dma_start3A_64 = tpu.memref_squeeze %dma_start3A_63 : memref<1x27x128xi32, #tpu.memory_space<hbm>> -> memref<27x128xi32, #tpu.memory_space<hbm>>
          %dma_start3A_65 = arith.constant 0 : i32
          %dma_start3A_66 = arith.constant 0 : i32
          %dma_start3A_67 = tpu.memref_slice %arg3[%add3A_49, %dma_start3A_65, %dma_start3A_66] : memref<782x27x128xi32, #tpu.memory_space<hbm>> -> memref<1x27x128xi32, #tpu.memory_space<hbm>>
          %dma_start3A_68 = tpu.memref_squeeze %dma_start3A_67 : memref<1x27x128xi32, #tpu.memory_space<hbm>> -> memref<27x128xi32, #tpu.memory_space<hbm>>
          tpu.enqueue_dma source(%dma_start3A_68 : memref<27x128xi32, #tpu.memory_space<hbm>>) target(%arg7 : memref<27x128xi32, #tpu.memory_space<vmem>>) target_semaphore(%run_scoped3A : memref<!tpu.dma_semaphore, #tpu.memory_space<semaphore_mem>>)
          %dma_wait3A = arith.constant 0 : i32
          %dma_wait3A_69 = arith.constant 0 : i32
          %dma_wait3A_70 = tpu.memref_slice %arg3[%add3A_49, %dma_wait3A, %dma_wait3A_69] : memref<782x27x128xi32, #tpu.memory_space<hbm>> -> memref<1x27x128xi32, #tpu.memory_space<hbm>>
          %dma_wait3A_71 = tpu.memref_squeeze %dma_wait3A_70 : memref<1x27x128xi32, #tpu.memory_space<hbm>> -> memref<27x128xi32, #tpu.memory_space<hbm>>
          %dma_wait3A_72 = arith.constant 0 : i32
          %dma_wait3A_73 = arith.constant 0 : i32
          %dma_wait3A_74 = tpu.memref_slice %arg3[%add3A_49, %dma_wait3A_72, %dma_wait3A_73] : memref<782x27x128xi32, #tpu.memory_space<hbm>> -> memref<1x27x128xi32, #tpu.memory_space<hbm>>
          %dma_wait3A_75 = tpu.memref_squeeze %dma_wait3A_74 : memref<1x27x128xi32, #tpu.memory_space<hbm>> -> memref<27x128xi32, #tpu.memory_space<hbm>>
          tpu.wait_dma2 semaphore(%run_scoped3A : memref<!tpu.dma_semaphore, #tpu.memory_space<semaphore_mem>>) src(%dma_wait3A_75 : memref<27x128xi32, #tpu.memory_space<hbm>>) dst(%arg7 : memref<27x128xi32, #tpu.memory_space<vmem>>)
          tpu.yield
        }) : () -> ()
        %scan3A_50 = arith.constant 0 : i32
        %scan3A_51 = arith.constant 0 : i32
        %scan3A_52 = arith.constant 27 : i32
        %scan3A_53 = arith.addi %scan3A_51, %scan3A_52 : i32
        %scan3A_54 = arith.constant 1 : i32
        scf.for %scan3A_62 = %scan3A_51 to %scan3A_53 step %scan3A_54  : i32 {
          %mul3A_63 = arith.constant 128 : i32
          %mul3A_64 = arith.muli %scan3A_62, %mul3A_63 : i32
          %add3A_65 = arith.constant 0 : i32
          %add3A_66 = arith.addi %mul3A_64, %add3A_65 : i32
          %add3A_67 = vector.broadcast %add3A_66 : i32 to vector<16xi32>
          %add3A_68 = arith.addi %add3A_67, %iota3A : vector<16xi32>
          %rem3A = arith.constant 27 : i32
          %rem3A_69 = vector.broadcast %rem3A : i32 to vector<16xi32>
          %rem3A_70 = arith.remsi %add3A_68, %rem3A_69 : vector<16xi32>
          %get3A = arith.index_cast %scan3A_62 : i32 to index
          %get3A_71 = arith.constant 0 : index
          %get3A_72 = tpu.vector_load %arg7[%get3A, %get3A_71] {strides = array<i32>} : memref<27x128xi32, #tpu.memory_space<vmem>>, vector<1x16xi32>,
          %get3A_73 = vector.shape_cast %get3A_72 : vector<1x16xi32> to vector<16xi32>
          %shift_left3A = arith.constant 3 : i32
          %shift_left3A_74 = vector.broadcast %shift_left3A : i32 to vector<16xi32>
          %shift_left3A_75 = arith.shli %get3A_73, %shift_left3A_74 : vector<16xi32>
          %shift_right_logical3A = arith.constant 3 : i32
          %shift_right_logical3A_76 = vector.broadcast %shift_right_logical3A : i32 to vector<16xi32>
          %shift_right_logical3A_77 = arith.shrui %rem3A_70, %shift_right_logical3A_76 : vector<16xi32>
          %mul3A_78 = arith.constant 800000 : i32
          %mul3A_79 = vector.broadcast %mul3A_78 : i32 to vector<16xi32>
          %mul3A_80 = arith.muli %shift_right_logical3A_77, %mul3A_79 : vector<16xi32>
          %add3A_81 = arith.addi %shift_left3A_75, %mul3A_80 : vector<16xi32>
          %and3A = arith.constant 7 : i32
          %and3A_82 = vector.broadcast %and3A : i32 to vector<16xi32>
          %and3A_83 = arith.andi %rem3A_70, %and3A_82 : vector<16xi32>
          %add3A_84 = arith.addi %add3A_81, %and3A_83 : vector<16xi32>
          %swap3A = arith.index_cast %scan3A_62 : i32 to index
          %swap3A_85 = arith.constant 0 : index
          %swap3A_86 = tpu.vector_load %arg7[%swap3A, %swap3A_85] {strides = array<i32>} : memref<27x128xi32, #tpu.memory_space<vmem>>, vector<1x16xi32>,
          %swap3A_87 = vector.shape_cast %swap3A_86 : vector<1x16xi32> to vector<16xi32>
          %swap3A_88 = vector.shape_cast %add3A_84 : vector<16xi32> to vector<1x16xi32>
          tpu.vector_store %arg7[%swap3A, %swap3A_85], %swap3A_88 {strides = array<i32>} : memref<27x128xi32, #tpu.memory_space<vmem>>, vector<1x16xi32>,
          %mul3A_89 = arith.constant 128 : i32
          %mul3A_90 = arith.muli %scan3A_62, %mul3A_89 : i32
          %add3A_91 = arith.constant 16 : i32
          %add3A_92 = arith.addi %mul3A_90, %add3A_91 : i32
          %add3A_93 = vector.broadcast %add3A_92 : i32 to vector<16xi32>
          %add3A_94 = arith.addi %add3A_93, %iota3A : vector<16xi32>
          %rem3A_95 = arith.constant 27 : i32
          %rem3A_96 = vector.broadcast %rem3A_95 : i32 to vector<16xi32>
          %rem3A_97 = arith.remsi %add3A_94, %rem3A_96 : vector<16xi32>
          %get3A_98 = arith.index_cast %scan3A_62 : i32 to index
          %get3A_99 = arith.constant 16 : index
          %get3A_100 = tpu.vector_load %arg7[%get3A_98, %get3A_99] {strides = array<i32>} : memref<27x128xi32, #tpu.memory_space<vmem>>, vector<1x16xi32>,
          %get3A_101 = vector.shape_cast %get3A_100 : vector<1x16xi32> to vector<16xi32>
          %shift_left3A_102 = arith.constant 3 : i32
          %shift_left3A_103 = vector.broadcast %shift_left3A_102 : i32 to vector<16xi32>
          %shift_left3A_104 = arith.shli %get3A_101, %shift_left3A_103 : vector<16xi32>
          %shift_right_logical3A_105 = arith.constant 3 : i32
          %shift_right_logical3A_106 = vector.broadcast %shift_right_logical3A_105 : i32 to vector<16xi32>
          %shift_right_logical3A_107 = arith.shrui %rem3A_97, %shift_right_logical3A_106 : vector<16xi32>
          %mul3A_108 = arith.constant 800000 : i32
          %mul3A_109 = vector.broadcast %mul3A_108 : i32 to vector<16xi32>
          %mul3A_110 = arith.muli %shift_right_logical3A_107, %mul3A_109 : vector<16xi32>
          %add3A_111 = arith.addi %shift_left3A_104, %mul3A_110 : vector<16xi32>
          %and3A_112 = arith.constant 7 : i32
          %and3A_113 = vector.broadcast %and3A_112 : i32 to vector<16xi32>
          %and3A_114 = arith.andi %rem3A_97, %and3A_113 : vector<16xi32>
          %add3A_115 = arith.addi %add3A_111, %and3A_114 : vector<16xi32>
          %swap3A_116 = arith.index_cast %scan3A_62 : i32 to index
          %swap3A_117 = arith.constant 16 : index
          %swap3A_118 = tpu.vector_load %arg7[%swap3A_116, %swap3A_117] {strides = array<i32>} : memref<27x128xi32, #tpu.memory_space<vmem>>, vector<1x16xi32>,
          %swap3A_119 = vector.shape_cast %swap3A_118 : vector<1x16xi32> to vector<16xi32>
          %swap3A_120 = vector.shape_cast %add3A_115 : vector<16xi32> to vector<1x16xi32>
          tpu.vector_store %arg7[%swap3A_116, %swap3A_117], %swap3A_120 {strides = array<i32>} : memref<27x128xi32, #tpu.memory_space<vmem>>, vector<1x16xi32>,
          %mul3A_121 = arith.constant 128 : i32
          %mul3A_122 = arith.muli %scan3A_62, %mul3A_121 : i32
          %add3A_123 = arith.constant 32 : i32
          %add3A_124 = arith.addi %mul3A_122, %add3A_123 : i32
          %add3A_125 = vector.broadcast %add3A_124 : i32 to vector<16xi32>
          %add3A_126 = arith.addi %add3A_125, %iota3A : vector<16xi32>
          %rem3A_127 = arith.constant 27 : i32
          %rem3A_128 = vector.broadcast %rem3A_127 : i32 to vector<16xi32>
          %rem3A_129 = arith.remsi %add3A_126, %rem3A_128 : vector<16xi32>
          %get3A_130 = arith.index_cast %scan3A_62 : i32 to index
          %get3A_131 = arith.constant 32 : index
          %get3A_132 = tpu.vector_load %arg7[%get3A_130, %get3A_131] {strides = array<i32>} : memref<27x128xi32, #tpu.memory_space<vmem>>, vector<1x16xi32>,
          %get3A_133 = vector.shape_cast %get3A_132 : vector<1x16xi32> to vector<16xi32>
          %shift_left3A_134 = arith.constant 3 : i32
          %shift_left3A_135 = vector.broadcast %shift_left3A_134 : i32 to vector<16xi32>
          %shift_left3A_136 = arith.shli %get3A_133, %shift_left3A_135 : vector<16xi32>
          %shift_right_logical3A_137 = arith.constant 3 : i32
          %shift_right_logical3A_138 = vector.broadcast %shift_right_logical3A_137 : i32 to vector<16xi32>
          %shift_right_logical3A_139 = arith.shrui %rem3A_129, %shift_right_logical3A_138 : vector<16xi32>
          %mul3A_140 = arith.constant 800000 : i32
          %mul3A_141 = vector.broadcast %mul3A_140 : i32 to vector<16xi32>
          %mul3A_142 = arith.muli %shift_right_logical3A_139, %mul3A_141 : vector<16xi32>
          %add3A_143 = arith.addi %shift_left3A_136, %mul3A_142 : vector<16xi32>
          %and3A_144 = arith.constant 7 : i32
          %and3A_145 = vector.broadcast %and3A_144 : i32 to vector<16xi32>
          %and3A_146 = arith.andi %rem3A_129, %and3A_145 : vector<16xi32>
          %add3A_147 = arith.addi %add3A_143, %and3A_146 : vector<16xi32>
          %swap3A_148 = arith.index_cast %scan3A_62 : i32 to index
          %swap3A_149 = arith.constant 32 : index
          %swap3A_150 = tpu.vector_load %arg7[%swap3A_148, %swap3A_149] {strides = array<i32>} : memref<27x128xi32, #tpu.memory_space<vmem>>, vector<1x16xi32>,
          %swap3A_151 = vector.shape_cast %swap3A_150 : vector<1x16xi32> to vector<16xi32>
          %swap3A_152 = vector.shape_cast %add3A_147 : vector<16xi32> to vector<1x16xi32>
          tpu.vector_store %arg7[%swap3A_148, %swap3A_149], %swap3A_152 {strides = array<i32>} : memref<27x128xi32, #tpu.memory_space<vmem>>, vector<1x16xi32>,
          %mul3A_153 = arith.constant 128 : i32
          %mul3A_154 = arith.muli %scan3A_62, %mul3A_153 : i32
          %add3A_155 = arith.constant 48 : i32
          %add3A_156 = arith.addi %mul3A_154, %add3A_155 : i32
          %add3A_157 = vector.broadcast %add3A_156 : i32 to vector<16xi32>
          %add3A_158 = arith.addi %add3A_157, %iota3A : vector<16xi32>
          %rem3A_159 = arith.constant 27 : i32
          %rem3A_160 = vector.broadcast %rem3A_159 : i32 to vector<16xi32>
          %rem3A_161 = arith.remsi %add3A_158, %rem3A_160 : vector<16xi32>
          %get3A_162 = arith.index_cast %scan3A_62 : i32 to index
          %get3A_163 = arith.constant 48 : index
          %get3A_164 = tpu.vector_load %arg7[%get3A_162, %get3A_163] {strides = array<i32>} : memref<27x128xi32, #tpu.memory_space<vmem>>, vector<1x16xi32>,
          %get3A_165 = vector.shape_cast %get3A_164 : vector<1x16xi32> to vector<16xi32>
          %shift_left3A_166 = arith.constant 3 : i32
          %shift_left3A_167 = vector.broadcast %shift_left3A_166 : i32 to vector<16xi32>
          %shift_left3A_168 = arith.shli %get3A_165, %shift_left3A_167 : vector<16xi32>
          %shift_right_logical3A_169 = arith.constant 3 : i32
          %shift_right_logical3A_170 = vector.broadcast %shift_right_logical3A_169 : i32 to vector<16xi32>
          %shift_right_logical3A_171 = arith.shrui %rem3A_161, %shift_right_logical3A_170 : vector<16xi32>
          %mul3A_172 = arith.constant 800000 : i32
          %mul3A_173 = vector.broadcast %mul3A_172 : i32 to vector<16xi32>
          %mul3A_174 = arith.muli %shift_right_logical3A_171, %mul3A_173 : vector<16xi32>
          %add3A_175 = arith.addi %shift_left3A_168, %mul3A_174 : vector<16xi32>
          %and3A_176 = arith.constant 7 : i32
          %and3A_177 = vector.broadcast %and3A_176 : i32 to vector<16xi32>
          %and3A_178 = arith.andi %rem3A_161, %and3A_177 : vector<16xi32>
          %add3A_179 = arith.addi %add3A_175, %and3A_178 : vector<16xi32>
          %swap3A_180 = arith.index_cast %scan3A_62 : i32 to index
          %swap3A_181 = arith.constant 48 : index
          %swap3A_182 = tpu.vector_load %arg7[%swap3A_180, %swap3A_181] {strides = array<i32>} : memref<27x128xi32, #tpu.memory_space<vmem>>, vector<1x16xi32>,
          %swap3A_183 = vector.shape_cast %swap3A_182 : vector<1x16xi32> to vector<16xi32>
          %swap3A_184 = vector.shape_cast %add3A_179 : vector<16xi32> to vector<1x16xi32>
          tpu.vector_store %arg7[%swap3A_180, %swap3A_181], %swap3A_184 {strides = array<i32>} : memref<27x128xi32, #tpu.memory_space<vmem>>, vector<1x16xi32>,
          %mul3A_185 = arith.constant 128 : i32
          %mul3A_186 = arith.muli %scan3A_62, %mul3A_185 : i32
          %add3A_187 = arith.constant 64 : i32
          %add3A_188 = arith.addi %mul3A_186, %add3A_187 : i32
          %add3A_189 = vector.broadcast %add3A_188 : i32 to vector<16xi32>
          %add3A_190 = arith.addi %add3A_189, %iota3A : vector<16xi32>
          %rem3A_191 = arith.constant 27 : i32
          %rem3A_192 = vector.broadcast %rem3A_191 : i32 to vector<16xi32>
          %rem3A_193 = arith.remsi %add3A_190, %rem3A_192 : vector<16xi32>
          %get3A_194 = arith.index_cast %scan3A_62 : i32 to index
          %get3A_195 = arith.constant 64 : index
          %get3A_196 = tpu.vector_load %arg7[%get3A_194, %get3A_195] {strides = array<i32>} : memref<27x128xi32, #tpu.memory_space<vmem>>, vector<1x16xi32>,
          %get3A_197 = vector.shape_cast %get3A_196 : vector<1x16xi32> to vector<16xi32>
          %shift_left3A_198 = arith.constant 3 : i32
          %shift_left3A_199 = vector.broadcast %shift_left3A_198 : i32 to vector<16xi32>
          %shift_left3A_200 = arith.shli %get3A_197, %shift_left3A_199 : vector<16xi32>
          %shift_right_logical3A_201 = arith.constant 3 : i32
          %shift_right_logical3A_202 = vector.broadcast %shift_right_logical3A_201 : i32 to vector<16xi32>
          %shift_right_logical3A_203 = arith.shrui %rem3A_193, %shift_right_logical3A_202 : vector<16xi32>
          %mul3A_204 = arith.constant 800000 : i32
          %mul3A_205 = vector.broadcast %mul3A_204 : i32 to vector<16xi32>
          %mul3A_206 = arith.muli %shift_right_logical3A_203, %mul3A_205 : vector<16xi32>
          %add3A_207 = arith.addi %shift_left3A_200, %mul3A_206 : vector<16xi32>
          %and3A_208 = arith.constant 7 : i32
          %and3A_209 = vector.broadcast %and3A_208 : i32 to vector<16xi32>
          %and3A_210 = arith.andi %rem3A_193, %and3A_209 : vector<16xi32>
          %add3A_211 = arith.addi %add3A_207, %and3A_210 : vector<16xi32>
          %swap3A_212 = arith.index_cast %scan3A_62 : i32 to index
          %swap3A_213 = arith.constant 64 : index
          %swap3A_214 = tpu.vector_load %arg7[%swap3A_212, %swap3A_213] {strides = array<i32>} : memref<27x128xi32, #tpu.memory_space<vmem>>, vector<1x16xi32>,
          %swap3A_215 = vector.shape_cast %swap3A_214 : vector<1x16xi32> to vector<16xi32>
          %swap3A_216 = vector.shape_cast %add3A_211 : vector<16xi32> to vector<1x16xi32>
          tpu.vector_store %arg7[%swap3A_212, %swap3A_213], %swap3A_216 {strides = array<i32>} : memref<27x128xi32, #tpu.memory_space<vmem>>, vector<1x16xi32>,
          %mul3A_217 = arith.constant 128 : i32
          %mul3A_218 = arith.muli %scan3A_62, %mul3A_217 : i32
          %add3A_219 = arith.constant 80 : i32
          %add3A_220 = arith.addi %mul3A_218, %add3A_219 : i32
          %add3A_221 = vector.broadcast %add3A_220 : i32 to vector<16xi32>
          %add3A_222 = arith.addi %add3A_221, %iota3A : vector<16xi32>
          %rem3A_223 = arith.constant 27 : i32
          %rem3A_224 = vector.broadcast %rem3A_223 : i32 to vector<16xi32>
          %rem3A_225 = arith.remsi %add3A_222, %rem3A_224 : vector<16xi32>
          %get3A_226 = arith.index_cast %scan3A_62 : i32 to index
          %get3A_227 = arith.constant 80 : index
          %get3A_228 = tpu.vector_load %arg7[%get3A_226, %get3A_227] {strides = array<i32>} : memref<27x128xi32, #tpu.memory_space<vmem>>, vector<1x16xi32>,
          %get3A_229 = vector.shape_cast %get3A_228 : vector<1x16xi32> to vector<16xi32>
          %shift_left3A_230 = arith.constant 3 : i32
          %shift_left3A_231 = vector.broadcast %shift_left3A_230 : i32 to vector<16xi32>
          %shift_left3A_232 = arith.shli %get3A_229, %shift_left3A_231 : vector<16xi32>
          %shift_right_logical3A_233 = arith.constant 3 : i32
          %shift_right_logical3A_234 = vector.broadcast %shift_right_logical3A_233 : i32 to vector<16xi32>
          %shift_right_logical3A_235 = arith.shrui %rem3A_225, %shift_right_logical3A_234 : vector<16xi32>
          %mul3A_236 = arith.constant 800000 : i32
          %mul3A_237 = vector.broadcast %mul3A_236 : i32 to vector<16xi32>
          %mul3A_238 = arith.muli %shift_right_logical3A_235, %mul3A_237 : vector<16xi32>
          %add3A_239 = arith.addi %shift_left3A_232, %mul3A_238 : vector<16xi32>
          %and3A_240 = arith.constant 7 : i32
          %and3A_241 = vector.broadcast %and3A_240 : i32 to vector<16xi32>
          %and3A_242 = arith.andi %rem3A_225, %and3A_241 : vector<16xi32>
          %add3A_243 = arith.addi %add3A_239, %and3A_242 : vector<16xi32>
          %swap3A_244 = arith.index_cast %scan3A_62 : i32 to index
          %swap3A_245 = arith.constant 80 : index
          %swap3A_246 = tpu.vector_load %arg7[%swap3A_244, %swap3A_245] {strides = array<i32>} : memref<27x128xi32, #tpu.memory_space<vmem>>, vector<1x16xi32>,
          %swap3A_247 = vector.shape_cast %swap3A_246 : vector<1x16xi32> to vector<16xi32>
          %swap3A_248 = vector.shape_cast %add3A_243 : vector<16xi32> to vector<1x16xi32>
          tpu.vector_store %arg7[%swap3A_244, %swap3A_245], %swap3A_248 {strides = array<i32>} : memref<27x128xi32, #tpu.memory_space<vmem>>, vector<1x16xi32>,
          %mul3A_249 = arith.constant 128 : i32
          %mul3A_250 = arith.muli %scan3A_62, %mul3A_249 : i32
          %add3A_251 = arith.constant 96 : i32
          %add3A_252 = arith.addi %mul3A_250, %add3A_251 : i32
          %add3A_253 = vector.broadcast %add3A_252 : i32 to vector<16xi32>
          %add3A_254 = arith.addi %add3A_253, %iota3A : vector<16xi32>
          %rem3A_255 = arith.constant 27 : i32
          %rem3A_256 = vector.broadcast %rem3A_255 : i32 to vector<16xi32>
          %rem3A_257 = arith.remsi %add3A_254, %rem3A_256 : vector<16xi32>
          %get3A_258 = arith.index_cast %scan3A_62 : i32 to index
          %get3A_259 = arith.constant 96 : index
          %get3A_260 = tpu.vector_load %arg7[%get3A_258, %get3A_259] {strides = array<i32>} : memref<27x128xi32, #tpu.memory_space<vmem>>, vector<1x16xi32>,
          %get3A_261 = vector.shape_cast %get3A_260 : vector<1x16xi32> to vector<16xi32>
          %shift_left3A_262 = arith.constant 3 : i32
          %shift_left3A_263 = vector.broadcast %shift_left3A_262 : i32 to vector<16xi32>
          %shift_left3A_264 = arith.shli %get3A_261, %shift_left3A_263 : vector<16xi32>
          %shift_right_logical3A_265 = arith.constant 3 : i32
          %shift_right_logical3A_266 = vector.broadcast %shift_right_logical3A_265 : i32 to vector<16xi32>
          %shift_right_logical3A_267 = arith.shrui %rem3A_257, %shift_right_logical3A_266 : vector<16xi32>
          %mul3A_268 = arith.constant 800000 : i32
          %mul3A_269 = vector.broadcast %mul3A_268 : i32 to vector<16xi32>
          %mul3A_270 = arith.muli %shift_right_logical3A_267, %mul3A_269 : vector<16xi32>
          %add3A_271 = arith.addi %shift_left3A_264, %mul3A_270 : vector<16xi32>
          %and3A_272 = arith.constant 7 : i32
          %and3A_273 = vector.broadcast %and3A_272 : i32 to vector<16xi32>
          %and3A_274 = arith.andi %rem3A_257, %and3A_273 : vector<16xi32>
          %add3A_275 = arith.addi %add3A_271, %and3A_274 : vector<16xi32>
          %swap3A_276 = arith.index_cast %scan3A_62 : i32 to index
          %swap3A_277 = arith.constant 96 : index
          %swap3A_278 = tpu.vector_load %arg7[%swap3A_276, %swap3A_277] {strides = array<i32>} : memref<27x128xi32, #tpu.memory_space<vmem>>, vector<1x16xi32>,
          %swap3A_279 = vector.shape_cast %swap3A_278 : vector<1x16xi32> to vector<16xi32>
          %swap3A_280 = vector.shape_cast %add3A_275 : vector<16xi32> to vector<1x16xi32>
          tpu.vector_store %arg7[%swap3A_276, %swap3A_277], %swap3A_280 {strides = array<i32>} : memref<27x128xi32, #tpu.memory_space<vmem>>, vector<1x16xi32>,
          %mul3A_281 = arith.constant 128 : i32
          %mul3A_282 = arith.muli %scan3A_62, %mul3A_281 : i32
          %add3A_283 = arith.constant 112 : i32
          %add3A_284 = arith.addi %mul3A_282, %add3A_283 : i32
          %add3A_285 = vector.broadcast %add3A_284 : i32 to vector<16xi32>
          %add3A_286 = arith.addi %add3A_285, %iota3A : vector<16xi32>
          %rem3A_287 = arith.constant 27 : i32
          %rem3A_288 = vector.broadcast %rem3A_287 : i32 to vector<16xi32>
          %rem3A_289 = arith.remsi %add3A_286, %rem3A_288 : vector<16xi32>
          %get3A_290 = arith.index_cast %scan3A_62 : i32 to index
          %get3A_291 = arith.constant 112 : index
          %get3A_292 = tpu.vector_load %arg7[%get3A_290, %get3A_291] {strides = array<i32>} : memref<27x128xi32, #tpu.memory_space<vmem>>, vector<1x16xi32>,
          %get3A_293 = vector.shape_cast %get3A_292 : vector<1x16xi32> to vector<16xi32>
          %shift_left3A_294 = arith.constant 3 : i32
          %shift_left3A_295 = vector.broadcast %shift_left3A_294 : i32 to vector<16xi32>
          %shift_left3A_296 = arith.shli %get3A_293, %shift_left3A_295 : vector<16xi32>
          %shift_right_logical3A_297 = arith.constant 3 : i32
          %shift_right_logical3A_298 = vector.broadcast %shift_right_logical3A_297 : i32 to vector<16xi32>
          %shift_right_logical3A_299 = arith.shrui %rem3A_289, %shift_right_logical3A_298 : vector<16xi32>
          %mul3A_300 = arith.constant 800000 : i32
          %mul3A_301 = vector.broadcast %mul3A_300 : i32 to vector<16xi32>
          %mul3A_302 = arith.muli %shift_right_logical3A_299, %mul3A_301 : vector<16xi32>
          %add3A_303 = arith.addi %shift_left3A_296, %mul3A_302 : vector<16xi32>
          %and3A_304 = arith.constant 7 : i32
          %and3A_305 = vector.broadcast %and3A_304 : i32 to vector<16xi32>
          %and3A_306 = arith.andi %rem3A_289, %and3A_305 : vector<16xi32>
          %add3A_307 = arith.addi %add3A_303, %and3A_306 : vector<16xi32>
          %swap3A_308 = arith.index_cast %scan3A_62 : i32 to index
          %swap3A_309 = arith.constant 112 : index
          %swap3A_310 = tpu.vector_load %arg7[%swap3A_308, %swap3A_309] {strides = array<i32>} : memref<27x128xi32, #tpu.memory_space<vmem>>, vector<1x16xi32>,
          %swap3A_311 = vector.shape_cast %swap3A_310 : vector<1x16xi32> to vector<16xi32>
          %swap3A_312 = vector.shape_cast %add3A_307 : vector<16xi32> to vector<1x16xi32>
          tpu.vector_store %arg7[%swap3A_308, %swap3A_309], %swap3A_312 {strides = array<i32>} : memref<27x128xi32, #tpu.memory_space<vmem>>, vector<1x16xi32>,
        }
        %scan3A_55 = arith.constant 27 : i32
        %scan3A_56 = arith.constant 0 : i32
        %scan3A_57 = arith.constant 0 : i32
        %scan3A_58 = arith.constant 27 : i32
        %scan3A_59 = arith.addi %scan3A_57, %scan3A_58 : i32
        %scan3A_60 = arith.constant 1 : i32
        scf.for %scan3A_62 = %scan3A_57 to %scan3A_59 step %scan3A_60  : i32 {
          %mul3A_63 = arith.constant 128 : i32
          %mul3A_64 = arith.muli %scan3A_62, %mul3A_63 : i32
          %dma_start3A = arith.constant 0 : i32
          %dma_start3A_65 = tpu.memref_slice %arg9[%mul3A_64, %dma_start3A] : memref<3456x16xf32, #tpu.memory_space<vmem>> -> memref<128x16xf32, #tpu.memory_space<vmem>>
          %dma_start3A_66 = arith.constant 0 : i32
          %dma_start3A_67 = tpu.memref_slice %arg7[%scan3A_62, %dma_start3A_66] : memref<27x128xi32, #tpu.memory_space<vmem>> -> memref<1x128xi32, #tpu.memory_space<vmem>>
          %dma_start3A_68 = tpu.memref_squeeze %dma_start3A_67 : memref<1x128xi32, #tpu.memory_space<vmem>> -> memref<128xi32, #tpu.memory_space<vmem>>
          %dma_start3A_69 = arith.constant 0 : i32
          %dma_start3A_70 = arith.constant 0 : i32
          %dma_start3A_71 = tpu.memref_slice %arg2[%dma_start3A_69, %dma_start3A_70] : memref<3200000x16xf32, #tpu.memory_space<hbm>> -> memref<3200000x16xf32, #tpu.memory_space<hbm>>
          tpu.enqueue_indirect_dma source(%dma_start3A_71 : memref<3200000x16xf32, #tpu.memory_space<hbm>>) target(%dma_start3A_65 : memref<128x16xf32, #tpu.memory_space<vmem>>) offsets(%dma_start3A_68 : memref<128xi32, #tpu.memory_space<vmem>>) semaphore(%arg13 : memref<!tpu.dma_semaphore, #tpu.memory_space<semaphore_mem>>)
        }
        %scan3A_61 = arith.constant 27 : i32
      } else {
      }
      %lt3A_35 = arith.cmpi slt, %mul3A_30, %add3A_8 : i32
      %convert_element_type3A_36 = arith.extui %lt3A_35 : i1 to i32
      %cond3A_37 = arith.constant 0 : i32
      %cond3A_38 = arith.cmpi ne, %convert_element_type3A_36, %cond3A_37 : i32
      scf.if %cond3A_38 {
        %add3A_49 = arith.addi %add3A_4, %mul3A_30 : i32
        %dma_wait3A = arith.constant 0 : i32
        %dma_wait3A_50 = arith.constant 0 : i32
        %dma_wait3A_51 = tpu.memref_slice %arg2[%dma_wait3A, %dma_wait3A_50] : memref<3200000x16xf32, #tpu.memory_space<hbm>> -> memref<3456x16xf32, #tpu.memory_space<hbm>>
        %dma_wait3A_52 = arith.constant 0 : i32
        %dma_wait3A_53 = arith.constant 0 : i32
        %dma_wait3A_54 = tpu.memref_slice %arg2[%dma_wait3A_52, %dma_wait3A_53] : memref<3200000x16xf32, #tpu.memory_space<hbm>> -> memref<3456x16xf32, #tpu.memory_space<hbm>>
        tpu.wait_dma2 semaphore(%arg12 : memref<!tpu.dma_semaphore, #tpu.memory_space<semaphore_mem>>) src(%dma_wait3A_54 : memref<3456x16xf32, #tpu.memory_space<hbm>>) dst(%arg8 : memref<3456x16xf32, #tpu.memory_space<vmem>>)
        %scan3A_55 = arith.constant 0 : i32
        %scan3A_56 = arith.constant 0 : i32
        %scan3A_57 = arith.constant 128 : i32
        %scan3A_58 = arith.addi %scan3A_56, %scan3A_57 : i32
        %scan3A_59 = arith.constant 1 : i32
        scf.for %scan3A_70 = %scan3A_56 to %scan3A_58 step %scan3A_59  : i32 {
          %mul3A_71 = arith.constant 27 : i32
          %mul3A_72 = arith.muli %scan3A_70, %mul3A_71 : i32
          %get3A = arith.constant 0 : index
          %get3A_73 = tpu.vector_load %arg11[%get3A] {strides = array<i32>} : memref<16xf32, #tpu.memory_space<vmem>>, vector<16xf32>,
          %get3A_74 = vector.shape_cast %get3A_73 : vector<16xf32> to vector<16xf32>
          %get3A_75 = arith.index_cast %mul3A_72 : i32 to index
          %get3A_76 = arith.constant 0 : index
          %get3A_77 = tpu.vector_load %arg8[%get3A_75, %get3A_76] {strides = array<i32>} : memref<3456x16xf32, #tpu.memory_space<vmem>>, vector<1x16xf32>,
          %get3A_78 = vector.shape_cast %get3A_77 : vector<1x16xf32> to vector<16xf32>
          %add3A_79 = arith.addf %get3A_74, %get3A_78 : vector<16xf32>
          %add3A_80 = arith.constant 1 : i32
          %add3A_81 = arith.addi %mul3A_72, %add3A_80 : i32
          %get3A_82 = arith.index_cast %add3A_81 : i32 to index
          %get3A_83 = arith.constant 0 : index
          %get3A_84 = tpu.vector_load %arg8[%get3A_82, %get3A_83] {strides = array<i32>} : memref<3456x16xf32, #tpu.memory_space<vmem>>, vector<1x16xf32>,
          %get3A_85 = vector.shape_cast %get3A_84 : vector<1x16xf32> to vector<16xf32>
          %add3A_86 = arith.addf %add3A_79, %get3A_85 : vector<16xf32>
          %add3A_87 = arith.constant 2 : i32
          %add3A_88 = arith.addi %mul3A_72, %add3A_87 : i32
          %get3A_89 = arith.index_cast %add3A_88 : i32 to index
          %get3A_90 = arith.constant 0 : index
          %get3A_91 = tpu.vector_load %arg8[%get3A_89, %get3A_90] {strides = array<i32>} : memref<3456x16xf32, #tpu.memory_space<vmem>>, vector<1x16xf32>,
          %get3A_92 = vector.shape_cast %get3A_91 : vector<1x16xf32> to vector<16xf32>
          %add3A_93 = arith.addf %add3A_86, %get3A_92 : vector<16xf32>
          %add3A_94 = arith.constant 3 : i32
          %add3A_95 = arith.addi %mul3A_72, %add3A_94 : i32
          %get3A_96 = arith.index_cast %add3A_95 : i32 to index
          %get3A_97 = arith.constant 0 : index
          %get3A_98 = tpu.vector_load %arg8[%get3A_96, %get3A_97] {strides = array<i32>} : memref<3456x16xf32, #tpu.memory_space<vmem>>, vector<1x16xf32>,
          %get3A_99 = vector.shape_cast %get3A_98 : vector<1x16xf32> to vector<16xf32>
          %add3A_100 = arith.addf %add3A_93, %get3A_99 : vector<16xf32>
          %add3A_101 = arith.constant 4 : i32
          %add3A_102 = arith.addi %mul3A_72, %add3A_101 : i32
          %get3A_103 = arith.index_cast %add3A_102 : i32 to index
          %get3A_104 = arith.constant 0 : index
          %get3A_105 = tpu.vector_load %arg8[%get3A_103, %get3A_104] {strides = array<i32>} : memref<3456x16xf32, #tpu.memory_space<vmem>>, vector<1x16xf32>,
          %get3A_106 = vector.shape_cast %get3A_105 : vector<1x16xf32> to vector<16xf32>
          %add3A_107 = arith.addf %add3A_100, %get3A_106 : vector<16xf32>
          %add3A_108 = arith.constant 5 : i32
          %add3A_109 = arith.addi %mul3A_72, %add3A_108 : i32
          %get3A_110 = arith.index_cast %add3A_109 : i32 to index
          %get3A_111 = arith.constant 0 : index
          %get3A_112 = tpu.vector_load %arg8[%get3A_110, %get3A_111] {strides = array<i32>} : memref<3456x16xf32, #tpu.memory_space<vmem>>, vector<1x16xf32>,
          %get3A_113 = vector.shape_cast %get3A_112 : vector<1x16xf32> to vector<16xf32>
          %add3A_114 = arith.addf %add3A_107, %get3A_113 : vector<16xf32>
          %add3A_115 = arith.constant 6 : i32
          %add3A_116 = arith.addi %mul3A_72, %add3A_115 : i32
          %get3A_117 = arith.index_cast %add3A_116 : i32 to index
          %get3A_118 = arith.constant 0 : index
          %get3A_119 = tpu.vector_load %arg8[%get3A_117, %get3A_118] {strides = array<i32>} : memref<3456x16xf32, #tpu.memory_space<vmem>>, vector<1x16xf32>,
          %get3A_120 = vector.shape_cast %get3A_119 : vector<1x16xf32> to vector<16xf32>
          %add3A_121 = arith.addf %add3A_114, %get3A_120 : vector<16xf32>
          %add3A_122 = arith.constant 7 : i32
          %add3A_123 = arith.addi %mul3A_72, %add3A_122 : i32
          %get3A_124 = arith.index_cast %add3A_123 : i32 to index
          %get3A_125 = arith.constant 0 : index
          %get3A_126 = tpu.vector_load %arg8[%get3A_124, %get3A_125] {strides = array<i32>} : memref<3456x16xf32, #tpu.memory_space<vmem>>, vector<1x16xf32>,
          %get3A_127 = vector.shape_cast %get3A_126 : vector<1x16xf32> to vector<16xf32>
          %add3A_128 = arith.addf %add3A_121, %get3A_127 : vector<16xf32>
          %add3A_129 = arith.constant 8 : i32
          %add3A_130 = arith.addi %mul3A_72, %add3A_129 : i32
          %get3A_131 = arith.index_cast %add3A_130 : i32 to index
          %get3A_132 = arith.constant 0 : index
          %get3A_133 = tpu.vector_load %arg8[%get3A_131, %get3A_132] {strides = array<i32>} : memref<3456x16xf32, #tpu.memory_space<vmem>>, vector<1x16xf32>,
          %get3A_134 = vector.shape_cast %get3A_133 : vector<1x16xf32> to vector<16xf32>
          %add3A_135 = arith.addf %add3A_128, %get3A_134 : vector<16xf32>
          %add3A_136 = arith.constant 9 : i32
          %add3A_137 = arith.addi %mul3A_72, %add3A_136 : i32
          %get3A_138 = arith.index_cast %add3A_137 : i32 to index
          %get3A_139 = arith.constant 0 : index
          %get3A_140 = tpu.vector_load %arg8[%get3A_138, %get3A_139] {strides = array<i32>} : memref<3456x16xf32, #tpu.memory_space<vmem>>, vector<1x16xf32>,
          %get3A_141 = vector.shape_cast %get3A_140 : vector<1x16xf32> to vector<16xf32>
          %add3A_142 = arith.addf %add3A_135, %get3A_141 : vector<16xf32>
          %add3A_143 = arith.constant 10 : i32
          %add3A_144 = arith.addi %mul3A_72, %add3A_143 : i32
          %get3A_145 = arith.index_cast %add3A_144 : i32 to index
          %get3A_146 = arith.constant 0 : index
          %get3A_147 = tpu.vector_load %arg8[%get3A_145, %get3A_146] {strides = array<i32>} : memref<3456x16xf32, #tpu.memory_space<vmem>>, vector<1x16xf32>,
          %get3A_148 = vector.shape_cast %get3A_147 : vector<1x16xf32> to vector<16xf32>
          %add3A_149 = arith.addf %add3A_142, %get3A_148 : vector<16xf32>
          %add3A_150 = arith.constant 11 : i32
          %add3A_151 = arith.addi %mul3A_72, %add3A_150 : i32
          %get3A_152 = arith.index_cast %add3A_151 : i32 to index
          %get3A_153 = arith.constant 0 : index
          %get3A_154 = tpu.vector_load %arg8[%get3A_152, %get3A_153] {strides = array<i32>} : memref<3456x16xf32, #tpu.memory_space<vmem>>, vector<1x16xf32>,
          %get3A_155 = vector.shape_cast %get3A_154 : vector<1x16xf32> to vector<16xf32>
          %add3A_156 = arith.addf %add3A_149, %get3A_155 : vector<16xf32>
          %add3A_157 = arith.constant 12 : i32
          %add3A_158 = arith.addi %mul3A_72, %add3A_157 : i32
          %get3A_159 = arith.index_cast %add3A_158 : i32 to index
          %get3A_160 = arith.constant 0 : index
          %get3A_161 = tpu.vector_load %arg8[%get3A_159, %get3A_160] {strides = array<i32>} : memref<3456x16xf32, #tpu.memory_space<vmem>>, vector<1x16xf32>,
          %get3A_162 = vector.shape_cast %get3A_161 : vector<1x16xf32> to vector<16xf32>
          %add3A_163 = arith.addf %add3A_156, %get3A_162 : vector<16xf32>
          %add3A_164 = arith.constant 13 : i32
          %add3A_165 = arith.addi %mul3A_72, %add3A_164 : i32
          %get3A_166 = arith.index_cast %add3A_165 : i32 to index
          %get3A_167 = arith.constant 0 : index
          %get3A_168 = tpu.vector_load %arg8[%get3A_166, %get3A_167] {strides = array<i32>} : memref<3456x16xf32, #tpu.memory_space<vmem>>, vector<1x16xf32>,
          %get3A_169 = vector.shape_cast %get3A_168 : vector<1x16xf32> to vector<16xf32>
          %add3A_170 = arith.addf %add3A_163, %get3A_169 : vector<16xf32>
          %add3A_171 = arith.constant 14 : i32
          %add3A_172 = arith.addi %mul3A_72, %add3A_171 : i32
          %get3A_173 = arith.index_cast %add3A_172 : i32 to index
          %get3A_174 = arith.constant 0 : index
          %get3A_175 = tpu.vector_load %arg8[%get3A_173, %get3A_174] {strides = array<i32>} : memref<3456x16xf32, #tpu.memory_space<vmem>>, vector<1x16xf32>,
          %get3A_176 = vector.shape_cast %get3A_175 : vector<1x16xf32> to vector<16xf32>
          %add3A_177 = arith.addf %add3A_170, %get3A_176 : vector<16xf32>
          %add3A_178 = arith.constant 15 : i32
          %add3A_179 = arith.addi %mul3A_72, %add3A_178 : i32
          %get3A_180 = arith.index_cast %add3A_179 : i32 to index
          %get3A_181 = arith.constant 0 : index
          %get3A_182 = tpu.vector_load %arg8[%get3A_180, %get3A_181] {strides = array<i32>} : memref<3456x16xf32, #tpu.memory_space<vmem>>, vector<1x16xf32>,
          %get3A_183 = vector.shape_cast %get3A_182 : vector<1x16xf32> to vector<16xf32>
          %add3A_184 = arith.addf %add3A_177, %get3A_183 : vector<16xf32>
          %add3A_185 = arith.constant 16 : i32
          %add3A_186 = arith.addi %mul3A_72, %add3A_185 : i32
          %get3A_187 = arith.index_cast %add3A_186 : i32 to index
          %get3A_188 = arith.constant 0 : index
          %get3A_189 = tpu.vector_load %arg8[%get3A_187, %get3A_188] {strides = array<i32>} : memref<3456x16xf32, #tpu.memory_space<vmem>>, vector<1x16xf32>,
          %get3A_190 = vector.shape_cast %get3A_189 : vector<1x16xf32> to vector<16xf32>
          %add3A_191 = arith.addf %add3A_184, %get3A_190 : vector<16xf32>
          %add3A_192 = arith.constant 17 : i32
          %add3A_193 = arith.addi %mul3A_72, %add3A_192 : i32
          %get3A_194 = arith.index_cast %add3A_193 : i32 to index
          %get3A_195 = arith.constant 0 : index
          %get3A_196 = tpu.vector_load %arg8[%get3A_194, %get3A_195] {strides = array<i32>} : memref<3456x16xf32, #tpu.memory_space<vmem>>, vector<1x16xf32>,
          %get3A_197 = vector.shape_cast %get3A_196 : vector<1x16xf32> to vector<16xf32>
          %add3A_198 = arith.addf %add3A_191, %get3A_197 : vector<16xf32>
          %add3A_199 = arith.constant 18 : i32
          %add3A_200 = arith.addi %mul3A_72, %add3A_199 : i32
          %get3A_201 = arith.index_cast %add3A_200 : i32 to index
          %get3A_202 = arith.constant 0 : index
          %get3A_203 = tpu.vector_load %arg8[%get3A_201, %get3A_202] {strides = array<i32>} : memref<3456x16xf32, #tpu.memory_space<vmem>>, vector<1x16xf32>,
          %get3A_204 = vector.shape_cast %get3A_203 : vector<1x16xf32> to vector<16xf32>
          %add3A_205 = arith.addf %add3A_198, %get3A_204 : vector<16xf32>
          %add3A_206 = arith.constant 19 : i32
          %add3A_207 = arith.addi %mul3A_72, %add3A_206 : i32
          %get3A_208 = arith.index_cast %add3A_207 : i32 to index
          %get3A_209 = arith.constant 0 : index
          %get3A_210 = tpu.vector_load %arg8[%get3A_208, %get3A_209] {strides = array<i32>} : memref<3456x16xf32, #tpu.memory_space<vmem>>, vector<1x16xf32>,
          %get3A_211 = vector.shape_cast %get3A_210 : vector<1x16xf32> to vector<16xf32>
          %add3A_212 = arith.addf %add3A_205, %get3A_211 : vector<16xf32>
          %add3A_213 = arith.constant 20 : i32
          %add3A_214 = arith.addi %mul3A_72, %add3A_213 : i32
          %get3A_215 = arith.index_cast %add3A_214 : i32 to index
          %get3A_216 = arith.constant 0 : index
          %get3A_217 = tpu.vector_load %arg8[%get3A_215, %get3A_216] {strides = array<i32>} : memref<3456x16xf32, #tpu.memory_space<vmem>>, vector<1x16xf32>,
          %get3A_218 = vector.shape_cast %get3A_217 : vector<1x16xf32> to vector<16xf32>
          %add3A_219 = arith.addf %add3A_212, %get3A_218 : vector<16xf32>
          %add3A_220 = arith.constant 21 : i32
          %add3A_221 = arith.addi %mul3A_72, %add3A_220 : i32
          %get3A_222 = arith.index_cast %add3A_221 : i32 to index
          %get3A_223 = arith.constant 0 : index
          %get3A_224 = tpu.vector_load %arg8[%get3A_222, %get3A_223] {strides = array<i32>} : memref<3456x16xf32, #tpu.memory_space<vmem>>, vector<1x16xf32>,
          %get3A_225 = vector.shape_cast %get3A_224 : vector<1x16xf32> to vector<16xf32>
          %add3A_226 = arith.addf %add3A_219, %get3A_225 : vector<16xf32>
          %add3A_227 = arith.constant 22 : i32
          %add3A_228 = arith.addi %mul3A_72, %add3A_227 : i32
          %get3A_229 = arith.index_cast %add3A_228 : i32 to index
          %get3A_230 = arith.constant 0 : index
          %get3A_231 = tpu.vector_load %arg8[%get3A_229, %get3A_230] {strides = array<i32>} : memref<3456x16xf32, #tpu.memory_space<vmem>>, vector<1x16xf32>,
          %get3A_232 = vector.shape_cast %get3A_231 : vector<1x16xf32> to vector<16xf32>
          %add3A_233 = arith.addf %add3A_226, %get3A_232 : vector<16xf32>
          %add3A_234 = arith.constant 23 : i32
          %add3A_235 = arith.addi %mul3A_72, %add3A_234 : i32
          %get3A_236 = arith.index_cast %add3A_235 : i32 to index
          %get3A_237 = arith.constant 0 : index
          %get3A_238 = tpu.vector_load %arg8[%get3A_236, %get3A_237] {strides = array<i32>} : memref<3456x16xf32, #tpu.memory_space<vmem>>, vector<1x16xf32>,
          %get3A_239 = vector.shape_cast %get3A_238 : vector<1x16xf32> to vector<16xf32>
          %add3A_240 = arith.addf %add3A_233, %get3A_239 : vector<16xf32>
          %add3A_241 = arith.constant 24 : i32
          %add3A_242 = arith.addi %mul3A_72, %add3A_241 : i32
          %get3A_243 = arith.index_cast %add3A_242 : i32 to index
          %get3A_244 = arith.constant 0 : index
          %get3A_245 = tpu.vector_load %arg8[%get3A_243, %get3A_244] {strides = array<i32>} : memref<3456x16xf32, #tpu.memory_space<vmem>>, vector<1x16xf32>,
          %get3A_246 = vector.shape_cast %get3A_245 : vector<1x16xf32> to vector<16xf32>
          %add3A_247 = arith.addf %add3A_240, %get3A_246 : vector<16xf32>
          %add3A_248 = arith.constant 25 : i32
          %add3A_249 = arith.addi %mul3A_72, %add3A_248 : i32
          %get3A_250 = arith.index_cast %add3A_249 : i32 to index
          %get3A_251 = arith.constant 0 : index
          %get3A_252 = tpu.vector_load %arg8[%get3A_250, %get3A_251] {strides = array<i32>} : memref<3456x16xf32, #tpu.memory_space<vmem>>, vector<1x16xf32>,
          %get3A_253 = vector.shape_cast %get3A_252 : vector<1x16xf32> to vector<16xf32>
          %add3A_254 = arith.addf %add3A_247, %get3A_253 : vector<16xf32>
          %add3A_255 = arith.constant 26 : i32
          %add3A_256 = arith.addi %mul3A_72, %add3A_255 : i32
          %get3A_257 = arith.index_cast %add3A_256 : i32 to index
          %get3A_258 = arith.constant 0 : index
          %get3A_259 = tpu.vector_load %arg8[%get3A_257, %get3A_258] {strides = array<i32>} : memref<3456x16xf32, #tpu.memory_space<vmem>>, vector<1x16xf32>,
          %get3A_260 = vector.shape_cast %get3A_259 : vector<1x16xf32> to vector<16xf32>
          %add3A_261 = arith.addf %add3A_254, %get3A_260 : vector<16xf32>
          %shift_right_logical3A = arith.constant 3 : i32
          %shift_right_logical3A_262 = arith.shrui %scan3A_70, %shift_right_logical3A : i32
          %and3A = arith.constant 7 : i32
          %and3A_263 = arith.andi %scan3A_70, %and3A : i32
          %mul3A_264 = arith.constant 16 : i32
          %mul3A_265 = arith.muli %and3A_263, %mul3A_264 : i32
          %swap3A = arith.index_cast %shift_right_logical3A_262 : i32 to index
          %swap3A_266 = arith.index_cast %mul3A_265 : i32 to index
          %swap3A_267 = tpu.vector_load %arg10[%swap3A, %swap3A_266] {strides = array<i32>} : memref<16x128xf32, #tpu.memory_space<vmem>>, vector<1x16xf32>,
          %swap3A_268 = vector.shape_cast %swap3A_267 : vector<1x16xf32> to vector<16xf32>
          %swap3A_269 = vector.shape_cast %add3A_261 : vector<16xf32> to vector<1x16xf32>
          tpu.vector_store %arg10[%swap3A, %swap3A_266], %swap3A_269 {strides = array<i32>} : memref<16x128xf32, #tpu.memory_space<vmem>>, vector<1x16xf32>,
        }
        %scan3A_60 = arith.constant 128 : i32
        %lt3A_61 = arith.constant 781 : i32
        %lt3A_62 = arith.cmpi slt, %add3A_49, %lt3A_61 : i32
        %convert_element_type3A_63 = arith.extui %lt3A_62 : i1 to i32
        %cond3A_64 = arith.constant 0 : i32
        %cond3A_65 = arith.cmpi ne, %convert_element_type3A_63, %cond3A_64 : i32
        scf.if %cond3A_65 {
          %mul3A_70 = arith.constant 16 : i32
          %mul3A_71 = arith.muli %add3A_49, %mul3A_70 : i32
          "tpu.region"() ({
            %run_scoped3A = tpu.sem_alloc : memref<!tpu.dma_semaphore, #tpu.memory_space<semaphore_mem>>
            %dma_start3A = arith.constant 0 : i32
            %dma_start3A_72 = tpu.memref_slice %arg5[%mul3A_71, %dma_start3A] : memref<12504x128xf32, #tpu.memory_space<hbm>> -> memref<16x128xf32, #tpu.memory_space<hbm>>
            %dma_start3A_73 = arith.constant 0 : i32
            %dma_start3A_74 = tpu.memref_slice %arg5[%mul3A_71, %dma_start3A_73] : memref<12504x128xf32, #tpu.memory_space<hbm>> -> memref<16x128xf32, #tpu.memory_space<hbm>>
            tpu.enqueue_dma source(%arg10 : memref<16x128xf32, #tpu.memory_space<vmem>>) target(%dma_start3A_74 : memref<16x128xf32, #tpu.memory_space<hbm>>) target_semaphore(%run_scoped3A : memref<!tpu.dma_semaphore, #tpu.memory_space<semaphore_mem>>)
            %dma_wait3A_75 = arith.constant 0 : i32
            %dma_wait3A_76 = tpu.memref_slice %arg5[%mul3A_71, %dma_wait3A_75] : memref<12504x128xf32, #tpu.memory_space<hbm>> -> memref<16x128xf32, #tpu.memory_space<hbm>>
            %dma_wait3A_77 = arith.constant 0 : i32
            %dma_wait3A_78 = tpu.memref_slice %arg5[%mul3A_71, %dma_wait3A_77] : memref<12504x128xf32, #tpu.memory_space<hbm>> -> memref<16x128xf32, #tpu.memory_space<hbm>>
            tpu.wait_dma2 semaphore(%run_scoped3A : memref<!tpu.dma_semaphore, #tpu.memory_space<semaphore_mem>>) src(%arg10 : memref<16x128xf32, #tpu.memory_space<vmem>>) dst(%dma_wait3A_78 : memref<16x128xf32, #tpu.memory_space<hbm>>)
            tpu.yield
          }) : () -> ()
        } else {
        }
        %eq3A = arith.constant 781 : i32
        %eq3A_66 = arith.cmpi eq, %add3A_49, %eq3A : i32
        %convert_element_type3A_67 = arith.extui %eq3A_66 : i1 to i32
        %cond3A_68 = arith.constant 0 : i32
        %cond3A_69 = arith.cmpi ne, %convert_element_type3A_67, %cond3A_68 : i32
        scf.if %cond3A_69 {
          %mul3A_70 = arith.constant 16 : i32
          %mul3A_71 = arith.muli %add3A_49, %mul3A_70 : i32
          "tpu.region"() ({
            %run_scoped3A = tpu.sem_alloc : memref<!tpu.dma_semaphore, #tpu.memory_space<semaphore_mem>>
            %dma_start3A = arith.constant 0 : i32
            %dma_start3A_72 = arith.constant 0 : i32
            %dma_start3A_73 = tpu.memref_slice %arg10[%dma_start3A, %dma_start3A_72] : memref<16x128xf32, #tpu.memory_space<vmem>> -> memref<4x128xf32, #tpu.memory_space<vmem>>
            %dma_start3A_74 = arith.constant 0 : i32
            %dma_start3A_75 = tpu.memref_slice %arg5[%mul3A_71, %dma_start3A_74] : memref<12504x128xf32, #tpu.memory_space<hbm>> -> memref<4x128xf32, #tpu.memory_space<hbm>>
            %dma_start3A_76 = arith.constant 0 : i32
            %dma_start3A_77 = tpu.memref_slice %arg5[%mul3A_71, %dma_start3A_76] : memref<12504x128xf32, #tpu.memory_space<hbm>> -> memref<4x128xf32, #tpu.memory_space<hbm>>
            %dma_start3A_78 = arith.constant 0 : i32
            %dma_start3A_79 = arith.constant 0 : i32
            %dma_start3A_80 = tpu.memref_slice %arg10[%dma_start3A_78, %dma_start3A_79] : memref<16x128xf32, #tpu.memory_space<vmem>> -> memref<4x128xf32, #tpu.memory_space<vmem>>
            tpu.enqueue_dma source(%dma_start3A_80 : memref<4x128xf32, #tpu.memory_space<vmem>>) target(%dma_start3A_77 : memref<4x128xf32, #tpu.memory_space<hbm>>) target_semaphore(%run_scoped3A : memref<!tpu.dma_semaphore, #tpu.memory_space<semaphore_mem>>)
            %dma_wait3A_81 = arith.constant 0 : i32
            %dma_wait3A_82 = arith.constant 0 : i32
            %dma_wait3A_83 = tpu.memref_slice %arg10[%dma_wait3A_81, %dma_wait3A_82] : memref<16x128xf32, #tpu.memory_space<vmem>> -> memref<4x128xf32, #tpu.memory_space<vmem>>
            %dma_wait3A_84 = arith.constant 0 : i32
            %dma_wait3A_85 = tpu.memref_slice %arg5[%mul3A_71, %dma_wait3A_84] : memref<12504x128xf32, #tpu.memory_space<hbm>> -> memref<4x128xf32, #tpu.memory_space<hbm>>
            %dma_wait3A_86 = arith.constant 0 : i32
            %dma_wait3A_87 = tpu.memref_slice %arg5[%mul3A_71, %dma_wait3A_86] : memref<12504x128xf32, #tpu.memory_space<hbm>> -> memref<4x128xf32, #tpu.memory_space<hbm>>
            %dma_wait3A_88 = arith.constant 0 : i32
            %dma_wait3A_89 = arith.constant 0 : i32
            %dma_wait3A_90 = tpu.memref_slice %arg10[%dma_wait3A_88, %dma_wait3A_89] : memref<16x128xf32, #tpu.memory_space<vmem>> -> memref<4x128xf32, #tpu.memory_space<vmem>>
            tpu.wait_dma2 semaphore(%run_scoped3A : memref<!tpu.dma_semaphore, #tpu.memory_space<semaphore_mem>>) src(%dma_wait3A_90 : memref<4x128xf32, #tpu.memory_space<vmem>>) dst(%dma_wait3A_87 : memref<4x128xf32, #tpu.memory_space<hbm>>)
            tpu.yield
          }) : () -> ()
        } else {
        }
      } else {
      }
      %add3A_39 = arith.constant 1 : i32
      %add3A_40 = arith.addi %add3A_32, %add3A_39 : i32
      %lt3A_41 = arith.cmpi slt, %add3A_40, %add3A_8 : i32
      %convert_element_type3A_42 = arith.extui %lt3A_41 : i1 to i32
      %cond3A_43 = arith.constant 0 : i32
      %cond3A_44 = arith.cmpi ne, %convert_element_type3A_42, %cond3A_43 : i32
      scf.if %cond3A_44 {
        %add3A_49 = arith.constant 1 : i32
        %add3A_50 = arith.addi %add3A_32, %add3A_49 : i32
        %add3A_51 = arith.addi %add3A_4, %add3A_50 : i32
        "tpu.region"() ({
          %run_scoped3A = tpu.sem_alloc : memref<!tpu.dma_semaphore, #tpu.memory_space<semaphore_mem>>
          %dma_start3A = arith.constant 0 : i32
          %dma_start3A_64 = arith.constant 0 : i32
          %dma_start3A_65 = tpu.memref_slice %arg3[%add3A_51, %dma_start3A, %dma_start3A_64] : memref<782x27x128xi32, #tpu.memory_space<hbm>> -> memref<1x27x128xi32, #tpu.memory_space<hbm>>
          %dma_start3A_66 = tpu.memref_squeeze %dma_start3A_65 : memref<1x27x128xi32, #tpu.memory_space<hbm>> -> memref<27x128xi32, #tpu.memory_space<hbm>>
          %dma_start3A_67 = arith.constant 0 : i32
          %dma_start3A_68 = arith.constant 0 : i32
          %dma_start3A_69 = tpu.memref_slice %arg3[%add3A_51, %dma_start3A_67, %dma_start3A_68] : memref<782x27x128xi32, #tpu.memory_space<hbm>> -> memref<1x27x128xi32, #tpu.memory_space<hbm>>
          %dma_start3A_70 = tpu.memref_squeeze %dma_start3A_69 : memref<1x27x128xi32, #tpu.memory_space<hbm>> -> memref<27x128xi32, #tpu.memory_space<hbm>>
          tpu.enqueue_dma source(%dma_start3A_70 : memref<27x128xi32, #tpu.memory_space<hbm>>) target(%arg6 : memref<27x128xi32, #tpu.memory_space<vmem>>) target_semaphore(%run_scoped3A : memref<!tpu.dma_semaphore, #tpu.memory_space<semaphore_mem>>)
          %dma_wait3A = arith.constant 0 : i32
          %dma_wait3A_71 = arith.constant 0 : i32
          %dma_wait3A_72 = tpu.memref_slice %arg3[%add3A_51, %dma_wait3A, %dma_wait3A_71] : memref<782x27x128xi32, #tpu.memory_space<hbm>> -> memref<1x27x128xi32, #tpu.memory_space<hbm>>
          %dma_wait3A_73 = tpu.memref_squeeze %dma_wait3A_72 : memref<1x27x128xi32, #tpu.memory_space<hbm>> -> memref<27x128xi32, #tpu.memory_space<hbm>>
          %dma_wait3A_74 = arith.constant 0 : i32
          %dma_wait3A_75 = arith.constant 0 : i32
          %dma_wait3A_76 = tpu.memref_slice %arg3[%add3A_51, %dma_wait3A_74, %dma_wait3A_75] : memref<782x27x128xi32, #tpu.memory_space<hbm>> -> memref<1x27x128xi32, #tpu.memory_space<hbm>>
          %dma_wait3A_77 = tpu.memref_squeeze %dma_wait3A_76 : memref<1x27x128xi32, #tpu.memory_space<hbm>> -> memref<27x128xi32, #tpu.memory_space<hbm>>
          tpu.wait_dma2 semaphore(%run_scoped3A : memref<!tpu.dma_semaphore, #tpu.memory_space<semaphore_mem>>) src(%dma_wait3A_77 : memref<27x128xi32, #tpu.memory_space<hbm>>) dst(%arg6 : memref<27x128xi32, #tpu.memory_space<vmem>>)
          tpu.yield
        }) : () -> ()
        %scan3A_52 = arith.constant 0 : i32
        %scan3A_53 = arith.constant 0 : i32
        %scan3A_54 = arith.constant 27 : i32
        %scan3A_55 = arith.addi %scan3A_53, %scan3A_54 : i32
        %scan3A_56 = arith.constant 1 : i32
        scf.for %scan3A_64 = %scan3A_53 to %scan3A_55 step %scan3A_56  : i32 {
          %mul3A_65 = arith.constant 128 : i32
          %mul3A_66 = arith.muli %scan3A_64, %mul3A_65 : i32
          %add3A_67 = arith.constant 0 : i32
          %add3A_68 = arith.addi %mul3A_66, %add3A_67 : i32
          %add3A_69 = vector.broadcast %add3A_68 : i32 to vector<16xi32>
          %add3A_70 = arith.addi %add3A_69, %iota3A : vector<16xi32>
          %rem3A = arith.constant 27 : i32
          %rem3A_71 = vector.broadcast %rem3A : i32 to vector<16xi32>
          %rem3A_72 = arith.remsi %add3A_70, %rem3A_71 : vector<16xi32>
          %get3A = arith.index_cast %scan3A_64 : i32 to index
          %get3A_73 = arith.constant 0 : index
          %get3A_74 = tpu.vector_load %arg6[%get3A, %get3A_73] {strides = array<i32>} : memref<27x128xi32, #tpu.memory_space<vmem>>, vector<1x16xi32>,
          %get3A_75 = vector.shape_cast %get3A_74 : vector<1x16xi32> to vector<16xi32>
          %shift_left3A = arith.constant 3 : i32
          %shift_left3A_76 = vector.broadcast %shift_left3A : i32 to vector<16xi32>
          %shift_left3A_77 = arith.shli %get3A_75, %shift_left3A_76 : vector<16xi32>
          %shift_right_logical3A = arith.constant 3 : i32
          %shift_right_logical3A_78 = vector.broadcast %shift_right_logical3A : i32 to vector<16xi32>
          %shift_right_logical3A_79 = arith.shrui %rem3A_72, %shift_right_logical3A_78 : vector<16xi32>
          %mul3A_80 = arith.constant 800000 : i32
          %mul3A_81 = vector.broadcast %mul3A_80 : i32 to vector<16xi32>
          %mul3A_82 = arith.muli %shift_right_logical3A_79, %mul3A_81 : vector<16xi32>
          %add3A_83 = arith.addi %shift_left3A_77, %mul3A_82 : vector<16xi32>
          %and3A = arith.constant 7 : i32
          %and3A_84 = vector.broadcast %and3A : i32 to vector<16xi32>
          %and3A_85 = arith.andi %rem3A_72, %and3A_84 : vector<16xi32>
          %add3A_86 = arith.addi %add3A_83, %and3A_85 : vector<16xi32>
          %swap3A = arith.index_cast %scan3A_64 : i32 to index
          %swap3A_87 = arith.constant 0 : index
          %swap3A_88 = tpu.vector_load %arg6[%swap3A, %swap3A_87] {strides = array<i32>} : memref<27x128xi32, #tpu.memory_space<vmem>>, vector<1x16xi32>,
          %swap3A_89 = vector.shape_cast %swap3A_88 : vector<1x16xi32> to vector<16xi32>
          %swap3A_90 = vector.shape_cast %add3A_86 : vector<16xi32> to vector<1x16xi32>
          tpu.vector_store %arg6[%swap3A, %swap3A_87], %swap3A_90 {strides = array<i32>} : memref<27x128xi32, #tpu.memory_space<vmem>>, vector<1x16xi32>,
          %mul3A_91 = arith.constant 128 : i32
          %mul3A_92 = arith.muli %scan3A_64, %mul3A_91 : i32
          %add3A_93 = arith.constant 16 : i32
          %add3A_94 = arith.addi %mul3A_92, %add3A_93 : i32
          %add3A_95 = vector.broadcast %add3A_94 : i32 to vector<16xi32>
          %add3A_96 = arith.addi %add3A_95, %iota3A : vector<16xi32>
          %rem3A_97 = arith.constant 27 : i32
          %rem3A_98 = vector.broadcast %rem3A_97 : i32 to vector<16xi32>
          %rem3A_99 = arith.remsi %add3A_96, %rem3A_98 : vector<16xi32>
          %get3A_100 = arith.index_cast %scan3A_64 : i32 to index
          %get3A_101 = arith.constant 16 : index
          %get3A_102 = tpu.vector_load %arg6[%get3A_100, %get3A_101] {strides = array<i32>} : memref<27x128xi32, #tpu.memory_space<vmem>>, vector<1x16xi32>,
          %get3A_103 = vector.shape_cast %get3A_102 : vector<1x16xi32> to vector<16xi32>
          %shift_left3A_104 = arith.constant 3 : i32
          %shift_left3A_105 = vector.broadcast %shift_left3A_104 : i32 to vector<16xi32>
          %shift_left3A_106 = arith.shli %get3A_103, %shift_left3A_105 : vector<16xi32>
          %shift_right_logical3A_107 = arith.constant 3 : i32
          %shift_right_logical3A_108 = vector.broadcast %shift_right_logical3A_107 : i32 to vector<16xi32>
          %shift_right_logical3A_109 = arith.shrui %rem3A_99, %shift_right_logical3A_108 : vector<16xi32>
          %mul3A_110 = arith.constant 800000 : i32
          %mul3A_111 = vector.broadcast %mul3A_110 : i32 to vector<16xi32>
          %mul3A_112 = arith.muli %shift_right_logical3A_109, %mul3A_111 : vector<16xi32>
          %add3A_113 = arith.addi %shift_left3A_106, %mul3A_112 : vector<16xi32>
          %and3A_114 = arith.constant 7 : i32
          %and3A_115 = vector.broadcast %and3A_114 : i32 to vector<16xi32>
          %and3A_116 = arith.andi %rem3A_99, %and3A_115 : vector<16xi32>
          %add3A_117 = arith.addi %add3A_113, %and3A_116 : vector<16xi32>
          %swap3A_118 = arith.index_cast %scan3A_64 : i32 to index
          %swap3A_119 = arith.constant 16 : index
          %swap3A_120 = tpu.vector_load %arg6[%swap3A_118, %swap3A_119] {strides = array<i32>} : memref<27x128xi32, #tpu.memory_space<vmem>>, vector<1x16xi32>,
          %swap3A_121 = vector.shape_cast %swap3A_120 : vector<1x16xi32> to vector<16xi32>
          %swap3A_122 = vector.shape_cast %add3A_117 : vector<16xi32> to vector<1x16xi32>
          tpu.vector_store %arg6[%swap3A_118, %swap3A_119], %swap3A_122 {strides = array<i32>} : memref<27x128xi32, #tpu.memory_space<vmem>>, vector<1x16xi32>,
          %mul3A_123 = arith.constant 128 : i32
          %mul3A_124 = arith.muli %scan3A_64, %mul3A_123 : i32
          %add3A_125 = arith.constant 32 : i32
          %add3A_126 = arith.addi %mul3A_124, %add3A_125 : i32
          %add3A_127 = vector.broadcast %add3A_126 : i32 to vector<16xi32>
          %add3A_128 = arith.addi %add3A_127, %iota3A : vector<16xi32>
          %rem3A_129 = arith.constant 27 : i32
          %rem3A_130 = vector.broadcast %rem3A_129 : i32 to vector<16xi32>
          %rem3A_131 = arith.remsi %add3A_128, %rem3A_130 : vector<16xi32>
          %get3A_132 = arith.index_cast %scan3A_64 : i32 to index
          %get3A_133 = arith.constant 32 : index
          %get3A_134 = tpu.vector_load %arg6[%get3A_132, %get3A_133] {strides = array<i32>} : memref<27x128xi32, #tpu.memory_space<vmem>>, vector<1x16xi32>,
          %get3A_135 = vector.shape_cast %get3A_134 : vector<1x16xi32> to vector<16xi32>
          %shift_left3A_136 = arith.constant 3 : i32
          %shift_left3A_137 = vector.broadcast %shift_left3A_136 : i32 to vector<16xi32>
          %shift_left3A_138 = arith.shli %get3A_135, %shift_left3A_137 : vector<16xi32>
          %shift_right_logical3A_139 = arith.constant 3 : i32
          %shift_right_logical3A_140 = vector.broadcast %shift_right_logical3A_139 : i32 to vector<16xi32>
          %shift_right_logical3A_141 = arith.shrui %rem3A_131, %shift_right_logical3A_140 : vector<16xi32>
          %mul3A_142 = arith.constant 800000 : i32
          %mul3A_143 = vector.broadcast %mul3A_142 : i32 to vector<16xi32>
          %mul3A_144 = arith.muli %shift_right_logical3A_141, %mul3A_143 : vector<16xi32>
          %add3A_145 = arith.addi %shift_left3A_138, %mul3A_144 : vector<16xi32>
          %and3A_146 = arith.constant 7 : i32
          %and3A_147 = vector.broadcast %and3A_146 : i32 to vector<16xi32>
          %and3A_148 = arith.andi %rem3A_131, %and3A_147 : vector<16xi32>
          %add3A_149 = arith.addi %add3A_145, %and3A_148 : vector<16xi32>
          %swap3A_150 = arith.index_cast %scan3A_64 : i32 to index
          %swap3A_151 = arith.constant 32 : index
          %swap3A_152 = tpu.vector_load %arg6[%swap3A_150, %swap3A_151] {strides = array<i32>} : memref<27x128xi32, #tpu.memory_space<vmem>>, vector<1x16xi32>,
          %swap3A_153 = vector.shape_cast %swap3A_152 : vector<1x16xi32> to vector<16xi32>
          %swap3A_154 = vector.shape_cast %add3A_149 : vector<16xi32> to vector<1x16xi32>
          tpu.vector_store %arg6[%swap3A_150, %swap3A_151], %swap3A_154 {strides = array<i32>} : memref<27x128xi32, #tpu.memory_space<vmem>>, vector<1x16xi32>,
          %mul3A_155 = arith.constant 128 : i32
          %mul3A_156 = arith.muli %scan3A_64, %mul3A_155 : i32
          %add3A_157 = arith.constant 48 : i32
          %add3A_158 = arith.addi %mul3A_156, %add3A_157 : i32
          %add3A_159 = vector.broadcast %add3A_158 : i32 to vector<16xi32>
          %add3A_160 = arith.addi %add3A_159, %iota3A : vector<16xi32>
          %rem3A_161 = arith.constant 27 : i32
          %rem3A_162 = vector.broadcast %rem3A_161 : i32 to vector<16xi32>
          %rem3A_163 = arith.remsi %add3A_160, %rem3A_162 : vector<16xi32>
          %get3A_164 = arith.index_cast %scan3A_64 : i32 to index
          %get3A_165 = arith.constant 48 : index
          %get3A_166 = tpu.vector_load %arg6[%get3A_164, %get3A_165] {strides = array<i32>} : memref<27x128xi32, #tpu.memory_space<vmem>>, vector<1x16xi32>,
          %get3A_167 = vector.shape_cast %get3A_166 : vector<1x16xi32> to vector<16xi32>
          %shift_left3A_168 = arith.constant 3 : i32
          %shift_left3A_169 = vector.broadcast %shift_left3A_168 : i32 to vector<16xi32>
          %shift_left3A_170 = arith.shli %get3A_167, %shift_left3A_169 : vector<16xi32>
          %shift_right_logical3A_171 = arith.constant 3 : i32
          %shift_right_logical3A_172 = vector.broadcast %shift_right_logical3A_171 : i32 to vector<16xi32>
          %shift_right_logical3A_173 = arith.shrui %rem3A_163, %shift_right_logical3A_172 : vector<16xi32>
          %mul3A_174 = arith.constant 800000 : i32
          %mul3A_175 = vector.broadcast %mul3A_174 : i32 to vector<16xi32>
          %mul3A_176 = arith.muli %shift_right_logical3A_173, %mul3A_175 : vector<16xi32>
          %add3A_177 = arith.addi %shift_left3A_170, %mul3A_176 : vector<16xi32>
          %and3A_178 = arith.constant 7 : i32
          %and3A_179 = vector.broadcast %and3A_178 : i32 to vector<16xi32>
          %and3A_180 = arith.andi %rem3A_163, %and3A_179 : vector<16xi32>
          %add3A_181 = arith.addi %add3A_177, %and3A_180 : vector<16xi32>
          %swap3A_182 = arith.index_cast %scan3A_64 : i32 to index
          %swap3A_183 = arith.constant 48 : index
          %swap3A_184 = tpu.vector_load %arg6[%swap3A_182, %swap3A_183] {strides = array<i32>} : memref<27x128xi32, #tpu.memory_space<vmem>>, vector<1x16xi32>,
          %swap3A_185 = vector.shape_cast %swap3A_184 : vector<1x16xi32> to vector<16xi32>
          %swap3A_186 = vector.shape_cast %add3A_181 : vector<16xi32> to vector<1x16xi32>
          tpu.vector_store %arg6[%swap3A_182, %swap3A_183], %swap3A_186 {strides = array<i32>} : memref<27x128xi32, #tpu.memory_space<vmem>>, vector<1x16xi32>,
          %mul3A_187 = arith.constant 128 : i32
          %mul3A_188 = arith.muli %scan3A_64, %mul3A_187 : i32
          %add3A_189 = arith.constant 64 : i32
          %add3A_190 = arith.addi %mul3A_188, %add3A_189 : i32
          %add3A_191 = vector.broadcast %add3A_190 : i32 to vector<16xi32>
          %add3A_192 = arith.addi %add3A_191, %iota3A : vector<16xi32>
          %rem3A_193 = arith.constant 27 : i32
          %rem3A_194 = vector.broadcast %rem3A_193 : i32 to vector<16xi32>
          %rem3A_195 = arith.remsi %add3A_192, %rem3A_194 : vector<16xi32>
          %get3A_196 = arith.index_cast %scan3A_64 : i32 to index
          %get3A_197 = arith.constant 64 : index
          %get3A_198 = tpu.vector_load %arg6[%get3A_196, %get3A_197] {strides = array<i32>} : memref<27x128xi32, #tpu.memory_space<vmem>>, vector<1x16xi32>,
          %get3A_199 = vector.shape_cast %get3A_198 : vector<1x16xi32> to vector<16xi32>
          %shift_left3A_200 = arith.constant 3 : i32
          %shift_left3A_201 = vector.broadcast %shift_left3A_200 : i32 to vector<16xi32>
          %shift_left3A_202 = arith.shli %get3A_199, %shift_left3A_201 : vector<16xi32>
          %shift_right_logical3A_203 = arith.constant 3 : i32
          %shift_right_logical3A_204 = vector.broadcast %shift_right_logical3A_203 : i32 to vector<16xi32>
          %shift_right_logical3A_205 = arith.shrui %rem3A_195, %shift_right_logical3A_204 : vector<16xi32>
          %mul3A_206 = arith.constant 800000 : i32
          %mul3A_207 = vector.broadcast %mul3A_206 : i32 to vector<16xi32>
          %mul3A_208 = arith.muli %shift_right_logical3A_205, %mul3A_207 : vector<16xi32>
          %add3A_209 = arith.addi %shift_left3A_202, %mul3A_208 : vector<16xi32>
          %and3A_210 = arith.constant 7 : i32
          %and3A_211 = vector.broadcast %and3A_210 : i32 to vector<16xi32>
          %and3A_212 = arith.andi %rem3A_195, %and3A_211 : vector<16xi32>
          %add3A_213 = arith.addi %add3A_209, %and3A_212 : vector<16xi32>
          %swap3A_214 = arith.index_cast %scan3A_64 : i32 to index
          %swap3A_215 = arith.constant 64 : index
          %swap3A_216 = tpu.vector_load %arg6[%swap3A_214, %swap3A_215] {strides = array<i32>} : memref<27x128xi32, #tpu.memory_space<vmem>>, vector<1x16xi32>,
          %swap3A_217 = vector.shape_cast %swap3A_216 : vector<1x16xi32> to vector<16xi32>
          %swap3A_218 = vector.shape_cast %add3A_213 : vector<16xi32> to vector<1x16xi32>
          tpu.vector_store %arg6[%swap3A_214, %swap3A_215], %swap3A_218 {strides = array<i32>} : memref<27x128xi32, #tpu.memory_space<vmem>>, vector<1x16xi32>,
          %mul3A_219 = arith.constant 128 : i32
          %mul3A_220 = arith.muli %scan3A_64, %mul3A_219 : i32
          %add3A_221 = arith.constant 80 : i32
          %add3A_222 = arith.addi %mul3A_220, %add3A_221 : i32
          %add3A_223 = vector.broadcast %add3A_222 : i32 to vector<16xi32>
          %add3A_224 = arith.addi %add3A_223, %iota3A : vector<16xi32>
          %rem3A_225 = arith.constant 27 : i32
          %rem3A_226 = vector.broadcast %rem3A_225 : i32 to vector<16xi32>
          %rem3A_227 = arith.remsi %add3A_224, %rem3A_226 : vector<16xi32>
          %get3A_228 = arith.index_cast %scan3A_64 : i32 to index
          %get3A_229 = arith.constant 80 : index
          %get3A_230 = tpu.vector_load %arg6[%get3A_228, %get3A_229] {strides = array<i32>} : memref<27x128xi32, #tpu.memory_space<vmem>>, vector<1x16xi32>,
          %get3A_231 = vector.shape_cast %get3A_230 : vector<1x16xi32> to vector<16xi32>
          %shift_left3A_232 = arith.constant 3 : i32
          %shift_left3A_233 = vector.broadcast %shift_left3A_232 : i32 to vector<16xi32>
          %shift_left3A_234 = arith.shli %get3A_231, %shift_left3A_233 : vector<16xi32>
          %shift_right_logical3A_235 = arith.constant 3 : i32
          %shift_right_logical3A_236 = vector.broadcast %shift_right_logical3A_235 : i32 to vector<16xi32>
          %shift_right_logical3A_237 = arith.shrui %rem3A_227, %shift_right_logical3A_236 : vector<16xi32>
          %mul3A_238 = arith.constant 800000 : i32
          %mul3A_239 = vector.broadcast %mul3A_238 : i32 to vector<16xi32>
          %mul3A_240 = arith.muli %shift_right_logical3A_237, %mul3A_239 : vector<16xi32>
          %add3A_241 = arith.addi %shift_left3A_234, %mul3A_240 : vector<16xi32>
          %and3A_242 = arith.constant 7 : i32
          %and3A_243 = vector.broadcast %and3A_242 : i32 to vector<16xi32>
          %and3A_244 = arith.andi %rem3A_227, %and3A_243 : vector<16xi32>
          %add3A_245 = arith.addi %add3A_241, %and3A_244 : vector<16xi32>
          %swap3A_246 = arith.index_cast %scan3A_64 : i32 to index
          %swap3A_247 = arith.constant 80 : index
          %swap3A_248 = tpu.vector_load %arg6[%swap3A_246, %swap3A_247] {strides = array<i32>} : memref<27x128xi32, #tpu.memory_space<vmem>>, vector<1x16xi32>,
          %swap3A_249 = vector.shape_cast %swap3A_248 : vector<1x16xi32> to vector<16xi32>
          %swap3A_250 = vector.shape_cast %add3A_245 : vector<16xi32> to vector<1x16xi32>
          tpu.vector_store %arg6[%swap3A_246, %swap3A_247], %swap3A_250 {strides = array<i32>} : memref<27x128xi32, #tpu.memory_space<vmem>>, vector<1x16xi32>,
          %mul3A_251 = arith.constant 128 : i32
          %mul3A_252 = arith.muli %scan3A_64, %mul3A_251 : i32
          %add3A_253 = arith.constant 96 : i32
          %add3A_254 = arith.addi %mul3A_252, %add3A_253 : i32
          %add3A_255 = vector.broadcast %add3A_254 : i32 to vector<16xi32>
          %add3A_256 = arith.addi %add3A_255, %iota3A : vector<16xi32>
          %rem3A_257 = arith.constant 27 : i32
          %rem3A_258 = vector.broadcast %rem3A_257 : i32 to vector<16xi32>
          %rem3A_259 = arith.remsi %add3A_256, %rem3A_258 : vector<16xi32>
          %get3A_260 = arith.index_cast %scan3A_64 : i32 to index
          %get3A_261 = arith.constant 96 : index
          %get3A_262 = tpu.vector_load %arg6[%get3A_260, %get3A_261] {strides = array<i32>} : memref<27x128xi32, #tpu.memory_space<vmem>>, vector<1x16xi32>,
          %get3A_263 = vector.shape_cast %get3A_262 : vector<1x16xi32> to vector<16xi32>
          %shift_left3A_264 = arith.constant 3 : i32
          %shift_left3A_265 = vector.broadcast %shift_left3A_264 : i32 to vector<16xi32>
          %shift_left3A_266 = arith.shli %get3A_263, %shift_left3A_265 : vector<16xi32>
          %shift_right_logical3A_267 = arith.constant 3 : i32
          %shift_right_logical3A_268 = vector.broadcast %shift_right_logical3A_267 : i32 to vector<16xi32>
          %shift_right_logical3A_269 = arith.shrui %rem3A_259, %shift_right_logical3A_268 : vector<16xi32>
          %mul3A_270 = arith.constant 800000 : i32
          %mul3A_271 = vector.broadcast %mul3A_270 : i32 to vector<16xi32>
          %mul3A_272 = arith.muli %shift_right_logical3A_269, %mul3A_271 : vector<16xi32>
          %add3A_273 = arith.addi %shift_left3A_266, %mul3A_272 : vector<16xi32>
          %and3A_274 = arith.constant 7 : i32
          %and3A_275 = vector.broadcast %and3A_274 : i32 to vector<16xi32>
          %and3A_276 = arith.andi %rem3A_259, %and3A_275 : vector<16xi32>
          %add3A_277 = arith.addi %add3A_273, %and3A_276 : vector<16xi32>
          %swap3A_278 = arith.index_cast %scan3A_64 : i32 to index
          %swap3A_279 = arith.constant 96 : index
          %swap3A_280 = tpu.vector_load %arg6[%swap3A_278, %swap3A_279] {strides = array<i32>} : memref<27x128xi32, #tpu.memory_space<vmem>>, vector<1x16xi32>,
          %swap3A_281 = vector.shape_cast %swap3A_280 : vector<1x16xi32> to vector<16xi32>
          %swap3A_282 = vector.shape_cast %add3A_277 : vector<16xi32> to vector<1x16xi32>
          tpu.vector_store %arg6[%swap3A_278, %swap3A_279], %swap3A_282 {strides = array<i32>} : memref<27x128xi32, #tpu.memory_space<vmem>>, vector<1x16xi32>,
          %mul3A_283 = arith.constant 128 : i32
          %mul3A_284 = arith.muli %scan3A_64, %mul3A_283 : i32
          %add3A_285 = arith.constant 112 : i32
          %add3A_286 = arith.addi %mul3A_284, %add3A_285 : i32
          %add3A_287 = vector.broadcast %add3A_286 : i32 to vector<16xi32>
          %add3A_288 = arith.addi %add3A_287, %iota3A : vector<16xi32>
          %rem3A_289 = arith.constant 27 : i32
          %rem3A_290 = vector.broadcast %rem3A_289 : i32 to vector<16xi32>
          %rem3A_291 = arith.remsi %add3A_288, %rem3A_290 : vector<16xi32>
          %get3A_292 = arith.index_cast %scan3A_64 : i32 to index
          %get3A_293 = arith.constant 112 : index
          %get3A_294 = tpu.vector_load %arg6[%get3A_292, %get3A_293] {strides = array<i32>} : memref<27x128xi32, #tpu.memory_space<vmem>>, vector<1x16xi32>,
          %get3A_295 = vector.shape_cast %get3A_294 : vector<1x16xi32> to vector<16xi32>
          %shift_left3A_296 = arith.constant 3 : i32
          %shift_left3A_297 = vector.broadcast %shift_left3A_296 : i32 to vector<16xi32>
          %shift_left3A_298 = arith.shli %get3A_295, %shift_left3A_297 : vector<16xi32>
          %shift_right_logical3A_299 = arith.constant 3 : i32
          %shift_right_logical3A_300 = vector.broadcast %shift_right_logical3A_299 : i32 to vector<16xi32>
          %shift_right_logical3A_301 = arith.shrui %rem3A_291, %shift_right_logical3A_300 : vector<16xi32>
          %mul3A_302 = arith.constant 800000 : i32
          %mul3A_303 = vector.broadcast %mul3A_302 : i32 to vector<16xi32>
          %mul3A_304 = arith.muli %shift_right_logical3A_301, %mul3A_303 : vector<16xi32>
          %add3A_305 = arith.addi %shift_left3A_298, %mul3A_304 : vector<16xi32>
          %and3A_306 = arith.constant 7 : i32
          %and3A_307 = vector.broadcast %and3A_306 : i32 to vector<16xi32>
          %and3A_308 = arith.andi %rem3A_291, %and3A_307 : vector<16xi32>
          %add3A_309 = arith.addi %add3A_305, %and3A_308 : vector<16xi32>
          %swap3A_310 = arith.index_cast %scan3A_64 : i32 to index
          %swap3A_311 = arith.constant 112 : index
          %swap3A_312 = tpu.vector_load %arg6[%swap3A_310, %swap3A_311] {strides = array<i32>} : memref<27x128xi32, #tpu.memory_space<vmem>>, vector<1x16xi32>,
          %swap3A_313 = vector.shape_cast %swap3A_312 : vector<1x16xi32> to vector<16xi32>
          %swap3A_314 = vector.shape_cast %add3A_309 : vector<16xi32> to vector<1x16xi32>
          tpu.vector_store %arg6[%swap3A_310, %swap3A_311], %swap3A_314 {strides = array<i32>} : memref<27x128xi32, #tpu.memory_space<vmem>>, vector<1x16xi32>,
        }
        %scan3A_57 = arith.constant 27 : i32
        %scan3A_58 = arith.constant 0 : i32
        %scan3A_59 = arith.constant 0 : i32
        %scan3A_60 = arith.constant 27 : i32
        %scan3A_61 = arith.addi %scan3A_59, %scan3A_60 : i32
        %scan3A_62 = arith.constant 1 : i32
        scf.for %scan3A_64 = %scan3A_59 to %scan3A_61 step %scan3A_62  : i32 {
          %mul3A_65 = arith.constant 128 : i32
          %mul3A_66 = arith.muli %scan3A_64, %mul3A_65 : i32
          %dma_start3A = arith.constant 0 : i32
          %dma_start3A_67 = tpu.memref_slice %arg8[%mul3A_66, %dma_start3A] : memref<3456x16xf32, #tpu.memory_space<vmem>> -> memref<128x16xf32, #tpu.memory_space<vmem>>
          %dma_start3A_68 = arith.constant 0 : i32
          %dma_start3A_69 = tpu.memref_slice %arg6[%scan3A_64, %dma_start3A_68] : memref<27x128xi32, #tpu.memory_space<vmem>> -> memref<1x128xi32, #tpu.memory_space<vmem>>
          %dma_start3A_70 = tpu.memref_squeeze %dma_start3A_69 : memref<1x128xi32, #tpu.memory_space<vmem>> -> memref<128xi32, #tpu.memory_space<vmem>>
          %dma_start3A_71 = arith.constant 0 : i32
          %dma_start3A_72 = arith.constant 0 : i32
          %dma_start3A_73 = tpu.memref_slice %arg2[%dma_start3A_71, %dma_start3A_72] : memref<3200000x16xf32, #tpu.memory_space<hbm>> -> memref<3200000x16xf32, #tpu.memory_space<hbm>>
          tpu.enqueue_indirect_dma source(%dma_start3A_73 : memref<3200000x16xf32, #tpu.memory_space<hbm>>) target(%dma_start3A_67 : memref<128x16xf32, #tpu.memory_space<vmem>>) offsets(%dma_start3A_70 : memref<128xi32, #tpu.memory_space<vmem>>) semaphore(%arg12 : memref<!tpu.dma_semaphore, #tpu.memory_space<semaphore_mem>>)
        }
        %scan3A_63 = arith.constant 27 : i32
      } else {
      }
      %lt3A_45 = arith.cmpi slt, %add3A_32, %add3A_8 : i32
      %convert_element_type3A_46 = arith.extui %lt3A_45 : i1 to i32
      %cond3A_47 = arith.constant 0 : i32
      %cond3A_48 = arith.cmpi ne, %convert_element_type3A_46, %cond3A_47 : i32
      scf.if %cond3A_48 {
        %add3A_49 = arith.addi %add3A_4, %add3A_32 : i32
        %dma_wait3A = arith.constant 0 : i32
        %dma_wait3A_50 = arith.constant 0 : i32
        %dma_wait3A_51 = tpu.memref_slice %arg2[%dma_wait3A, %dma_wait3A_50] : memref<3200000x16xf32, #tpu.memory_space<hbm>> -> memref<3456x16xf32, #tpu.memory_space<hbm>>
        %dma_wait3A_52 = arith.constant 0 : i32
        %dma_wait3A_53 = arith.constant 0 : i32
        %dma_wait3A_54 = tpu.memref_slice %arg2[%dma_wait3A_52, %dma_wait3A_53] : memref<3200000x16xf32, #tpu.memory_space<hbm>> -> memref<3456x16xf32, #tpu.memory_space<hbm>>
        tpu.wait_dma2 semaphore(%arg13 : memref<!tpu.dma_semaphore, #tpu.memory_space<semaphore_mem>>) src(%dma_wait3A_54 : memref<3456x16xf32, #tpu.memory_space<hbm>>) dst(%arg9 : memref<3456x16xf32, #tpu.memory_space<vmem>>)
        %scan3A_55 = arith.constant 0 : i32
        %scan3A_56 = arith.constant 0 : i32
        %scan3A_57 = arith.constant 128 : i32
        %scan3A_58 = arith.addi %scan3A_56, %scan3A_57 : i32
        %scan3A_59 = arith.constant 1 : i32
        scf.for %scan3A_70 = %scan3A_56 to %scan3A_58 step %scan3A_59  : i32 {
          %mul3A_71 = arith.constant 27 : i32
          %mul3A_72 = arith.muli %scan3A_70, %mul3A_71 : i32
          %get3A = arith.constant 0 : index
          %get3A_73 = tpu.vector_load %arg11[%get3A] {strides = array<i32>} : memref<16xf32, #tpu.memory_space<vmem>>, vector<16xf32>,
          %get3A_74 = vector.shape_cast %get3A_73 : vector<16xf32> to vector<16xf32>
          %get3A_75 = arith.index_cast %mul3A_72 : i32 to index
          %get3A_76 = arith.constant 0 : index
          %get3A_77 = tpu.vector_load %arg9[%get3A_75, %get3A_76] {strides = array<i32>} : memref<3456x16xf32, #tpu.memory_space<vmem>>, vector<1x16xf32>,
          %get3A_78 = vector.shape_cast %get3A_77 : vector<1x16xf32> to vector<16xf32>
          %add3A_79 = arith.addf %get3A_74, %get3A_78 : vector<16xf32>
          %add3A_80 = arith.constant 1 : i32
          %add3A_81 = arith.addi %mul3A_72, %add3A_80 : i32
          %get3A_82 = arith.index_cast %add3A_81 : i32 to index
          %get3A_83 = arith.constant 0 : index
          %get3A_84 = tpu.vector_load %arg9[%get3A_82, %get3A_83] {strides = array<i32>} : memref<3456x16xf32, #tpu.memory_space<vmem>>, vector<1x16xf32>,
          %get3A_85 = vector.shape_cast %get3A_84 : vector<1x16xf32> to vector<16xf32>
          %add3A_86 = arith.addf %add3A_79, %get3A_85 : vector<16xf32>
          %add3A_87 = arith.constant 2 : i32
          %add3A_88 = arith.addi %mul3A_72, %add3A_87 : i32
          %get3A_89 = arith.index_cast %add3A_88 : i32 to index
          %get3A_90 = arith.constant 0 : index
          %get3A_91 = tpu.vector_load %arg9[%get3A_89, %get3A_90] {strides = array<i32>} : memref<3456x16xf32, #tpu.memory_space<vmem>>, vector<1x16xf32>,
          %get3A_92 = vector.shape_cast %get3A_91 : vector<1x16xf32> to vector<16xf32>
          %add3A_93 = arith.addf %add3A_86, %get3A_92 : vector<16xf32>
          %add3A_94 = arith.constant 3 : i32
          %add3A_95 = arith.addi %mul3A_72, %add3A_94 : i32
          %get3A_96 = arith.index_cast %add3A_95 : i32 to index
          %get3A_97 = arith.constant 0 : index
          %get3A_98 = tpu.vector_load %arg9[%get3A_96, %get3A_97] {strides = array<i32>} : memref<3456x16xf32, #tpu.memory_space<vmem>>, vector<1x16xf32>,
          %get3A_99 = vector.shape_cast %get3A_98 : vector<1x16xf32> to vector<16xf32>
          %add3A_100 = arith.addf %add3A_93, %get3A_99 : vector<16xf32>
          %add3A_101 = arith.constant 4 : i32
          %add3A_102 = arith.addi %mul3A_72, %add3A_101 : i32
          %get3A_103 = arith.index_cast %add3A_102 : i32 to index
          %get3A_104 = arith.constant 0 : index
          %get3A_105 = tpu.vector_load %arg9[%get3A_103, %get3A_104] {strides = array<i32>} : memref<3456x16xf32, #tpu.memory_space<vmem>>, vector<1x16xf32>,
          %get3A_106 = vector.shape_cast %get3A_105 : vector<1x16xf32> to vector<16xf32>
          %add3A_107 = arith.addf %add3A_100, %get3A_106 : vector<16xf32>
          %add3A_108 = arith.constant 5 : i32
          %add3A_109 = arith.addi %mul3A_72, %add3A_108 : i32
          %get3A_110 = arith.index_cast %add3A_109 : i32 to index
          %get3A_111 = arith.constant 0 : index
          %get3A_112 = tpu.vector_load %arg9[%get3A_110, %get3A_111] {strides = array<i32>} : memref<3456x16xf32, #tpu.memory_space<vmem>>, vector<1x16xf32>,
          %get3A_113 = vector.shape_cast %get3A_112 : vector<1x16xf32> to vector<16xf32>
          %add3A_114 = arith.addf %add3A_107, %get3A_113 : vector<16xf32>
          %add3A_115 = arith.constant 6 : i32
          %add3A_116 = arith.addi %mul3A_72, %add3A_115 : i32
          %get3A_117 = arith.index_cast %add3A_116 : i32 to index
          %get3A_118 = arith.constant 0 : index
          %get3A_119 = tpu.vector_load %arg9[%get3A_117, %get3A_118] {strides = array<i32>} : memref<3456x16xf32, #tpu.memory_space<vmem>>, vector<1x16xf32>,
          %get3A_120 = vector.shape_cast %get3A_119 : vector<1x16xf32> to vector<16xf32>
          %add3A_121 = arith.addf %add3A_114, %get3A_120 : vector<16xf32>
          %add3A_122 = arith.constant 7 : i32
          %add3A_123 = arith.addi %mul3A_72, %add3A_122 : i32
          %get3A_124 = arith.index_cast %add3A_123 : i32 to index
          %get3A_125 = arith.constant 0 : index
          %get3A_126 = tpu.vector_load %arg9[%get3A_124, %get3A_125] {strides = array<i32>} : memref<3456x16xf32, #tpu.memory_space<vmem>>, vector<1x16xf32>,
          %get3A_127 = vector.shape_cast %get3A_126 : vector<1x16xf32> to vector<16xf32>
          %add3A_128 = arith.addf %add3A_121, %get3A_127 : vector<16xf32>
          %add3A_129 = arith.constant 8 : i32
          %add3A_130 = arith.addi %mul3A_72, %add3A_129 : i32
          %get3A_131 = arith.index_cast %add3A_130 : i32 to index
          %get3A_132 = arith.constant 0 : index
          %get3A_133 = tpu.vector_load %arg9[%get3A_131, %get3A_132] {strides = array<i32>} : memref<3456x16xf32, #tpu.memory_space<vmem>>, vector<1x16xf32>,
          %get3A_134 = vector.shape_cast %get3A_133 : vector<1x16xf32> to vector<16xf32>
          %add3A_135 = arith.addf %add3A_128, %get3A_134 : vector<16xf32>
          %add3A_136 = arith.constant 9 : i32
          %add3A_137 = arith.addi %mul3A_72, %add3A_136 : i32
          %get3A_138 = arith.index_cast %add3A_137 : i32 to index
          %get3A_139 = arith.constant 0 : index
          %get3A_140 = tpu.vector_load %arg9[%get3A_138, %get3A_139] {strides = array<i32>} : memref<3456x16xf32, #tpu.memory_space<vmem>>, vector<1x16xf32>,
          %get3A_141 = vector.shape_cast %get3A_140 : vector<1x16xf32> to vector<16xf32>
          %add3A_142 = arith.addf %add3A_135, %get3A_141 : vector<16xf32>
          %add3A_143 = arith.constant 10 : i32
          %add3A_144 = arith.addi %mul3A_72, %add3A_143 : i32
          %get3A_145 = arith.index_cast %add3A_144 : i32 to index
          %get3A_146 = arith.constant 0 : index
          %get3A_147 = tpu.vector_load %arg9[%get3A_145, %get3A_146] {strides = array<i32>} : memref<3456x16xf32, #tpu.memory_space<vmem>>, vector<1x16xf32>,
          %get3A_148 = vector.shape_cast %get3A_147 : vector<1x16xf32> to vector<16xf32>
          %add3A_149 = arith.addf %add3A_142, %get3A_148 : vector<16xf32>
          %add3A_150 = arith.constant 11 : i32
          %add3A_151 = arith.addi %mul3A_72, %add3A_150 : i32
          %get3A_152 = arith.index_cast %add3A_151 : i32 to index
          %get3A_153 = arith.constant 0 : index
          %get3A_154 = tpu.vector_load %arg9[%get3A_152, %get3A_153] {strides = array<i32>} : memref<3456x16xf32, #tpu.memory_space<vmem>>, vector<1x16xf32>,
          %get3A_155 = vector.shape_cast %get3A_154 : vector<1x16xf32> to vector<16xf32>
          %add3A_156 = arith.addf %add3A_149, %get3A_155 : vector<16xf32>
          %add3A_157 = arith.constant 12 : i32
          %add3A_158 = arith.addi %mul3A_72, %add3A_157 : i32
          %get3A_159 = arith.index_cast %add3A_158 : i32 to index
          %get3A_160 = arith.constant 0 : index
          %get3A_161 = tpu.vector_load %arg9[%get3A_159, %get3A_160] {strides = array<i32>} : memref<3456x16xf32, #tpu.memory_space<vmem>>, vector<1x16xf32>,
          %get3A_162 = vector.shape_cast %get3A_161 : vector<1x16xf32> to vector<16xf32>
          %add3A_163 = arith.addf %add3A_156, %get3A_162 : vector<16xf32>
          %add3A_164 = arith.constant 13 : i32
          %add3A_165 = arith.addi %mul3A_72, %add3A_164 : i32
          %get3A_166 = arith.index_cast %add3A_165 : i32 to index
          %get3A_167 = arith.constant 0 : index
          %get3A_168 = tpu.vector_load %arg9[%get3A_166, %get3A_167] {strides = array<i32>} : memref<3456x16xf32, #tpu.memory_space<vmem>>, vector<1x16xf32>,
          %get3A_169 = vector.shape_cast %get3A_168 : vector<1x16xf32> to vector<16xf32>
          %add3A_170 = arith.addf %add3A_163, %get3A_169 : vector<16xf32>
          %add3A_171 = arith.constant 14 : i32
          %add3A_172 = arith.addi %mul3A_72, %add3A_171 : i32
          %get3A_173 = arith.index_cast %add3A_172 : i32 to index
          %get3A_174 = arith.constant 0 : index
          %get3A_175 = tpu.vector_load %arg9[%get3A_173, %get3A_174] {strides = array<i32>} : memref<3456x16xf32, #tpu.memory_space<vmem>>, vector<1x16xf32>,
          %get3A_176 = vector.shape_cast %get3A_175 : vector<1x16xf32> to vector<16xf32>
          %add3A_177 = arith.addf %add3A_170, %get3A_176 : vector<16xf32>
          %add3A_178 = arith.constant 15 : i32
          %add3A_179 = arith.addi %mul3A_72, %add3A_178 : i32
          %get3A_180 = arith.index_cast %add3A_179 : i32 to index
          %get3A_181 = arith.constant 0 : index
          %get3A_182 = tpu.vector_load %arg9[%get3A_180, %get3A_181] {strides = array<i32>} : memref<3456x16xf32, #tpu.memory_space<vmem>>, vector<1x16xf32>,
          %get3A_183 = vector.shape_cast %get3A_182 : vector<1x16xf32> to vector<16xf32>
          %add3A_184 = arith.addf %add3A_177, %get3A_183 : vector<16xf32>
          %add3A_185 = arith.constant 16 : i32
          %add3A_186 = arith.addi %mul3A_72, %add3A_185 : i32
          %get3A_187 = arith.index_cast %add3A_186 : i32 to index
          %get3A_188 = arith.constant 0 : index
          %get3A_189 = tpu.vector_load %arg9[%get3A_187, %get3A_188] {strides = array<i32>} : memref<3456x16xf32, #tpu.memory_space<vmem>>, vector<1x16xf32>,
          %get3A_190 = vector.shape_cast %get3A_189 : vector<1x16xf32> to vector<16xf32>
          %add3A_191 = arith.addf %add3A_184, %get3A_190 : vector<16xf32>
          %add3A_192 = arith.constant 17 : i32
          %add3A_193 = arith.addi %mul3A_72, %add3A_192 : i32
          %get3A_194 = arith.index_cast %add3A_193 : i32 to index
          %get3A_195 = arith.constant 0 : index
          %get3A_196 = tpu.vector_load %arg9[%get3A_194, %get3A_195] {strides = array<i32>} : memref<3456x16xf32, #tpu.memory_space<vmem>>, vector<1x16xf32>,
          %get3A_197 = vector.shape_cast %get3A_196 : vector<1x16xf32> to vector<16xf32>
          %add3A_198 = arith.addf %add3A_191, %get3A_197 : vector<16xf32>
          %add3A_199 = arith.constant 18 : i32
          %add3A_200 = arith.addi %mul3A_72, %add3A_199 : i32
          %get3A_201 = arith.index_cast %add3A_200 : i32 to index
          %get3A_202 = arith.constant 0 : index
          %get3A_203 = tpu.vector_load %arg9[%get3A_201, %get3A_202] {strides = array<i32>} : memref<3456x16xf32, #tpu.memory_space<vmem>>, vector<1x16xf32>,
          %get3A_204 = vector.shape_cast %get3A_203 : vector<1x16xf32> to vector<16xf32>
          %add3A_205 = arith.addf %add3A_198, %get3A_204 : vector<16xf32>
          %add3A_206 = arith.constant 19 : i32
          %add3A_207 = arith.addi %mul3A_72, %add3A_206 : i32
          %get3A_208 = arith.index_cast %add3A_207 : i32 to index
          %get3A_209 = arith.constant 0 : index
          %get3A_210 = tpu.vector_load %arg9[%get3A_208, %get3A_209] {strides = array<i32>} : memref<3456x16xf32, #tpu.memory_space<vmem>>, vector<1x16xf32>,
          %get3A_211 = vector.shape_cast %get3A_210 : vector<1x16xf32> to vector<16xf32>
          %add3A_212 = arith.addf %add3A_205, %get3A_211 : vector<16xf32>
          %add3A_213 = arith.constant 20 : i32
          %add3A_214 = arith.addi %mul3A_72, %add3A_213 : i32
          %get3A_215 = arith.index_cast %add3A_214 : i32 to index
          %get3A_216 = arith.constant 0 : index
          %get3A_217 = tpu.vector_load %arg9[%get3A_215, %get3A_216] {strides = array<i32>} : memref<3456x16xf32, #tpu.memory_space<vmem>>, vector<1x16xf32>,
          %get3A_218 = vector.shape_cast %get3A_217 : vector<1x16xf32> to vector<16xf32>
          %add3A_219 = arith.addf %add3A_212, %get3A_218 : vector<16xf32>
          %add3A_220 = arith.constant 21 : i32
          %add3A_221 = arith.addi %mul3A_72, %add3A_220 : i32
          %get3A_222 = arith.index_cast %add3A_221 : i32 to index
          %get3A_223 = arith.constant 0 : index
          %get3A_224 = tpu.vector_load %arg9[%get3A_222, %get3A_223] {strides = array<i32>} : memref<3456x16xf32, #tpu.memory_space<vmem>>, vector<1x16xf32>,
          %get3A_225 = vector.shape_cast %get3A_224 : vector<1x16xf32> to vector<16xf32>
          %add3A_226 = arith.addf %add3A_219, %get3A_225 : vector<16xf32>
          %add3A_227 = arith.constant 22 : i32
          %add3A_228 = arith.addi %mul3A_72, %add3A_227 : i32
          %get3A_229 = arith.index_cast %add3A_228 : i32 to index
          %get3A_230 = arith.constant 0 : index
          %get3A_231 = tpu.vector_load %arg9[%get3A_229, %get3A_230] {strides = array<i32>} : memref<3456x16xf32, #tpu.memory_space<vmem>>, vector<1x16xf32>,
          %get3A_232 = vector.shape_cast %get3A_231 : vector<1x16xf32> to vector<16xf32>
          %add3A_233 = arith.addf %add3A_226, %get3A_232 : vector<16xf32>
          %add3A_234 = arith.constant 23 : i32
          %add3A_235 = arith.addi %mul3A_72, %add3A_234 : i32
          %get3A_236 = arith.index_cast %add3A_235 : i32 to index
          %get3A_237 = arith.constant 0 : index
          %get3A_238 = tpu.vector_load %arg9[%get3A_236, %get3A_237] {strides = array<i32>} : memref<3456x16xf32, #tpu.memory_space<vmem>>, vector<1x16xf32>,
          %get3A_239 = vector.shape_cast %get3A_238 : vector<1x16xf32> to vector<16xf32>
          %add3A_240 = arith.addf %add3A_233, %get3A_239 : vector<16xf32>
          %add3A_241 = arith.constant 24 : i32
          %add3A_242 = arith.addi %mul3A_72, %add3A_241 : i32
          %get3A_243 = arith.index_cast %add3A_242 : i32 to index
          %get3A_244 = arith.constant 0 : index
          %get3A_245 = tpu.vector_load %arg9[%get3A_243, %get3A_244] {strides = array<i32>} : memref<3456x16xf32, #tpu.memory_space<vmem>>, vector<1x16xf32>,
          %get3A_246 = vector.shape_cast %get3A_245 : vector<1x16xf32> to vector<16xf32>
          %add3A_247 = arith.addf %add3A_240, %get3A_246 : vector<16xf32>
          %add3A_248 = arith.constant 25 : i32
          %add3A_249 = arith.addi %mul3A_72, %add3A_248 : i32
          %get3A_250 = arith.index_cast %add3A_249 : i32 to index
          %get3A_251 = arith.constant 0 : index
          %get3A_252 = tpu.vector_load %arg9[%get3A_250, %get3A_251] {strides = array<i32>} : memref<3456x16xf32, #tpu.memory_space<vmem>>, vector<1x16xf32>,
          %get3A_253 = vector.shape_cast %get3A_252 : vector<1x16xf32> to vector<16xf32>
          %add3A_254 = arith.addf %add3A_247, %get3A_253 : vector<16xf32>
          %add3A_255 = arith.constant 26 : i32
          %add3A_256 = arith.addi %mul3A_72, %add3A_255 : i32
          %get3A_257 = arith.index_cast %add3A_256 : i32 to index
          %get3A_258 = arith.constant 0 : index
          %get3A_259 = tpu.vector_load %arg9[%get3A_257, %get3A_258] {strides = array<i32>} : memref<3456x16xf32, #tpu.memory_space<vmem>>, vector<1x16xf32>,
          %get3A_260 = vector.shape_cast %get3A_259 : vector<1x16xf32> to vector<16xf32>
          %add3A_261 = arith.addf %add3A_254, %get3A_260 : vector<16xf32>
          %shift_right_logical3A = arith.constant 3 : i32
          %shift_right_logical3A_262 = arith.shrui %scan3A_70, %shift_right_logical3A : i32
          %and3A = arith.constant 7 : i32
          %and3A_263 = arith.andi %scan3A_70, %and3A : i32
          %mul3A_264 = arith.constant 16 : i32
          %mul3A_265 = arith.muli %and3A_263, %mul3A_264 : i32
          %swap3A = arith.index_cast %shift_right_logical3A_262 : i32 to index
          %swap3A_266 = arith.index_cast %mul3A_265 : i32 to index
          %swap3A_267 = tpu.vector_load %arg10[%swap3A, %swap3A_266] {strides = array<i32>} : memref<16x128xf32, #tpu.memory_space<vmem>>, vector<1x16xf32>,
          %swap3A_268 = vector.shape_cast %swap3A_267 : vector<1x16xf32> to vector<16xf32>
          %swap3A_269 = vector.shape_cast %add3A_261 : vector<16xf32> to vector<1x16xf32>
          tpu.vector_store %arg10[%swap3A, %swap3A_266], %swap3A_269 {strides = array<i32>} : memref<16x128xf32, #tpu.memory_space<vmem>>, vector<1x16xf32>,
        }
        %scan3A_60 = arith.constant 128 : i32
        %lt3A_61 = arith.constant 781 : i32
        %lt3A_62 = arith.cmpi slt, %add3A_49, %lt3A_61 : i32
        %convert_element_type3A_63 = arith.extui %lt3A_62 : i1 to i32
        %cond3A_64 = arith.constant 0 : i32
        %cond3A_65 = arith.cmpi ne, %convert_element_type3A_63, %cond3A_64 : i32
        scf.if %cond3A_65 {
          %mul3A_70 = arith.constant 16 : i32
          %mul3A_71 = arith.muli %add3A_49, %mul3A_70 : i32
          "tpu.region"() ({
            %run_scoped3A = tpu.sem_alloc : memref<!tpu.dma_semaphore, #tpu.memory_space<semaphore_mem>>
            %dma_start3A = arith.constant 0 : i32
            %dma_start3A_72 = tpu.memref_slice %arg5[%mul3A_71, %dma_start3A] : memref<12504x128xf32, #tpu.memory_space<hbm>> -> memref<16x128xf32, #tpu.memory_space<hbm>>
            %dma_start3A_73 = arith.constant 0 : i32
            %dma_start3A_74 = tpu.memref_slice %arg5[%mul3A_71, %dma_start3A_73] : memref<12504x128xf32, #tpu.memory_space<hbm>> -> memref<16x128xf32, #tpu.memory_space<hbm>>
            tpu.enqueue_dma source(%arg10 : memref<16x128xf32, #tpu.memory_space<vmem>>) target(%dma_start3A_74 : memref<16x128xf32, #tpu.memory_space<hbm>>) target_semaphore(%run_scoped3A : memref<!tpu.dma_semaphore, #tpu.memory_space<semaphore_mem>>)
            %dma_wait3A_75 = arith.constant 0 : i32
            %dma_wait3A_76 = tpu.memref_slice %arg5[%mul3A_71, %dma_wait3A_75] : memref<12504x128xf32, #tpu.memory_space<hbm>> -> memref<16x128xf32, #tpu.memory_space<hbm>>
            %dma_wait3A_77 = arith.constant 0 : i32
            %dma_wait3A_78 = tpu.memref_slice %arg5[%mul3A_71, %dma_wait3A_77] : memref<12504x128xf32, #tpu.memory_space<hbm>> -> memref<16x128xf32, #tpu.memory_space<hbm>>
            tpu.wait_dma2 semaphore(%run_scoped3A : memref<!tpu.dma_semaphore, #tpu.memory_space<semaphore_mem>>) src(%arg10 : memref<16x128xf32, #tpu.memory_space<vmem>>) dst(%dma_wait3A_78 : memref<16x128xf32, #tpu.memory_space<hbm>>)
            tpu.yield
          }) : () -> ()
        } else {
        }
        %eq3A = arith.constant 781 : i32
        %eq3A_66 = arith.cmpi eq, %add3A_49, %eq3A : i32
        %convert_element_type3A_67 = arith.extui %eq3A_66 : i1 to i32
        %cond3A_68 = arith.constant 0 : i32
        %cond3A_69 = arith.cmpi ne, %convert_element_type3A_67, %cond3A_68 : i32
        scf.if %cond3A_69 {
          %mul3A_70 = arith.constant 16 : i32
          %mul3A_71 = arith.muli %add3A_49, %mul3A_70 : i32
          "tpu.region"() ({
            %run_scoped3A = tpu.sem_alloc : memref<!tpu.dma_semaphore, #tpu.memory_space<semaphore_mem>>
            %dma_start3A = arith.constant 0 : i32
            %dma_start3A_72 = arith.constant 0 : i32
            %dma_start3A_73 = tpu.memref_slice %arg10[%dma_start3A, %dma_start3A_72] : memref<16x128xf32, #tpu.memory_space<vmem>> -> memref<4x128xf32, #tpu.memory_space<vmem>>
            %dma_start3A_74 = arith.constant 0 : i32
            %dma_start3A_75 = tpu.memref_slice %arg5[%mul3A_71, %dma_start3A_74] : memref<12504x128xf32, #tpu.memory_space<hbm>> -> memref<4x128xf32, #tpu.memory_space<hbm>>
            %dma_start3A_76 = arith.constant 0 : i32
            %dma_start3A_77 = tpu.memref_slice %arg5[%mul3A_71, %dma_start3A_76] : memref<12504x128xf32, #tpu.memory_space<hbm>> -> memref<4x128xf32, #tpu.memory_space<hbm>>
            %dma_start3A_78 = arith.constant 0 : i32
            %dma_start3A_79 = arith.constant 0 : i32
            %dma_start3A_80 = tpu.memref_slice %arg10[%dma_start3A_78, %dma_start3A_79] : memref<16x128xf32, #tpu.memory_space<vmem>> -> memref<4x128xf32, #tpu.memory_space<vmem>>
            tpu.enqueue_dma source(%dma_start3A_80 : memref<4x128xf32, #tpu.memory_space<vmem>>) target(%dma_start3A_77 : memref<4x128xf32, #tpu.memory_space<hbm>>) target_semaphore(%run_scoped3A : memref<!tpu.dma_semaphore, #tpu.memory_space<semaphore_mem>>)
            %dma_wait3A_81 = arith.constant 0 : i32
            %dma_wait3A_82 = arith.constant 0 : i32
            %dma_wait3A_83 = tpu.memref_slice %arg10[%dma_wait3A_81, %dma_wait3A_82] : memref<16x128xf32, #tpu.memory_space<vmem>> -> memref<4x128xf32, #tpu.memory_space<vmem>>
            %dma_wait3A_84 = arith.constant 0 : i32
            %dma_wait3A_85 = tpu.memref_slice %arg5[%mul3A_71, %dma_wait3A_84] : memref<12504x128xf32, #tpu.memory_space<hbm>> -> memref<4x128xf32, #tpu.memory_space<hbm>>
            %dma_wait3A_86 = arith.constant 0 : i32
            %dma_wait3A_87 = tpu.memref_slice %arg5[%mul3A_71, %dma_wait3A_86] : memref<12504x128xf32, #tpu.memory_space<hbm>> -> memref<4x128xf32, #tpu.memory_space<hbm>>
            %dma_wait3A_88 = arith.constant 0 : i32
            %dma_wait3A_89 = arith.constant 0 : i32
            %dma_wait3A_90 = tpu.memref_slice %arg10[%dma_wait3A_88, %dma_wait3A_89] : memref<16x128xf32, #tpu.memory_space<vmem>> -> memref<4x128xf32, #tpu.memory_space<vmem>>
            tpu.wait_dma2 semaphore(%run_scoped3A : memref<!tpu.dma_semaphore, #tpu.memory_space<semaphore_mem>>) src(%dma_wait3A_90 : memref<4x128xf32, #tpu.memory_space<vmem>>) dst(%dma_wait3A_87 : memref<4x128xf32, #tpu.memory_space<hbm>>)
            tpu.yield
          }) : () -> ()
        } else {
        }
      } else {
      }
    }
    %scan3A_27 = arith.constant 13 : i32
    return
  }
}

module attributes {stable_mosaic.version = 14 : i64} {
  func.func @_mm_body(%arg0: i32, %arg1: memref<2000x16xf32, #tpu.memory_space<vmem>>, %arg2: memref<16x512xf32, #tpu.memory_space<vmem>>, %arg3: memref<4x2000x128xf32, #tpu.memory_space<vmem>>) attributes {dimension_semantics = [#tpu.dimension_semantics<arbitrary>], iteration_bounds = array<i64: 50>, scalar_prefetch = 0 : i64, scratch_operands = 0 : i64, tpu.core_type = #tpu.core_type<tc>, window_params = [{transform_indices = @transform_0, window_bounds = array<i64: 2000, 16>}, {pipeline_mode = #tpu.pipeline_mode<synchronous>, transform_indices = @transform_1, window_bounds = array<i64: 16, 512>}, {transform_indices = @transform_2, window_bounds = array<i64: 4, 2000, 128>}]} {
    %get3A = arith.constant 0 : index
    %get3A_0 = arith.constant 0 : index
    %get3A_1 = vector.load %arg1[%get3A, %get3A_0] : memref<2000x16xf32, #tpu.memory_space<vmem>>, vector<2000x16xf32>
    %get3A_2 = arith.constant 0 : index
    %get3A_3 = arith.constant 0 : index
    %get3A_4 = vector.load %arg2[%get3A_2, %get3A_3] : memref<16x512xf32, #tpu.memory_space<vmem>>, vector<16x128xf32>
    %dot_general3A = arith.constant dense<0.000000e+00> : vector<2000x128xf32>
    %dot_general3A_5 = tpu.matmul %get3A_1, %get3A_4, %dot_general3A {dimension_numbers = #tpu.dot_dimension_numbers<[1], [0], [0], [1], [0, 0, 1, 1], [], []>, transpose_lhs_hint = false} : vector<2000x16xf32>, vector<16x128xf32>, vector<2000x128xf32> -> vector<2000x128xf32>
    %swap3A = arith.constant 0 : index
    %swap3A_6 = arith.constant 0 : index
    %swap3A_7 = arith.constant 0 : index
    %swap3A_8 = vector.load %arg3[%swap3A, %swap3A_6, %swap3A_7] : memref<4x2000x128xf32, #tpu.memory_space<vmem>>, vector<1x2000x128xf32>
    %swap3A_9 = vector.shape_cast %swap3A_8 : vector<1x2000x128xf32> to vector<2000x128xf32>
    %swap3A_10 = vector.shape_cast %dot_general3A_5 : vector<2000x128xf32> to vector<1x2000x128xf32>
    tpu.vector_store %arg3[%swap3A, %swap3A_6, %swap3A_7], %swap3A_10 {strides = array<i32>} : memref<4x2000x128xf32, #tpu.memory_space<vmem>>, vector<1x2000x128xf32>,
    %get3A_11 = arith.constant 0 : index
    %get3A_12 = arith.constant 0 : index
    %get3A_13 = vector.load %arg1[%get3A_11, %get3A_12] : memref<2000x16xf32, #tpu.memory_space<vmem>>, vector<2000x16xf32>
    %get3A_14 = arith.constant 0 : index
    %get3A_15 = arith.constant 128 : index
    %get3A_16 = vector.load %arg2[%get3A_14, %get3A_15] : memref<16x512xf32, #tpu.memory_space<vmem>>, vector<16x128xf32>
    %dot_general3A_17 = arith.constant dense<0.000000e+00> : vector<2000x128xf32>
    %dot_general3A_18 = tpu.matmul %get3A_13, %get3A_16, %dot_general3A_17 {dimension_numbers = #tpu.dot_dimension_numbers<[1], [0], [0], [1], [0, 0, 1, 1], [], []>, transpose_lhs_hint = false} : vector<2000x16xf32>, vector<16x128xf32>, vector<2000x128xf32> -> vector<2000x128xf32>
    %swap3A_19 = arith.constant 1 : index
    %swap3A_20 = arith.constant 0 : index
    %swap3A_21 = arith.constant 0 : index
    %swap3A_22 = vector.load %arg3[%swap3A_19, %swap3A_20, %swap3A_21] : memref<4x2000x128xf32, #tpu.memory_space<vmem>>, vector<1x2000x128xf32>
    %swap3A_23 = vector.shape_cast %swap3A_22 : vector<1x2000x128xf32> to vector<2000x128xf32>
    %swap3A_24 = vector.shape_cast %dot_general3A_18 : vector<2000x128xf32> to vector<1x2000x128xf32>
    tpu.vector_store %arg3[%swap3A_19, %swap3A_20, %swap3A_21], %swap3A_24 {strides = array<i32>} : memref<4x2000x128xf32, #tpu.memory_space<vmem>>, vector<1x2000x128xf32>,
    %get3A_25 = arith.constant 0 : index
    %get3A_26 = arith.constant 0 : index
    %get3A_27 = vector.load %arg1[%get3A_25, %get3A_26] : memref<2000x16xf32, #tpu.memory_space<vmem>>, vector<2000x16xf32>
    %get3A_28 = arith.constant 0 : index
    %get3A_29 = arith.constant 256 : index
    %get3A_30 = vector.load %arg2[%get3A_28, %get3A_29] : memref<16x512xf32, #tpu.memory_space<vmem>>, vector<16x128xf32>
    %dot_general3A_31 = arith.constant dense<0.000000e+00> : vector<2000x128xf32>
    %dot_general3A_32 = tpu.matmul %get3A_27, %get3A_30, %dot_general3A_31 {dimension_numbers = #tpu.dot_dimension_numbers<[1], [0], [0], [1], [0, 0, 1, 1], [], []>, transpose_lhs_hint = false} : vector<2000x16xf32>, vector<16x128xf32>, vector<2000x128xf32> -> vector<2000x128xf32>
    %swap3A_33 = arith.constant 2 : index
    %swap3A_34 = arith.constant 0 : index
    %swap3A_35 = arith.constant 0 : index
    %swap3A_36 = vector.load %arg3[%swap3A_33, %swap3A_34, %swap3A_35] : memref<4x2000x128xf32, #tpu.memory_space<vmem>>, vector<1x2000x128xf32>
    %swap3A_37 = vector.shape_cast %swap3A_36 : vector<1x2000x128xf32> to vector<2000x128xf32>
    %swap3A_38 = vector.shape_cast %dot_general3A_32 : vector<2000x128xf32> to vector<1x2000x128xf32>
    tpu.vector_store %arg3[%swap3A_33, %swap3A_34, %swap3A_35], %swap3A_38 {strides = array<i32>} : memref<4x2000x128xf32, #tpu.memory_space<vmem>>, vector<1x2000x128xf32>,
    %get3A_39 = arith.constant 0 : index
    %get3A_40 = arith.constant 0 : index
    %get3A_41 = vector.load %arg1[%get3A_39, %get3A_40] : memref<2000x16xf32, #tpu.memory_space<vmem>>, vector<2000x16xf32>
    %get3A_42 = arith.constant 0 : index
    %get3A_43 = arith.constant 384 : index
    %get3A_44 = vector.load %arg2[%get3A_42, %get3A_43] : memref<16x512xf32, #tpu.memory_space<vmem>>, vector<16x128xf32>
    %dot_general3A_45 = arith.constant dense<0.000000e+00> : vector<2000x128xf32>
    %dot_general3A_46 = tpu.matmul %get3A_41, %get3A_44, %dot_general3A_45 {dimension_numbers = #tpu.dot_dimension_numbers<[1], [0], [0], [1], [0, 0, 1, 1], [], []>, transpose_lhs_hint = false} : vector<2000x16xf32>, vector<16x128xf32>, vector<2000x128xf32> -> vector<2000x128xf32>
    %swap3A_47 = arith.constant 3 : index
    %swap3A_48 = arith.constant 0 : index
    %swap3A_49 = arith.constant 0 : index
    %swap3A_50 = vector.load %arg3[%swap3A_47, %swap3A_48, %swap3A_49] : memref<4x2000x128xf32, #tpu.memory_space<vmem>>, vector<1x2000x128xf32>
    %swap3A_51 = vector.shape_cast %swap3A_50 : vector<1x2000x128xf32> to vector<2000x128xf32>
    %swap3A_52 = vector.shape_cast %dot_general3A_46 : vector<2000x128xf32> to vector<1x2000x128xf32>
    tpu.vector_store %arg3[%swap3A_47, %swap3A_48, %swap3A_49], %swap3A_52 {strides = array<i32>} : memref<4x2000x128xf32, #tpu.memory_space<vmem>>, vector<1x2000x128xf32>,
    return
  }
  func.func @transform_0(%arg0: i32) -> (i32, i32) {
    %c0_i32 = arith.constant 0 : i32
    %c0_i32_0 = arith.constant 0 : i32
    return %arg0, %c0_i32 : i32, i32
  }
  func.func @transform_1(%arg0: i32) -> (i32, i32) {
    %c0_i32 = arith.constant 0 : i32
    %c0_i32_0 = arith.constant 0 : i32
    %c0_i32_1 = arith.constant 0 : i32
    return %c0_i32, %c0_i32_0 : i32, i32
  }
  func.func @transform_2(%arg0: i32) -> (i32, i32, i32) {
    %c0_i32 = arith.constant 0 : i32
    %c0_i32_0 = arith.constant 0 : i32
    %c0_i32_1 = arith.constant 0 : i32
    return %c0_i32, %arg0, %c0_i32_0 : i32, i32, i32
  }
}

</mosaic_0001>

<sc_bundles>
// kernel: kernel.4.cloned.1.call-start
scs
__scs_entry_jumppad:
0x0: {  	(pc) =	sbr.rel $0x88, $3  }
0x1: {  	(tag) =	ssettag $0x0;
	lr =	simm.s32 $0x1  }
0x2: {  	[smem:$0x3F9D] =	sst lr;
	_ =	strace $0xD0000000  }
0x3: {  	_ = 	snop  }
0x4: {  	_ = 	snop  }
0x5: {  	_ = 	snop  }
0x6: {  	_ = 	snop  }
0x7: {  	_ = 	snop  }
__scs_overlays_trampoline_lowered:
0x8: {  	[smem:$0x3FAC] =	sst s0  }
0x9: {  	[smem:$0x3FAD] =	sst s1  }
0xa: {  	[smem:$0x3FAE] =	sst s2  }
0xb: {  	[smem:$0x3FAF] =	sst s3  }
0xc: {  	[smem:$0x3FB0] =	sst s4  }
0xd: {  	[smem:$0x3FB1] =	sst s5  }
0xe: {  	[smem:$0x3FB2] =	sst s6  }
0xf: {  	[smem:$0x3FB3] =	sst s7  }
0x10: {  	[smem:$0x3FB4] =	sst s8  }
0x11: {  	[smem:$0x3FB5] =	sst s9;
	s0 =	simm.s32 @!p0 $0x0  }
0x12: {  	s1 =	sld [smem:$0x3F9B];
	s0 =	simm.s32 @p0 $0x1  }
0x13: {  	[smem:$0x3FB6] =	sst s0;
	s0 =	simm.s32 @!p1 $0x0  }
0x14: {  	s2 =	sld [smem:$0x3F9A];
	s0 =	simm.s32 @p1 $0x1  }
0x15: {  	[smem:$0x3FB7] =	sst s0;
	s0 =	simm.s32 @!p2 $0x0  }
0x16: {  	s3 =	sld [smem:$0x3FDB];
	s0 =	simm.s32 @p2 $0x1  }
0x17: {  	s4 =	simm.s32 $0x1BF5;
	[smem:$0x3FB9] =	sst s0  }
0x18: {  	s0 =	sld [smem:$0x3F9C];
	_ =	swait.ge [sflag:s4], $0x0  }
0x19: {  	s7 =	sld [smem:$0x3F9D]  }
0x1a: {  	s8 =	sadd.s32 $0xFFFFE003, lr  }
0x1b: {  	s9 =	sadd.s32 $0xFFFFFEF7, lr;
	s5 =	simm.s32 $0xFFFFFFFF;
	p2 =	slt.u32 s8, $0xFFFFF086  }
0x1c: {  	p1 =	slt.u32 s9, $0xF7A;
	s5 =	simm.s32 @!p2 $0x0  }
0x1d: {  	s5 =	simm.s32 @p1 $0x1;
	p0 =	seq.s32 s7, s2  }
0x1e: {  	s7 =	smul.u32 @!p0 $0xF7A, s2;
	p2 =	seq.s32 @!p0 s5, $0x0  }
0x1f: {  	s9 =	smul.u32 $0xF7A, s1;
	s8 =	simm.s32 @!p0 $0x1BF5;
	p2 =	por !p2, p0  }
0x20: {  	[sflag:s8] =	ssyncset.s32 @!p0 $0xFFFFF086;
	s6 =	sadd.s32 @!p0 s3, s7;
	s7 =	simm.s32 @!p0 $0x108  }
0x21: {  	s3 =	sadd.s32 s3, s9;
	s6 =	sadd.s32 @!p0 $0x88, s6;
	s7 =	simm.s32 @p2 $0x1082  }
0x22: {  	[simem:s7], [sflag:s8] =	dma.local @!p0 [hbm:s6], $0xF7A  }
0x23: {  	s9 =	sor.u32 $0xD0000000, s2;
	s6 =	simm.s32 $0x108;
	_ =	swait.ge @!p0 [sflag:s8], $0x0  }
0x24: {  	s3 =	sadd.s32 $0x88, s3;
	s6 =	simm.s32 @!p1 $0x1082;
	[sflag:s4] =	ssyncset.s32 $0xFFFFF086  }
0x25: {  	[simem:s6], [sflag:s4] =	dma.local [hbm:s3], $0xF7A  }
0x26: {  	[smem:$0x3F9D] =	sst s1;
	(tag) =	ssettag s2;
	_ =	strace s9  }
0x27: {  	s1 =	sld [smem:$0x3FAD]  }
0x28: {  	s2 =	sld [smem:$0x3FAE]  }
0x29: {  	s4 =	sld [smem:$0x3FB0]  }
0x2a: {  	p0 =	seq.s32 s5, $0x0;
	s5 =	sld [smem:$0x3FB1]  }
0x2b: {  	s6 =	sld [smem:$0x3FB2]  }
0x2c: {  	s7 =	sld [smem:$0x3FB3]  }
0x2d: {  	s3 =	simm.s32 $0x108;
	s8 =	sld [smem:$0x3FB4]  }
0x2e: {  	s3 =	simm.s32 @!p0 $0x1082;
	s9 =	sld [smem:$0x3FB5]  }
0x2f: {  	lr =	sadd.s32 s0, s3;
	s0 =	sld [smem:$0x3FAC]  }
0x30: {  	s3 =	sld [smem:$0x3FAF]  }
0x31: {  	[smem:$0x3FB8] =	sst s10  }
0x32: {  	s10 =	sld [smem:$0x3FB6];
	_ =	sdelay $0x3  }
0x33: {  	p0 =	seq.s32 s10, $0x1;
	s10 =	sld [smem:$0x3FB8];
	_ =	sdelay $0x3  }
0x34: {  	[smem:$0x3FB8] =	sst s10  }
0x35: {  	s10 =	sld [smem:$0x3FB7];
	_ =	sdelay $0x3  }
0x36: {  	p1 =	seq.s32 s10, $0x1;
	s10 =	sld [smem:$0x3FB8];
	_ =	sdelay $0x3  }
0x37: {  	[smem:$0x3FB8] =	sst s10  }
0x38: {  	s10 =	sld [smem:$0x3FB9]  }
0x39: {  	_ = 	snop;
	(pc) =	sbr.ind lr, $3  }
0x3a: {  	_ = 	snop  }
0x3b: {  	_ = 	snop  }
0x3c: {  	p2 =	seq.s32 s10, $0x1;
	s10 =	sld [smem:$0x3FB8]  }
0x3d: {  	_ =	shalt  }
0x3e: {  	_ =	shalt  }
0x3f: {  	_ =	shalt  }
0x40: {  	_ =	shalt  }
0x41: {  	_ =	shalt  }
0x42: {  	_ =	shalt  }
0x43: {  	_ =	shalt  }
0x44: {  	_ =	shalt  }
0x45: {  	_ =	shalt  }
0x46: {  	_ =	shalt  }
0x47: {  	_ =	shalt  }
0x48: {  	_ =	shalt  }
0x49: {  	_ =	shalt  }
0x4a: {  	_ =	shalt  }
0x4b: {  	_ =	shalt  }
0x4c: {  	_ =	shalt  }
0x4d: {  	_ =	shalt  }
0x4e: {  	_ =	shalt  }
0x4f: {  	_ =	shalt  }
0x50: {  	_ =	shalt  }
0x51: {  	_ =	shalt  }
0x52: {  	_ =	shalt  }
0x53: {  	_ =	shalt  }
0x54: {  	_ =	shalt  }
0x55: {  	_ =	shalt  }
0x56: {  	_ =	shalt  }
0x57: {  	_ =	shalt  }
0x58: {  	_ =	shalt  }
0x59: {  	_ =	shalt  }
0x5a: {  	_ =	shalt  }
0x5b: {  	_ =	shalt  }
0x5c: {  	_ =	shalt  }
0x5d: {  	_ =	shalt  }
0x5e: {  	_ =	shalt  }
0x5f: {  	_ =	shalt  }
0x60: {  	_ =	shalt  }
0x61: {  	_ =	shalt  }
0x62: {  	_ =	shalt  }
0x63: {  	_ =	shalt  }
0x64: {  	_ =	shalt  }
0x65: {  	_ =	shalt  }
0x66: {  	_ =	shalt  }
0x67: {  	_ =	shalt  }
0x68: {  	_ =	shalt  }
0x69: {  	_ =	shalt  }
0x6a: {  	_ =	shalt  }
0x6b: {  	_ =	shalt  }
0x6c: {  	_ =	shalt  }
0x6d: {  	_ =	shalt  }
0x6e: {  	_ =	shalt  }
0x6f: {  	_ =	shalt  }
0x70: {  	_ =	shalt  }
0x71: {  	_ =	shalt  }
0x72: {  	_ =	shalt  }
0x73: {  	_ =	shalt  }
0x74: {  	_ =	shalt  }
0x75: {  	_ =	shalt  }
0x76: {  	_ =	shalt  }
0x77: {  	_ =	shalt  }
0x78: {  	_ =	shalt  }
0x79: {  	_ =	shalt  }
0x7a: {  	_ =	shalt  }
0x7b: {  	_ =	shalt  }
0x7c: {  	_ =	shalt  }
0x7d: {  	_ =	shalt  }
0x7e: {  	_ =	shalt  }
0x7f: {  	_ =	shalt  }
0x80: {  	_ =	shalt  }
0x81: {  	_ =	shalt  }
0x82: {  	_ =	shalt  }
0x83: {  	_ =	shalt  }
0x84: {  	_ =	shalt  }
0x85: {  	_ =	shalt  }
0x86: {  	_ =	shalt  }
0x87: {  	_ =	shalt  }
.Lfunc_end0:
.L_simem_size_0:
called_computation_lowered:
.L_overlay_start_0:
0x88: {  	s2 =	sld [smem:$0x3FD9]  }
0x89: {  	s3 =	sld [smem:$0x3FFE];
	_ =	sdelay $0x1  }
0x8a: {  	s1 =	srdreg.scid  }
0x8b: {  	s0 =	sand.u32 $0x1, s1  }
0x8c: {  	s17 =	sshll.u32 s0, $0xA;
	s2 =	sadd.s32 s3, s2  }
0x8d: {  	s2 =	sadd.s32 s2, s17  }
0x8e: {  	[smem:$0x3FC4] =	sst s2  }
0x8f: {  	_ = 	snop  }
0x90: {  	s2 =	sld [smem:$0x3FC6]  }
0x91: {  	s18 =	sld [smem:$0x3FD0];
	(tm) =	ssettm $0x1  }
0x92: {  	s4 =	sld [smem:$0x3FFB];
	_ =	sdelay $0x3  }
0x93: {  	_ =	strace s4  }
0x94: {  	s4 =	sld [smem:$0x3FFC];
	_ =	sdelay $0x3  }
0x95: {  	_ =	strace s4  }
0x96: {  	s4 =	sld [smem:$0x3FFD];
	_ =	sdelay $0x3  }
0x97: {  	_ =	strace s4  }
0x98: {  	_ =	strace $0x8FFFFFFF  }
0x99: {  	s19 =	sld [smem:$0x3FDB];
	_ =	sdelay $0x1  }
0x9a: {  	s5 =	simm.s32 $_scs_section_size  }
0x9b: {  	s6 =	simm.s32 $_size__tile_overlayer_lowered;
	s7 =	simm.s32 $_tile_overlayer_lowered  }
0x9c: {  	s22 =	simm.s32 $0x1BFF;
	s21 =	sshll.u32 s7, $0x1;
	s4 =	sadd.s32 s5, s19  }
0x9d: {  	s8 =	simm.s32 $0x0;
	s20 =	sshll.u32 s6, $0x1;
	s6 =	sadd.s32 s21, s4  }
0x9e: {  	[timem:s8], [sflag:s22] =	dma.local [hbm:s6], s20  }
0x9f: {  	_ =	swait.ge [sflag:s22], s20  }
0xa0: {  	s5 =	ssub.s32 $0x0, s20;
	[sflag:s22] =	ssyncset.done $0x0  }
0xa1: {  	[sflag:s22] =	ssyncadd.s32 s5;
	_ =	sdelay $0x1  }
0xa2: {  	s23 =	simm.s32 $0x1B8B  }
0xa3: {  	_ =	swait.ge [sflag:s23], $0x1  }
0xa4: {  	[sflag:s23] =	ssyncset.done $0x0  }
0xa5: {  	s25 =	simm.s32 $0x1B8E;
	s24 =	sld [smem:$0x3FFE];
	[sflag:s23] =	ssyncadd.s32 $0xFFFFFFFF  }
0xa6: {  	s26 =	simm.s32 $execute0_lowered;
	[smem:$0x3FD2] =	sst s25  }
0xa7: {  	s6 =	sshll.u32 s26, $0x1;
	_ =	strace $0x80000046;
	[dreg:$0x1] =	wrdreg $0xFFFFFFFF  }
0xa8: {  	s28 =	simm.s32 $_size_execute0_lowered;
	s4 =	sadd.s32 s4, s6;
	[dreg:$0x0] =	wrdreg $0x0  }
0xa9: {  	s6 =	sshll.u32 s28, $0x1;
	[dreg:$0x2] =	wrdreg s4  }
0xaa: {  	[dreg:$0x3] =	wrdreg s6  }
0xab: {  	[dreg:$0x4] =	wrdreg $0xC0  }
0xac: {  	_ =	task [dreg:s8], $0x5FFFF  }
0xad: {  	[dreg:$0x1] =	wrdreg $0xFFFFFFFF  }
0xae: {  	[dreg:$0x0] =	wrdreg $0x60  }
0xaf: {  	[dreg:$0x2] =	wrdreg s24  }
0xb0: {  	[dreg:$0x3] =	wrdreg s2  }
0xb1: {  	[dreg:$0x4] =	wrdreg s18  }
0xb2: {  	[dreg:$0x5] =	wrdreg $0x9  }
0xb3: {  	_ =	task.clear_ibuf [dreg:s8], $0x6FFFF;
	_ =	strace $0x90000046  }
0xb4: {  	s29 =	simm.s32 $0x9;
	_ =	strace $0x80000048  }
0xb5: {  	_ =	swait.ge [sflag:s29], $0x1  }
0xb6: {  	[sflag:s29] =	ssyncadd.s32 $0xFFFFFFFF  }
0xb7: {  	_ =	strace $0x90000048  }
0xb8: {  	_ =	sfence  }
0xb9: {  	s30 =	sld [smem:$0x0];
	_ =	sdelay $0x2  }
0xba: {  	s31 =	sshll.u32 s1, $0xD;
	s1 =	sshrl.u32 s1, $0x2  }
0xbb: {  	s3 =	sand.u32 $0x4000, s31;
	s1 =	sadd.s32 s1, s30  }
0xbc: {  	s0 =	sor.u32 s3, s0;
	s1 =	sshll.u32 s1, $0x11  }
0xbd: {  	s0 =	sor.u32 s1, s0  }
0xbe: {  	s0 =	sadd.s32 $0x8F2B, s0  }
0xbf: {  	[sflag:s0] =	ssyncadd.remote.s32 $0x1  }
0xc0: {  	_ =	sfence.sel $0xFFFF  }
0xc1: {  	[dreg:$0x0] =	wrdreg $0xFFFFFFFF;
	(pc) =	sbr.abs _section_cstart, $3  }
0xc2: {  	[dreg:$0x1] =	wrdreg $0xFFFFFFFF  }
0xc3: {  	_ =	task.clear_ibuf [dreg:s8], $0x2FFFF;
	_ =	strace $0x9FFFFFFF  }
0xc4: {  	(tm) =	ssettm $0x7FFFFFFF  }
0xc5: {  	_ =	shalt  }
tec
execute0_lowered:
.L_overlay_start_1:
0x0: {  	(tag) =	ssettag $0x1  }
0x1: {  	s0 =	rddreg [dreg:$0x0];
	s1 =	srdreg.scid  }
0x2: {  	s8 =	stileid.u32;
	s3 =	rddreg [dreg:$0x2]  }
0x3: {  	s4 =	simm.s32 $0x0;
	s14 =	simm.s32 $0x80;
	s9 =	simm.s32 $0xCB00  }
0x4: {  	s11 =	simm.s32 $0xB80;
	s13 =	simm.s32 $0xD300;
	s15 =	simm.s32 $0xC00  }
0x5: {  	s16 =	simm.s32 $0xDB00;
	s17 =	simm.s32 $0xC80;
	s18 =	simm.s32 $0xE300  }
0x6: {  	s19 =	simm.s32 $0xD00;
	s20 =	simm.s32 $0xEB00;
	s21 =	simm.s32 $0xD80  }
0x7: {  	s22 =	simm.s32 $0x4;
	s1 =	sand.u32 $0x1, s1;
	s2 =	sshll.u32 s8, $0x1  }
0x8: {  	s23 =	simm.s32 $0x1;
	s24 =	simm.s32 $0x2;
	s2 =	sor.u32 s1, s2  }
0x9: {  	[smem:$0x7FF] =	sst s4;
	s5 =	sadd.s32 $0x1DA600, s0;
	s6 =	smul.u32 $0x18, s2  }
0xa: {  	s7 =	sadd.s32 $0x187E00, s0;
	s1 =	ssub.s32 $0x2, s1;
	s2 =	smin.u32 s2, $0xE  }
.Ltmp0:
0xb: {  	s30 =	sshrl.u32 s1, $0x1;
	s6 =	sadd.s32 s2, s6;
	(pc) =	sbr.rel .LBB2_1-.Ltmp0, $4  }
0xc: {  	p0 =	slt.u32 s8, $0x7;
	s0 =	ssub.s32 s1, s30;
	s2 =	smul.u32 $0x1B0, s6  }
0xd: {  	s8 =	simm.s32 $0x19;
	s10 =	sadd.s32 $0x30D00, s3;
	s0 =	smax.u32 s0, $0x1  }
0xe: {  	_ =	strace $0x80000047;
	[dreg:$0x5] =	wrdreg s0;
	s31 =	sadd.s32 s7, s2  }
0xf: {  	v0 =	vlaneseq.u32;
	s8 =	simm.s32 @!p0 $0x18;
	s1 =	simm.s32 $0x0;
	[dreg:$0x4] =	wrdreg s31  }
.LBB2_21:
0x10: {  	s1 =	rddreg [dreg:$0x6]  }
0x11: {  	s0 =	rddreg [dreg:$0x5];
	s1 =	sadd.s32 $0x1, s1  }
0x12: {  	p0 =	sne.s32 s1, s0  }
.Ltmp1:
0x13: {  	_ = 	snop;
	(pc) =	sbr.rel @!p0 .LBB2_22-.Ltmp1, $1  }
0x14: {  	_ =	sdelay $0x3  }
.LBB2_1:
0x15: {  	s28 =	simm.s32 $0x10  }
0x16: {  	s0 =	rddreg [dreg:$0x1];
	s12 =	simm.s32 $0x30;
	v3 =	vor.u32 s28, v0  }
0x17: {  	s30 =	simm.s32 $0x1D300;
	s26 =	simm.s32 $0x0;
	s29 =	simm.s32 $0x20;
	v6 =	vor.u32 s12, v0;
	v5 =	vmulhi.u32 $0x2F684BDB, v3  }
0x18: {  	[tilespmem:s30], [sflag:$0x3] =	stream.linear.gather [hbm4b:s0+s4], $0x10, $0x38;
	v2 =	vor.u32 s26, v0;
	v15 =	vmulhi.u32 $0x2F684BDB, v6;
	[tilespmem:$0x1D310] =	vst v63  }
0x19: {  	s28 =	simm.s32 $0x40;
	v9 =	vor.u32 s29, v0;
	v46 =	vmulhi.u32 $0x2F684BDB, v2  }
0x1a: {  	s30 =	simm.s32 $0x60;
	v7 =	vor.u32 s28, v0;
	v53 =	vmulhi.u32 $0x2F684BDB, v9  }
0x1b: {  	s28 =	simm.s32 $0x50;
	v11 =	vor.u32 s30, v0;
	v10 =	vmulhi.u32 $0x2F684BDB, v7  }
0x1c: {  	v13 =	vor.u32 s28, v0;
	v14 =	vmulhi.u32 $0x2F684BDB, v11;
	v12 =	vsub.s32 v3, v5  }
0x1d: {  	v16 =	vmulhi.u32 $0x2F684BDB, v13;
	v19 =	vsub.s32 v6, v15;
	v51 =	vsub.s32 v2, v46  }
0x1e: {  	[dreg:$0x6] =	wrdreg s1;
	s31 =	simm.s32 $0x3;
	v55 =	vsub.s32 v9, v53;
	v12 =	vshrl.u32 v12, $0x1;
	v17 =	vsub.s32 v11, v14  }
0x1f: {  	_ =	swait.ge [sflag:s31], $0x10;
	v18 =	vsub.s32 v7, v10;
	v35 =	vshrl.u32 v19, $0x1;
	v52 =	vshrl.u32 v51, $0x1  }
0x20: {  	[sflag:s31] =	ssyncset.done $0x0;
	v17 =	vshrl.u32 v17, $0x1;
	v18 =	vshrl.u32 v18, $0x1;
	v34 =	vsub.s32 v13, v16  }
0x21: {  	s2 =	rddreg [dreg:$0x4];
	[sflag:s31] =	ssyncadd.s32 $0xFFFFFFF0;
	v15 =	vadd.s32 v15, v35;
	v5 =	vadd.s32 v5, v12;
	v14 =	vadd.s32 v14, v17  }
0x22: {  	[tilespmem:s4], [sflag:$0x3] =	stream.linear.gather [hbm4b:s2+s4], $0xD80, $0x38;
	v10 =	vadd.s32 v10, v18;
	v17 =	vshrl.u32 v34, $0x1;
	v15 =	vshrl.u32 v15, $0x4;
	[tilespmem:$0x1D310] =	vst v63  }
0x23: {  	_ =	swait.ge [sflag:s31], $0xD80;
	v5 =	vshrl.u32 v5, $0x4;
	v14 =	vshrl.u32 v14, $0x4;
	v10 =	vshrl.u32 v10, $0x4  }
0x24: {  	[sflag:s31] =	ssyncset.done $0x0;
	v16 =	vadd.s32 v16, v17;
	v15 =	vmul.u32 $0x1B, v15;
	v5 =	vmul.u32 $0x1B, v5  }
0x25: {  	s25 =	simm.s32 $0x40;
	[sflag:s31] =	ssyncadd.s32 $0xFFFFF280;
	s31 =	simm.s32 $0x70;
	v14 =	vmul.u32 $0x1B, v14;
	v10 =	vmul.u32 $0x1B, v10;
	v38 =	vshrl.u32 v16, $0x4  }
0x26: {  	v1 =	vld [tilespmem:s25+$0x0];
	v54 =	vor.u32 s31, v0;
	v42 =	vmul.u32 $0x1B, v38;
	v6 =	vsub.s32 v6, v15  }
0x27: {  	v4 =	vld [tilespmem:s25+$0xFFFFFFD0];
	v56 =	vmulhi.u32 $0x2F684BDB, v54;
	v3 =	vsub.s32 v3, v5;
	v11 =	vsub.s32 v11, v14  }
0x28: {  	v8 =	vld [tilespmem:s25+$0x30];
	v7 =	vsub.s32 v7, v10;
	v49 =	vand.u32 $0x7, v6;
	v6 =	vshrl.u32 v6, $0x3  }
0x29: {  	v20 =	vld [tilespmem:s25+$0x10];
	v60 =	vshrl.u32 v3, $0x3;
	v3 =	vand.u32 $0x7, v3;
	v40 =	vshrl.u32 v11, $0x3  }
0x2a: {  	v36 =	vld [tilespmem:s25+$0x20];
	v44 =	vshrl.u32 v7, $0x3;
	v7 =	vand.u32 $0x7, v7;
	v11 =	vand.u32 $0x7, v11  }
0x2b: {  	v37 =	vld [tilespmem:s25+$0xFFFFFFC0];
	v10 =	vsub.s32 v13, v42;
	v6 =	vmul.u32 $0xC3500, v6;
	v57 =	vsub.s32 v54, v56  }
0x2c: {  	v41 =	vld [tilespmem:s25+$0xFFFFFFF0];
	v43 =	vmul.u32 $0xC3500, v40;
	v45 =	vmul.u32 $0xC3500, v44;
	v48 =	vshrl.u32 v10, $0x3  }
0x2d: {  	v58 =	vshrl.u32 v57, $0x1;
	v1 =	vshll.u32 v1, $0x3;
	v4 =	vshll.u32 v4, $0x3  }
0x2e: {  	v8 =	vshll.u32 v8, $0x3;
	v39 =	vshll.u32 v20, $0x3;
	v1 =	vadd.s32 v45, v1  }
0x2f: {  	v1 =	vor.u32 v7, v1;
	v7 =	vand.u32 $0x7, v10;
	v10 =	vadd.s32 v46, v52  }
0x30: {  	v19 =	vshll.u32 v36, $0x3;
	v18 =	vshll.u32 v37, $0x3;
	v10 =	vshrl.u32 v10, $0x4  }
0x31: {  	v47 =	vshll.u32 v41, $0x3;
	v14 =	vadd.s32 v43, v19;
	v10 =	vmul.u32 $0x1B, v10  }
0x32: {  	v50 =	vmul.u32 $0xC3500, v48;
	v19 =	vshrl.u32 v55, $0x1;
	v11 =	vor.u32 v11, v14  }
0x33: {  	v15 =	vadd.s32 v53, v19;
	v2 =	vsub.s32 v2, v10;
	v10 =	vadd.s32 v56, v58  }
0x34: {  	v12 =	vadd.s32 v50, v39;
	v15 =	vshrl.u32 v15, $0x4;
	v5 =	vshrl.u32 v10, $0x4  }
0x35: {  	v59 =	vshrl.u32 v2, $0x3;
	v10 =	vmul.u32 $0xC3500, v60;
	v5 =	vmul.u32 $0x1B, v5  }
0x36: {  	v7 =	vor.u32 v7, v12;
	v15 =	vmul.u32 $0x1B, v15;
	v16 =	vmul.u32 $0xC3500, v59  }
0x37: {  	v61 =	vld [tilespmem:s25+$0xFFFFFFE0];
	v2 =	vand.u32 $0x7, v2;
	v4 =	vadd.s32 v10, v4;
	v5 =	vsub.s32 v54, v5  }
0x38: {  	[tilespmem:s25+$0x0] =	vst v1;
	v16 =	vadd.s32 v16, v18;
	v1 =	vor.u32 v3, v4;
	v62 =	vshrl.u32 v5, $0x3  }
0x39: {  	[tilespmem:s25+$0x20] =	vst v11;
	v3 =	vsub.s32 v9, v15;
	v2 =	vor.u32 v2, v16;
	v4 =	vmul.u32 $0xC3500, v62  }
0x3a: {  	v63 =	vand.u32 $0x7, v5;
	v5 =	vshrl.u32 v3, $0x3;
	[tilespmem:s25+$0xFFFFFFD0] =	vst v1;
	v1 =	vadd.s32 v6, v47  }
0x3b: {  	[tilespmem:s25+$0xFFFFFFC0] =	vst v2;
	v2 =	vand.u32 $0x7, v3;
	v3 =	vmul.u32 $0xC3500, v5;
	v6 =	vadd.s32 v4, v8  }
0x3c: {  	s26 =	simm.s32 $0xF0;
	s28 =	simm.s32 $0xC0;
	[tilespmem:s25+$0x10] =	vst v7;
	v5 =	vor.u32 v49, v1;
	v4 =	vshll.u32 v61, $0x3;
	v1 =	vor.u32 v63, v6  }
.LBB2_2:
0x3d: {  	s30 =	sadd.s32 $0xFFFFFF90, s26  }
0x3e: {  	s31 =	sadd.s32 $0xFFFFFFA0, s26;
	s1 =	sadd.s32 $0xFFFFFFB0, s26;
	v6 =	vld [tilespmem:s28+$0x0];
	v4 =	vadd.s32 v3, v4;
	[tilespmem:s25+$0xFFFFFFF0] =	vst v5;
	s29 =	smov.u32 s26  }
0x3f: {  	s0 =	sadd.s32 $0xFFFFFFE0, s26;
	v5 =	vor.u32 s30, v0;
	v3 =	vor.u32 s31, v0;
	v7 =	vld [tilespmem:s28+$0xFFFFFFD0];
	s30 =	sadd.s32 $0xFFFFFFC0, s26;
	s31 =	sadd.s32 $0xFFFFFFD0, s26;
	v2 =	vor.u32 v2, v4;
	[tilespmem:s25+$0x30] =	vst v1  }
0x40: {  	p0 =	sne.s32 s26, $0xD70;
	s26 =	sadd.s32 $0x80, s26;
	v4 =	vmulhi.u32 $0x2F684BDB, v3;
	v8 =	vor.u32 s30, v0;
	v9 =	vor.u32 s31, v0;
	s30 =	sadd.s32 $0xFFFFFFF0, s29;
	v10 =	vld [tilespmem:s28+$0x30];
	[tilespmem:s25+$0xFFFFFFE0] =	vst v2  }
0x41: {  	v2 =	vor.u32 s1, v0;
	s25 =	smov.u32 s28;
	v1 =	vld [tilespmem:s28+$0xFFFFFFE0];
	v11 =	vmulhi.u32 $0x2F684BDB, v9;
	v12 =	vor.u32 s30, v0  }
0x42: {  	v14 =	vor.u32 s0, v0;
	v13 =	vsub.s32 v3, v4;
	v15 =	vmulhi.u32 $0x2F684BDB, v12  }
0x43: {  	v16 =	vmulhi.u32 $0x2F684BDB, v8;
	v13 =	vshrl.u32 v13, $0x1;
	v6 =	vshll.u32 v6, $0x3  }
0x44: {  	v17 =	vmulhi.u32 $0x2F684BDB, v14;
	v7 =	vshll.u32 v7, $0x3;
	v18 =	vsub.s32 v12, v15  }
0x45: {  	v19 =	vsub.s32 v9, v11;
	v18 =	vshrl.u32 v18, $0x1;
	v10 =	vshll.u32 v10, $0x3  }
0x46: {  	v20 =	vsub.s32 v8, v16;
	v19 =	vshrl.u32 v19, $0x1;
	v21 =	vld [tilespmem:s28+$0x10];
	v15 =	vadd.s32 v15, v18  }
0x47: {  	v11 =	vadd.s32 v11, v19;
	v18 =	vsub.s32 v14, v17;
	v15 =	vshrl.u32 v15, $0x4  }
0x48: {  	v19 =	vshrl.u32 v20, $0x1;
	v11 =	vshrl.u32 v11, $0x4;
	v15 =	vmul.u32 $0x1B, v15;
	v20 =	vld [tilespmem:s28+$0x20]  }
0x49: {  	v16 =	vadd.s32 v16, v19;
	v11 =	vmul.u32 $0x1B, v11;
	v18 =	vshrl.u32 v18, $0x1  }
0x4a: {  	v16 =	vshrl.u32 v16, $0x4;
	v17 =	vadd.s32 v17, v18;
	v19 =	vld [tilespmem:s28+$0xFFFFFFC0];
	v12 =	vsub.s32 v12, v15  }
0x4b: {  	v15 =	vshrl.u32 v17, $0x4;
	v17 =	vshll.u32 v21, $0x3;
	v18 =	vshrl.u32 v12, $0x3  }
0x4c: {  	v9 =	vsub.s32 v9, v11;
	v11 =	vmul.u32 $0x1B, v15;
	v21 =	vld [tilespmem:s28+$0xFFFFFFF0];
	v15 =	vmul.u32 $0xC3500, v18  }
0x4d: {  	v16 =	vmul.u32 $0x1B, v16;
	v18 =	vshrl.u32 v9, $0x3;
	v20 =	vshll.u32 v20, $0x3  }
0x4e: {  	v12 =	vand.u32 $0x7, v12;
	v9 =	vand.u32 $0x7, v9;
	v15 =	vadd.s32 v15, v20  }
0x4f: {  	v11 =	vsub.s32 v14, v11;
	v19 =	vshll.u32 v19, $0x3;
	v12 =	vor.u32 v12, v15  }
0x50: {  	v4 =	vadd.s32 v4, v13;
	v8 =	vsub.s32 v8, v16;
	v13 =	vmul.u32 $0xC3500, v18;
	[tilespmem:s28+$0x20] =	vst v12  }
0x51: {  	v15 =	vshrl.u32 v11, $0x3;
	v12 =	vmulhi.u32 $0x2F684BDB, v5;
	v14 =	vshll.u32 v21, $0x3  }
0x52: {  	v16 =	vand.u32 $0x7, v8;
	v6 =	vadd.s32 v13, v6;
	v13 =	vmul.u32 $0xC3500, v15  }
0x53: {  	v6 =	vor.u32 v9, v6;
	v9 =	vand.u32 $0x7, v11;
	v15 =	vsub.s32 v5, v12  }
0x54: {  	v8 =	vshrl.u32 v8, $0x3;
	v11 =	vshrl.u32 v15, $0x1;
	v15 =	vmulhi.u32 $0x2F684BDB, v2;
	[tilespmem:s28+$0x0] =	vst v6  }
0x55: {  	v8 =	vmul.u32 $0xC3500, v8;
	v6 =	vadd.s32 v12, v11;
	v11 =	vor.u32 s29, v0  }
0x56: {  	v6 =	vshrl.u32 v6, $0x4;
	v12 =	vsub.s32 v2, v15;
	v18 =	vmulhi.u32 $0x2F684BDB, v11  }
0x57: {  	v13 =	vadd.s32 v13, v17;
	v6 =	vmul.u32 $0x1B, v6;
	v12 =	vshrl.u32 v12, $0x1  }
0x58: {  	v4 =	vshrl.u32 v4, $0x4;
	v12 =	vadd.s32 v15, v12;
	v15 =	vsub.s32 v11, v18  }
0x59: {  	v4 =	vmul.u32 $0x1B, v4;
	v5 =	vsub.s32 v5, v6;
	v6 =	vshrl.u32 v15, $0x1  }
0x5a: {  	v15 =	vshrl.u32 v5, $0x3;
	v5 =	vand.u32 $0x7, v5;
	v6 =	vadd.s32 v18, v6  }
0x5b: {  	v3 =	vsub.s32 v3, v4;
	v15 =	vmul.u32 $0xC3500, v15;
	v4 =	vshrl.u32 v6, $0x4  }
0x5c: {  	v6 =	vshrl.u32 v3, $0x3;
	v3 =	vand.u32 $0x7, v3;
	v4 =	vmul.u32 $0x1B, v4  }
0x5d: {  	v12 =	vshrl.u32 v12, $0x4;
	v6 =	vmul.u32 $0xC3500, v6;
	v15 =	vadd.s32 v15, v19  }
0x5e: {  	v12 =	vmul.u32 $0x1B, v12;
	v5 =	vor.u32 v5, v15;
	v4 =	vsub.s32 v11, v4  }
.Ltmp2:
0x5f: {  	[tilespmem:s28+$0xFFFFFFC0] =	vst v5;
	v5 =	vadd.s32 v6, v7;
	v6 =	vshrl.u32 v4, $0x3;
	v7 =	vand.u32 $0x7, v4;
	(pc) =	sbr.rel @p0 .LBB2_2-.Ltmp2, $4  }
0x60: {  	v2 =	vsub.s32 v2, v12;
	v3 =	vor.u32 v3, v5;
	v4 =	vmul.u32 $0xC3500, v6  }
0x61: {  	v5 =	vor.u32 v9, v13;
	[tilespmem:s28+$0xFFFFFFD0] =	vst v3;
	v3 =	vshrl.u32 v2, $0x3;
	v2 =	vand.u32 $0x7, v2  }
0x62: {  	v6 =	vadd.s32 v8, v14;
	v3 =	vmul.u32 $0xC3500, v3;
	[tilespmem:s28+$0x10] =	vst v5;
	v8 =	vadd.s32 v4, v10  }
0x63: {  	v4 =	vshll.u32 v1, $0x3;
	v5 =	vor.u32 v16, v6;
	s28 =	sadd.s32 $0x80, s28;
	v1 =	vor.u32 v7, v8  }
0x64: {  	v3 =	vadd.s32 v3, v4;
	[tilespmem:s25+$0xFFFFFFF0] =	vst v5  }
0x65: {  	[tilespmem:s25+$0x30] =	vst v1;
	v2 =	vor.u32 v2, v3  }
0x66: {  	s0 =	simm.s32 $0x1B00;
	[tilespmem:s25+$0xFFFFFFE0] =	vst v2;
	s25 =	simm.s32 $0x0  }
0x67: {  	[tilespmem:s0], [sflag:$0x1] =	stream.indirect.gather [hbm4b:s5+s14], $0x10, s25, s14, $0xb8;
	[tilespmem:$0x1D310] =	vst v63  }
0x68: {  	s30 =	simm.s32 $0x2300  }
0x69: {  	[tilespmem:s30], [sflag:$0x1] =	stream.indirect.gather [hbm4b:s5+s14], $0x10, s14, s14, $0xb8;
	[tilespmem:$0x1D310] =	vst v63  }
0x6a: {  	s31 =	simm.s32 $0x100;
	s1 =	simm.s32 $0x2B00  }
0x6b: {  	[tilespmem:s1], [sflag:$0x1] =	stream.indirect.gather [hbm4b:s5+s14], $0x10, s31, s14, $0xb8;
	[tilespmem:$0x1D310] =	vst v63  }
0x6c: {  	s2 =	simm.s32 $0x3300;
	s1 =	simm.s32 $0x180  }
0x6d: {  	[tilespmem:s2], [sflag:$0x1] =	stream.indirect.gather [hbm4b:s5+s14], $0x10, s1, s14, $0xb8;
	[tilespmem:$0x1D310] =	vst v63  }
0x6e: {  	s12 =	simm.s32 $0x200;
	s26 =	simm.s32 $0x3B00  }
0x6f: {  	[tilespmem:s26], [sflag:$0x1] =	stream.indirect.gather [hbm4b:s5+s14], $0x10, s12, s14, $0xb8;
	[tilespmem:$0x1D310] =	vst v63  }
0x70: {  	s28 =	simm.s32 $0x280;
	s29 =	simm.s32 $0x4300  }
0x71: {  	[tilespmem:s29], [sflag:$0x1] =	stream.indirect.gather [hbm4b:s5+s14], $0x10, s28, s14, $0xb8;
	[tilespmem:$0x1D310] =	vst v63  }
0x72: {  	s30 =	simm.s32 $0x300;
	s31 =	simm.s32 $0x4B00  }
0x73: {  	[tilespmem:s31], [sflag:$0x1] =	stream.indirect.gather [hbm4b:s5+s14], $0x10, s30, s14, $0xb8;
	[tilespmem:$0x1D310] =	vst v63  }
0x74: {  	s1 =	simm.s32 $0x380;
	s2 =	simm.s32 $0x5300  }
0x75: {  	[tilespmem:s2], [sflag:$0x1] =	stream.indirect.gather [hbm4b:s5+s14], $0x10, s1, s14, $0xb8;
	[tilespmem:$0x1D310] =	vst v63  }
0x76: {  	s12 =	simm.s32 $0x400;
	s26 =	simm.s32 $0x5B00  }
0x77: {  	[tilespmem:s26], [sflag:$0x1] =	stream.indirect.gather [hbm4b:s5+s14], $0x10, s12, s14, $0xb8;
	[tilespmem:$0x1D310] =	vst v63  }
0x78: {  	s28 =	simm.s32 $0x480;
	s29 =	simm.s32 $0x6300  }
0x79: {  	[tilespmem:s29], [sflag:$0x1] =	stream.indirect.gather [hbm4b:s5+s14], $0x10, s28, s14, $0xb8;
	[tilespmem:$0x1D310] =	vst v63  }
0x7a: {  	s30 =	simm.s32 $0x500;
	s31 =	simm.s32 $0x6B00  }
0x7b: {  	[tilespmem:s31], [sflag:$0x1] =	stream.indirect.gather [hbm4b:s5+s14], $0x10, s30, s14, $0xb8;
	[tilespmem:$0x1D310] =	vst v63  }
0x7c: {  	s1 =	simm.s32 $0x580;
	s2 =	simm.s32 $0x7300  }
0x7d: {  	[tilespmem:s2], [sflag:$0x1] =	stream.indirect.gather [hbm4b:s5+s14], $0x10, s1, s14, $0xb8;
	[tilespmem:$0x1D310] =	vst v63  }
0x7e: {  	s12 =	simm.s32 $0x600;
	s26 =	simm.s32 $0x7B00  }
0x7f: {  	[tilespmem:s26], [sflag:$0x1] =	stream.indirect.gather [hbm4b:s5+s14], $0x10, s12, s14, $0xb8;
	[tilespmem:$0x1D310] =	vst v63  }
0x80: {  	s28 =	simm.s32 $0x680;
	s29 =	simm.s32 $0x8300  }
0x81: {  	[tilespmem:s29], [sflag:$0x1] =	stream.indirect.gather [hbm4b:s5+s14], $0x10, s28, s14, $0xb8;
	[tilespmem:$0x1D310] =	vst v63  }
0x82: {  	s30 =	simm.s32 $0x700;
	s31 =	simm.s32 $0x8B00  }
0x83: {  	[tilespmem:s31], [sflag:$0x1] =	stream.indirect.gather [hbm4b:s5+s14], $0x10, s30, s14, $0xb8;
	[tilespmem:$0x1D310] =	vst v63  }
0x84: {  	s1 =	simm.s32 $0x780;
	s2 =	simm.s32 $0x9300  }
0x85: {  	[tilespmem:s2], [sflag:$0x1] =	stream.indirect.gather [hbm4b:s5+s14], $0x10, s1, s14, $0xb8;
	[tilespmem:$0x1D310] =	vst v63  }
0x86: {  	s12 =	simm.s32 $0x800;
	s26 =	simm.s32 $0x9B00  }
0x87: {  	[tilespmem:s26], [sflag:$0x1] =	stream.indirect.gather [hbm4b:s5+s14], $0x10, s12, s14, $0xb8;
	[tilespmem:$0x1D310] =	vst v63  }
0x88: {  	s28 =	simm.s32 $0x880;
	s29 =	simm.s32 $0xA300  }
0x89: {  	[tilespmem:s29], [sflag:$0x1] =	stream.indirect.gather [hbm4b:s5+s14], $0x10, s28, s14, $0xb8;
	[tilespmem:$0x1D310] =	vst v63  }
0x8a: {  	s30 =	simm.s32 $0x900;
	s31 =	simm.s32 $0xAB00  }
0x8b: {  	[tilespmem:s31], [sflag:$0x1] =	stream.indirect.gather [hbm4b:s5+s14], $0x10, s30, s14, $0xb8;
	[tilespmem:$0x1D310] =	vst v63  }
0x8c: {  	s2 =	simm.s32 $0x980;
	s12 =	simm.s32 $0xB300  }
0x8d: {  	[tilespmem:s12], [sflag:$0x1] =	stream.indirect.gather [hbm4b:s5+s14], $0x10, s2, s14, $0xb8;
	[tilespmem:$0x1D310] =	vst v63  }
0x8e: {  	s26 =	simm.s32 $0xA00;
	s28 =	simm.s32 $0xBB00  }
0x8f: {  	[tilespmem:s28], [sflag:$0x1] =	stream.indirect.gather [hbm4b:s5+s14], $0x10, s26, s14, $0xb8;
	[tilespmem:$0x1D310] =	vst v63  }
0x90: {  	s29 =	simm.s32 $0xA80;
	s30 =	simm.s32 $0xC300  }
0x91: {  	[tilespmem:s30], [sflag:$0x1] =	stream.indirect.gather [hbm4b:s5+s14], $0x10, s29, s14, $0xb8;
	[tilespmem:$0x1D310] =	vst v63  }
0x92: {  	s31 =	simm.s32 $0xB00  }
0x93: {  	[tilespmem:s9], [sflag:$0x1] =	stream.indirect.gather [hbm4b:s5+s14], $0x10, s31, s14, $0xb8;
	[tilespmem:$0x1D310] =	vst v63  }
0x94: {  	_ = 	snop  }
0x95: {  	[tilespmem:s13], [sflag:$0x1] =	stream.indirect.gather [hbm4b:s5+s14], $0x10, s11, s14, $0xb8;
	[tilespmem:$0x1D310] =	vst v63  }
0x96: {  	_ = 	snop  }
0x97: {  	[tilespmem:s16], [sflag:$0x1] =	stream.indirect.gather [hbm4b:s5+s14], $0x10, s15, s14, $0xb8;
	[tilespmem:$0x1D310] =	vst v63  }
.Ltmp3:
0x98: {  	_ = 	snop;
	(pc) =	sbr.rel .LBB2_4-.Ltmp3, $4  }
0x99: {  	_ = 	snop  }
0x9a: {  	[tilespmem:s18], [sflag:$0x1] =	stream.indirect.gather [hbm4b:s5+s14], $0x10, s17, s14, $0xb8;
	[tilespmem:$0x1D310] =	vst v63  }
0x9b: {  	_ = 	snop  }
0x9c: {  	[tilespmem:s20], [sflag:$0x1] =	stream.indirect.gather [hbm4b:s5+s14], $0x10, s19, s14, $0xb8;
	[tilespmem:$0x1D310] =	vst v63  }
.LBB2_20:
0x9d: {  	s25 =	sadd.s32 $0x1, s25  }
0x9e: {  	p0 =	sne.s32 s25, $0xD  }
.Ltmp4:
0x9f: {  	_ = 	snop;
	(pc) =	sbr.rel @!p0 .LBB2_21-.Ltmp4, $1  }
0xa0: {  	_ =	sdelay $0x3  }
.LBB2_4:
0xa1: {  	s0 =	sshllo.u32 s25, $0x1  }
0xa2: {  	p0 =	sge.u32 s0, s8  }
.Ltmp5:
0xa3: {  	_ = 	snop;
	(pc) =	sbr.rel @p0 .LBB2_8-.Ltmp5, $2  }
0xa4: {  	_ =	sdelay $0x2  }
0xa5: {  	s26 =	sadd.s32 s6, s0  }
0xa6: {  	s1 =	simm.s32 $0x10  }
0xa7: {  	s31 =	simm.s32 $0x40;
	v3 =	vor.u32 s1, v0  }
0xa8: {  	s12 =	simm.s32 $0x30;
	v7 =	vor.u32 s31, v0;
	v5 =	vmulhi.u32 $0x2F684BDB, v3  }
0xa9: {  	s2 =	simm.s32 $0x0;
	v6 =	vor.u32 s12, v0;
	v10 =	vmulhi.u32 $0x2F684BDB, v7  }
0xaa: {  	s29 =	simm.s32 $0x20;
	v2 =	vor.u32 s2, v0;
	v15 =	vmulhi.u32 $0x2F684BDB, v6  }
0xab: {  	s2 =	simm.s32 $0x60;
	v9 =	vor.u32 s29, v0;
	v46 =	vmulhi.u32 $0x2F684BDB, v2  }
0xac: {  	s12 =	simm.s32 $0x50;
	v11 =	vor.u32 s2, v0;
	v53 =	vmulhi.u32 $0x2F684BDB, v9  }
0xad: {  	s31 =	simm.s32 $0x70;
	v13 =	vor.u32 s12, v0;
	v14 =	vmulhi.u32 $0x2F684BDB, v11  }
0xae: {  	v54 =	vor.u32 s31, v0;
	v16 =	vmulhi.u32 $0x2F684BDB, v13  }
0xaf: {  	s0 =	smul.u32 $0x1B0, s26;
	v56 =	vmulhi.u32 $0x2F684BDB, v54;
	v12 =	vsub.s32 v3, v5  }
0xb0: {  	v18 =	vsub.s32 v7, v10;
	v19 =	vsub.s32 v6, v15;
	v51 =	vsub.s32 v2, v46  }
0xb1: {  	s0 =	sadd.s32 s7, s0;
	v55 =	vsub.s32 v9, v53;
	v12 =	vshrl.u32 v12, $0x1;
	v17 =	vsub.s32 v11, v14  }
0xb2: {  	[tilespmem:s21], [sflag:$0x4] =	stream.linear.gather [hbm4b:s0+s4], $0xD80, $0x38;
	v18 =	vshrl.u32 v18, $0x1;
	v34 =	vsub.s32 v13, v16;
	v35 =	vshrl.u32 v19, $0x1;
	[tilespmem:$0x1D310] =	vst v63  }
0xb3: {  	_ =	swait.ge [sflag:s22], $0xD80;
	v52 =	vshrl.u32 v51, $0x1;
	v57 =	vsub.s32 v54, v56;
	v17 =	vshrl.u32 v17, $0x1  }
0xb4: {  	[sflag:s22] =	ssyncset.done $0x0;
	v10 =	vadd.s32 v10, v18;
	v15 =	vadd.s32 v15, v35;
	v5 =	vadd.s32 v5, v12  }
0xb5: {  	s28 =	simm.s32 $0xDC0;
	[sflag:s22] =	ssyncadd.s32 $0xFFFFF280;
	v14 =	vadd.s32 v14, v17;
	v10 =	vshrl.u32 v10, $0x4;
	v17 =	vshrl.u32 v34, $0x1  }
0xb6: {  	v1 =	vld [tilespmem:s28+$0x0];
	v15 =	vshrl.u32 v15, $0x4;
	v5 =	vshrl.u32 v5, $0x4;
	v14 =	vshrl.u32 v14, $0x4  }
0xb7: {  	v4 =	vld [tilespmem:s28+$0xFFFFFFD0];
	v10 =	vmul.u32 $0x1B, v10;
	v16 =	vadd.s32 v16, v17;
	v15 =	vmul.u32 $0x1B, v15  }
0xb8: {  	v8 =	vld [tilespmem:s28+$0x30];
	v5 =	vmul.u32 $0x1B, v5;
	v14 =	vmul.u32 $0x1B, v14;
	v38 =	vshrl.u32 v16, $0x4  }
0xb9: {  	v58 =	vshrl.u32 v57, $0x1;
	v20 =	vld [tilespmem:s28+$0x10];
	v7 =	vsub.s32 v7, v10;
	v42 =	vmul.u32 $0x1B, v38  }
0xba: {  	v36 =	vld [tilespmem:s28+$0x20];
	v6 =	vsub.s32 v6, v15;
	v3 =	vsub.s32 v3, v5;
	v11 =	vsub.s32 v11, v14  }
0xbb: {  	v44 =	vshrl.u32 v7, $0x3;
	v7 =	vand.u32 $0x7, v7;
	v49 =	vand.u32 $0x7, v6  }
0xbc: {  	v37 =	vld [tilespmem:s28+$0xFFFFFFC0];
	v6 =	vshrl.u32 v6, $0x3;
	v60 =	vshrl.u32 v3, $0x3;
	v3 =	vand.u32 $0x7, v3  }
0xbd: {  	v41 =	vld [tilespmem:s28+$0xFFFFFFF0];
	v1 =	vshll.u32 v1, $0x3;
	v4 =	vshll.u32 v4, $0x3;
	v8 =	vshll.u32 v8, $0x3  }
0xbe: {  	v39 =	vshll.u32 v20, $0x3;
	v40 =	vshrl.u32 v11, $0x3;
	v45 =	vmul.u32 $0xC3500, v44  }
0xbf: {  	v19 =	vshll.u32 v36, $0x3;
	v11 =	vand.u32 $0x7, v11;
	v10 =	vsub.s32 v13, v42  }
0xc0: {  	v43 =	vmul.u32 $0xC3500, v40;
	v48 =	vshrl.u32 v10, $0x3;
	v1 =	vadd.s32 v45, v1  }
0xc1: {  	v1 =	vor.u32 v7, v1;
	v7 =	vand.u32 $0x7, v10;
	v10 =	vadd.s32 v46, v52  }
0xc2: {  	v18 =	vshll.u32 v37, $0x3;
	v47 =	vshll.u32 v41, $0x3;
	v10 =	vshrl.u32 v10, $0x4  }
0xc3: {  	v6 =	vmul.u32 $0xC3500, v6;
	v14 =	vadd.s32 v43, v19;
	v10 =	vmul.u32 $0x1B, v10  }
0xc4: {  	v50 =	vmul.u32 $0xC3500, v48;
	v19 =	vshrl.u32 v55, $0x1;
	v11 =	vor.u32 v11, v14  }
0xc5: {  	v15 =	vadd.s32 v53, v19;
	v2 =	vsub.s32 v2, v10;
	v10 =	vadd.s32 v56, v58  }
0xc6: {  	v12 =	vadd.s32 v50, v39;
	v15 =	vshrl.u32 v15, $0x4;
	v5 =	vshrl.u32 v10, $0x4  }
0xc7: {  	v59 =	vshrl.u32 v2, $0x3;
	v10 =	vmul.u32 $0xC3500, v60;
	v5 =	vmul.u32 $0x1B, v5  }
0xc8: {  	v7 =	vor.u32 v7, v12;
	v15 =	vmul.u32 $0x1B, v15;
	v16 =	vmul.u32 $0xC3500, v59  }
0xc9: {  	v61 =	vld [tilespmem:s28+$0xFFFFFFE0];
	v2 =	vand.u32 $0x7, v2;
	v4 =	vadd.s32 v10, v4;
	v5 =	vsub.s32 v54, v5  }
0xca: {  	[tilespmem:s28+$0x0] =	vst v1;
	v16 =	vadd.s32 v16, v18;
	v1 =	vor.u32 v3, v4;
	v62 =	vshrl.u32 v5, $0x3  }
0xcb: {  	[tilespmem:s28+$0x20] =	vst v11;
	v3 =	vsub.s32 v9, v15;
	v2 =	vor.u32 v2, v16;
	v4 =	vmul.u32 $0xC3500, v62  }
0xcc: {  	v63 =	vand.u32 $0x7, v5;
	v5 =	vshrl.u32 v3, $0x3;
	[tilespmem:s28+$0xFFFFFFD0] =	vst v1;
	v1 =	vadd.s32 v6, v47  }
0xcd: {  	[tilespmem:s28+$0xFFFFFFC0] =	vst v2;
	v2 =	vand.u32 $0x7, v3;
	v3 =	vmul.u32 $0xC3500, v5;
	v6 =	vadd.s32 v4, v8  }
0xce: {  	s30 =	simm.s32 $0xE40;
	s29 =	simm.s32 $0xF0;
	[tilespmem:s28+$0x10] =	vst v7;
	v5 =	vor.u32 v49, v1;
	v4 =	vshll.u32 v61, $0x3;
	v1 =	vor.u32 v63, v6  }
.LBB2_6:
0xcf: {  	s0 =	sadd.s32 $0xFFFFFF90, s29  }
0xd0: {  	s1 =	sadd.s32 $0xFFFFFFA0, s29;
	s2 =	sadd.s32 $0xFFFFFFB0, s29;
	v6 =	vld [tilespmem:s30+$0x0];
	v4 =	vadd.s32 v3, v4;
	[tilespmem:s28+$0xFFFFFFF0] =	vst v5;
	s31 =	smov.u32 s29  }
0xd1: {  	s12 =	sadd.s32 $0xFFFFFFE0, s29;
	v5 =	vor.u32 s0, v0;
	v3 =	vor.u32 s1, v0;
	v7 =	vld [tilespmem:s30+$0xFFFFFFD0];
	s0 =	sadd.s32 $0xFFFFFFC0, s29;
	s1 =	sadd.s32 $0xFFFFFFD0, s29;
	v2 =	vor.u32 v2, v4;
	[tilespmem:s28+$0x30] =	vst v1  }
0xd2: {  	p1 =	sne.s32 s29, $0xD70;
	s29 =	sadd.s32 $0x80, s29;
	v4 =	vmulhi.u32 $0x2F684BDB, v3;
	v8 =	vor.u32 s0, v0;
	v9 =	vor.u32 s1, v0;
	s0 =	sadd.s32 $0xFFFFFFF0, s31;
	v10 =	vld [tilespmem:s30+$0x30];
	[tilespmem:s28+$0xFFFFFFE0] =	vst v2  }
0xd3: {  	v2 =	vor.u32 s2, v0;
	s28 =	smov.u32 s30;
	v1 =	vld [tilespmem:s30+$0xFFFFFFE0];
	v11 =	vmulhi.u32 $0x2F684BDB, v9;
	v12 =	vor.u32 s0, v0  }
0xd4: {  	v14 =	vor.u32 s12, v0;
	v13 =	vsub.s32 v3, v4;
	v15 =	vmulhi.u32 $0x2F684BDB, v12  }
0xd5: {  	v16 =	vmulhi.u32 $0x2F684BDB, v8;
	v13 =	vshrl.u32 v13, $0x1;
	v6 =	vshll.u32 v6, $0x3  }
0xd6: {  	v17 =	vmulhi.u32 $0x2F684BDB, v14;
	v7 =	vshll.u32 v7, $0x3;
	v18 =	vsub.s32 v12, v15  }
0xd7: {  	v19 =	vsub.s32 v9, v11;
	v18 =	vshrl.u32 v18, $0x1;
	v10 =	vshll.u32 v10, $0x3  }
0xd8: {  	v20 =	vsub.s32 v8, v16;
	v19 =	vshrl.u32 v19, $0x1;
	v21 =	vld [tilespmem:s30+$0x10];
	v15 =	vadd.s32 v15, v18  }
0xd9: {  	v11 =	vadd.s32 v11, v19;
	v18 =	vsub.s32 v14, v17;
	v15 =	vshrl.u32 v15, $0x4  }
0xda: {  	v19 =	vshrl.u32 v20, $0x1;
	v11 =	vshrl.u32 v11, $0x4;
	v15 =	vmul.u32 $0x1B, v15;
	v20 =	vld [tilespmem:s30+$0x20]  }
0xdb: {  	v16 =	vadd.s32 v16, v19;
	v11 =	vmul.u32 $0x1B, v11;
	v18 =	vshrl.u32 v18, $0x1  }
0xdc: {  	v16 =	vshrl.u32 v16, $0x4;
	v17 =	vadd.s32 v17, v18;
	v19 =	vld [tilespmem:s30+$0xFFFFFFC0];
	v12 =	vsub.s32 v12, v15  }
0xdd: {  	v15 =	vshrl.u32 v17, $0x4;
	v17 =	vshll.u32 v21, $0x3;
	v18 =	vshrl.u32 v12, $0x3  }
0xde: {  	v9 =	vsub.s32 v9, v11;
	v11 =	vmul.u32 $0x1B, v15;
	v21 =	vld [tilespmem:s30+$0xFFFFFFF0];
	v15 =	vmul.u32 $0xC3500, v18  }
0xdf: {  	v16 =	vmul.u32 $0x1B, v16;
	v18 =	vshrl.u32 v9, $0x3;
	v20 =	vshll.u32 v20, $0x3  }
0xe0: {  	v12 =	vand.u32 $0x7, v12;
	v9 =	vand.u32 $0x7, v9;
	v15 =	vadd.s32 v15, v20  }
0xe1: {  	v11 =	vsub.s32 v14, v11;
	v19 =	vshll.u32 v19, $0x3;
	v12 =	vor.u32 v12, v15  }
0xe2: {  	v4 =	vadd.s32 v4, v13;
	v8 =	vsub.s32 v8, v16;
	v13 =	vmul.u32 $0xC3500, v18;
	[tilespmem:s30+$0x20] =	vst v12  }
0xe3: {  	v15 =	vshrl.u32 v11, $0x3;
	v12 =	vmulhi.u32 $0x2F684BDB, v5;
	v14 =	vshll.u32 v21, $0x3  }
0xe4: {  	v16 =	vand.u32 $0x7, v8;
	v6 =	vadd.s32 v13, v6;
	v13 =	vmul.u32 $0xC3500, v15  }
0xe5: {  	v6 =	vor.u32 v9, v6;
	v9 =	vand.u32 $0x7, v11;
	v15 =	vsub.s32 v5, v12  }
0xe6: {  	v8 =	vshrl.u32 v8, $0x3;
	v11 =	vshrl.u32 v15, $0x1;
	v15 =	vmulhi.u32 $0x2F684BDB, v2;
	[tilespmem:s30+$0x0] =	vst v6  }
0xe7: {  	v8 =	vmul.u32 $0xC3500, v8;
	v6 =	vadd.s32 v12, v11;
	v11 =	vor.u32 s31, v0  }
0xe8: {  	v6 =	vshrl.u32 v6, $0x4;
	v12 =	vsub.s32 v2, v15;
	v18 =	vmulhi.u32 $0x2F684BDB, v11  }
0xe9: {  	v13 =	vadd.s32 v13, v17;
	v6 =	vmul.u32 $0x1B, v6;
	v12 =	vshrl.u32 v12, $0x1  }
0xea: {  	v4 =	vshrl.u32 v4, $0x4;
	v12 =	vadd.s32 v15, v12;
	v15 =	vsub.s32 v11, v18  }
0xeb: {  	v4 =	vmul.u32 $0x1B, v4;
	v5 =	vsub.s32 v5, v6;
	v6 =	vshrl.u32 v15, $0x1  }
0xec: {  	v15 =	vshrl.u32 v5, $0x3;
	v5 =	vand.u32 $0x7, v5;
	v6 =	vadd.s32 v18, v6  }
0xed: {  	v3 =	vsub.s32 v3, v4;
	v15 =	vmul.u32 $0xC3500, v15;
	v4 =	vshrl.u32 v6, $0x4  }
0xee: {  	v6 =	vshrl.u32 v3, $0x3;
	v3 =	vand.u32 $0x7, v3;
	v4 =	vmul.u32 $0x1B, v4  }
0xef: {  	v12 =	vshrl.u32 v12, $0x4;
	v6 =	vmul.u32 $0xC3500, v6;
	v15 =	vadd.s32 v15, v19  }
0xf0: {  	v12 =	vmul.u32 $0x1B, v12;
	v5 =	vor.u32 v5, v15;
	v4 =	vsub.s32 v11, v4  }
.Ltmp6:
0xf1: {  	[tilespmem:s30+$0xFFFFFFC0] =	vst v5;
	v5 =	vadd.s32 v6, v7;
	v6 =	vshrl.u32 v4, $0x3;
	v7 =	vand.u32 $0x7, v4;
	(pc) =	sbr.rel @p1 .LBB2_6-.Ltmp6, $4  }
0xf2: {  	v2 =	vsub.s32 v2, v12;
	v3 =	vor.u32 v3, v5;
	v4 =	vmul.u32 $0xC3500, v6  }
0xf3: {  	v5 =	vor.u32 v9, v13;
	[tilespmem:s30+$0xFFFFFFD0] =	vst v3;
	v3 =	vshrl.u32 v2, $0x3;
	v2 =	vand.u32 $0x7, v2  }
0xf4: {  	v6 =	vadd.s32 v8, v14;
	v3 =	vmul.u32 $0xC3500, v3;
	[tilespmem:s30+$0x10] =	vst v5;
	v8 =	vadd.s32 v4, v10  }
0xf5: {  	v4 =	vshll.u32 v1, $0x3;
	v5 =	vor.u32 v16, v6;
	s30 =	sadd.s32 $0x80, s30;
	v1 =	vor.u32 v7, v8  }
0xf6: {  	v3 =	vadd.s32 v3, v4;
	[tilespmem:s28+$0xFFFFFFF0] =	vst v5  }
0xf7: {  	[tilespmem:s28+$0x30] =	vst v1;
	v2 =	vor.u32 v2, v3  }
0xf8: {  	s0 =	simm.s32 $0xF300;
	[tilespmem:s28+$0xFFFFFFE0] =	vst v2  }
0xf9: {  	[tilespmem:s0], [sflag:$0x2] =	stream.indirect.gather [hbm4b:s5+s14], $0x10, s21, s14, $0xb8;
	[tilespmem:$0x1D310] =	vst v63  }
0xfa: {  	s29 =	simm.s32 $0xE00;
	s1 =	simm.s32 $0xFB00  }
0xfb: {  	[tilespmem:s1], [sflag:$0x2] =	stream.indirect.gather [hbm4b:s5+s14], $0x10, s29, s14, $0xb8;
	[tilespmem:$0x1D310] =	vst v63  }
0xfc: {  	s30 =	simm.s32 $0xE80;
	s31 =	simm.s32 $0x10300  }
0xfd: {  	[tilespmem:s31], [sflag:$0x2] =	stream.indirect.gather [hbm4b:s5+s14], $0x10, s30, s14, $0xb8;
	[tilespmem:$0x1D310] =	vst v63  }
0xfe: {  	s2 =	simm.s32 $0xF00;
	s12 =	simm.s32 $0x10B00  }
0xff: {  	[tilespmem:s12], [sflag:$0x2] =	stream.indirect.gather [hbm4b:s5+s14], $0x10, s2, s14, $0xb8;
	[tilespmem:$0x1D310] =	vst v63  }
0x100: {  	s28 =	simm.s32 $0xF80;
	s29 =	simm.s32 $0x11300  }
0x101: {  	[tilespmem:s29], [sflag:$0x2] =	stream.indirect.gather [hbm4b:s5+s14], $0x10, s28, s14, $0xb8;
	[tilespmem:$0x1D310] =	vst v63  }
0x102: {  	s30 =	simm.s32 $0x1000;
	s31 =	simm.s32 $0x11B00  }
0x103: {  	[tilespmem:s31], [sflag:$0x2] =	stream.indirect.gather [hbm4b:s5+s14], $0x10, s30, s14, $0xb8;
	[tilespmem:$0x1D310] =	vst v63  }
0x104: {  	s2 =	simm.s32 $0x1080;
	s12 =	simm.s32 $0x12300  }
0x105: {  	[tilespmem:s12], [sflag:$0x2] =	stream.indirect.gather [hbm4b:s5+s14], $0x10, s2, s14, $0xb8;
	[tilespmem:$0x1D310] =	vst v63  }
0x106: {  	s28 =	simm.s32 $0x1100;
	s29 =	simm.s32 $0x12B00  }
0x107: {  	[tilespmem:s29], [sflag:$0x2] =	stream.indirect.gather [hbm4b:s5+s14], $0x10, s28, s14, $0xb8;
	[tilespmem:$0x1D310] =	vst v63  }
0x108: {  	s30 =	simm.s32 $0x1180;
	s31 =	simm.s32 $0x13300  }
0x109: {  	[tilespmem:s31], [sflag:$0x2] =	stream.indirect.gather [hbm4b:s5+s14], $0x10, s30, s14, $0xb8;
	[tilespmem:$0x1D310] =	vst v63  }
0x10a: {  	s2 =	simm.s32 $0x1200;
	s12 =	simm.s32 $0x13B00  }
0x10b: {  	[tilespmem:s12], [sflag:$0x2] =	stream.indirect.gather [hbm4b:s5+s14], $0x10, s2, s14, $0xb8;
	[tilespmem:$0x1D310] =	vst v63  }
0x10c: {  	s28 =	simm.s32 $0x1280;
	s29 =	simm.s32 $0x14300  }
0x10d: {  	[tilespmem:s29], [sflag:$0x2] =	stream.indirect.gather [hbm4b:s5+s14], $0x10, s28, s14, $0xb8;
	[tilespmem:$0x1D310] =	vst v63  }
0x10e: {  	s30 =	simm.s32 $0x1300;
	s31 =	simm.s32 $0x14B00  }
0x10f: {  	[tilespmem:s31], [sflag:$0x2] =	stream.indirect.gather [hbm4b:s5+s14], $0x10, s30, s14, $0xb8;
	[tilespmem:$0x1D310] =	vst v63  }
0x110: {  	s2 =	simm.s32 $0x1380;
	s12 =	simm.s32 $0x15300  }
0x111: {  	[tilespmem:s12], [sflag:$0x2] =	stream.indirect.gather [hbm4b:s5+s14], $0x10, s2, s14, $0xb8;
	[tilespmem:$0x1D310] =	vst v63  }
0x112: {  	s28 =	simm.s32 $0x1400;
	s29 =	simm.s32 $0x15B00  }
0x113: {  	[tilespmem:s29], [sflag:$0x2] =	stream.indirect.gather [hbm4b:s5+s14], $0x10, s28, s14, $0xb8;
	[tilespmem:$0x1D310] =	vst v63  }
0x114: {  	s30 =	simm.s32 $0x1480;
	s31 =	simm.s32 $0x16300  }
0x115: {  	[tilespmem:s31], [sflag:$0x2] =	stream.indirect.gather [hbm4b:s5+s14], $0x10, s30, s14, $0xb8;
	[tilespmem:$0x1D310] =	vst v63  }
0x116: {  	s2 =	simm.s32 $0x1500;
	s12 =	simm.s32 $0x16B00  }
0x117: {  	[tilespmem:s12], [sflag:$0x2] =	stream.indirect.gather [hbm4b:s5+s14], $0x10, s2, s14, $0xb8;
	[tilespmem:$0x1D310] =	vst v63  }
0x118: {  	s28 =	simm.s32 $0x1580;
	s29 =	simm.s32 $0x17300  }
0x119: {  	[tilespmem:s29], [sflag:$0x2] =	stream.indirect.gather [hbm4b:s5+s14], $0x10, s28, s14, $0xb8;
	[tilespmem:$0x1D310] =	vst v63  }
0x11a: {  	s30 =	simm.s32 $0x1600;
	s31 =	simm.s32 $0x17B00  }
0x11b: {  	[tilespmem:s31], [sflag:$0x2] =	stream.indirect.gather [hbm4b:s5+s14], $0x10, s30, s14, $0xb8;
	[tilespmem:$0x1D310] =	vst v63  }
0x11c: {  	s2 =	simm.s32 $0x1680;
	s12 =	simm.s32 $0x18300  }
0x11d: {  	[tilespmem:s12], [sflag:$0x2] =	stream.indirect.gather [hbm4b:s5+s14], $0x10, s2, s14, $0xb8;
	[tilespmem:$0x1D310] =	vst v63  }
0x11e: {  	s28 =	simm.s32 $0x1700;
	s29 =	simm.s32 $0x18B00  }
0x11f: {  	[tilespmem:s29], [sflag:$0x2] =	stream.indirect.gather [hbm4b:s5+s14], $0x10, s28, s14, $0xb8;
	[tilespmem:$0x1D310] =	vst v63  }
0x120: {  	s30 =	simm.s32 $0x1780;
	s31 =	simm.s32 $0x19300  }
0x121: {  	[tilespmem:s31], [sflag:$0x2] =	stream.indirect.gather [hbm4b:s5+s14], $0x10, s30, s14, $0xb8;
	[tilespmem:$0x1D310] =	vst v63  }
0x122: {  	s2 =	simm.s32 $0x1800;
	s12 =	simm.s32 $0x19B00  }
0x123: {  	[tilespmem:s12], [sflag:$0x2] =	stream.indirect.gather [hbm4b:s5+s14], $0x10, s2, s14, $0xb8;
	[tilespmem:$0x1D310] =	vst v63  }
0x124: {  	s28 =	simm.s32 $0x1880;
	s29 =	simm.s32 $0x1A300  }
0x125: {  	[tilespmem:s29], [sflag:$0x2] =	stream.indirect.gather [hbm4b:s5+s14], $0x10, s28, s14, $0xb8;
	[tilespmem:$0x1D310] =	vst v63  }
0x126: {  	s30 =	simm.s32 $0x1900;
	s31 =	simm.s32 $0x1AB00  }
0x127: {  	[tilespmem:s31], [sflag:$0x2] =	stream.indirect.gather [hbm4b:s5+s14], $0x10, s30, s14, $0xb8;
	[tilespmem:$0x1D310] =	vst v63  }
0x128: {  	s2 =	simm.s32 $0x1980;
	s12 =	simm.s32 $0x1B300  }
0x129: {  	[tilespmem:s12], [sflag:$0x2] =	stream.indirect.gather [hbm4b:s5+s14], $0x10, s2, s14, $0xb8;
	[tilespmem:$0x1D310] =	vst v63  }
0x12a: {  	s28 =	simm.s32 $0x1A00;
	s29 =	simm.s32 $0x1BB00  }
0x12b: {  	[tilespmem:s29], [sflag:$0x2] =	stream.indirect.gather [hbm4b:s5+s14], $0x10, s28, s14, $0xb8;
	[tilespmem:$0x1D310] =	vst v63  }
0x12c: {  	s30 =	simm.s32 $0x1A80;
	s31 =	simm.s32 $0x1C300  }
0x12d: {  	[tilespmem:s31], [sflag:$0x2] =	stream.indirect.gather [hbm4b:s5+s14], $0x10, s30, s14, $0xb8;
	[tilespmem:$0x1D310] =	vst v63  }
.LBB2_8:
0x12e: {  	s28 =	sshll.u32 s25, $0x1  }
0x12f: {  	p1 =	sge.u32 s28, s8  }
.Ltmp7:
0x130: {  	_ = 	snop;
	(pc) =	sbr.rel @p1 .LBB2_12-.Ltmp7, $1  }
0x131: {  	_ =	sdelay $0x3  }
0x132: {  	_ =	swait.ge [sflag:s23], $0xD800  }
0x133: {  	[sflag:s23] =	ssyncset.done $0x0  }
0x134: {  	s30 =	simm.s32 $0x1BD0;
	[sflag:s23] =	ssyncadd.s32 $0xFFFF2800  }
0x135: {  	v1 =	vld [tilespmem:s30+$0xFFFFFF30]  }
0x136: {  	s29 =	simm.s32 $0x0;
	s31 =	simm.s32 $0x10;
	v2 =	vld [tilespmem:$0x1D300]  }
.LBB2_10:
0x137: {  	p1 =	sne.s32 s31, $0x7F0  }
0x138: {  	v3 =	vld [tilespmem:s30+$0xFFFFFF40];
	_ =	sdelay $0x1  }
0x139: {  	v4 =	vld [tilespmem:s30+$0xFFFFFF50]  }
0x13a: {  	v1 =	vadd.f32 v1, v2  }
0x13b: {  	v2 =	vld [tilespmem:s30+$0xFFFFFF60]  }
0x13c: {  	v1 =	vadd.f32 v3, v1  }
0x13d: {  	v3 =	vld [tilespmem:s30+$0xFFFFFF70]  }
0x13e: {  	v1 =	vadd.f32 v4, v1  }
0x13f: {  	v4 =	vld [tilespmem:s30+$0xFFFFFF80]  }
0x140: {  	v1 =	vadd.f32 v2, v1  }
0x141: {  	v2 =	vld [tilespmem:s30+$0xFFFFFF90]  }
0x142: {  	v1 =	vadd.f32 v3, v1  }
0x143: {  	v3 =	vld [tilespmem:s30+$0xFFFFFFA0]  }
0x144: {  	v1 =	vadd.f32 v4, v1  }
0x145: {  	v4 =	vld [tilespmem:s30+$0xFFFFFFB0]  }
0x146: {  	v1 =	vadd.f32 v2, v1  }
0x147: {  	v2 =	vld [tilespmem:s30+$0xFFFFFFC0]  }
0x148: {  	v1 =	vadd.f32 v3, v1  }
0x149: {  	v3 =	vld [tilespmem:s30+$0xFFFFFFD0]  }
0x14a: {  	v1 =	vadd.f32 v4, v1  }
0x14b: {  	v4 =	vld [tilespmem:s30+$0xFFFFFFE0]  }
0x14c: {  	v1 =	vadd.f32 v2, v1  }
0x14d: {  	v2 =	vld [tilespmem:s30+$0xFFFFFFF0]  }
0x14e: {  	v1 =	vadd.f32 v3, v1  }
0x14f: {  	v3 =	vld [tilespmem:s30+$0x0]  }
0x150: {  	v1 =	vadd.f32 v4, v1  }
0x151: {  	v4 =	vld [tilespmem:s30+$0x10]  }
0x152: {  	v1 =	vadd.f32 v2, v1  }
0x153: {  	v2 =	vld [tilespmem:s30+$0x20]  }
0x154: {  	v1 =	vadd.f32 v3, v1  }
0x155: {  	v3 =	vld [tilespmem:s30+$0x30]  }
0x156: {  	v1 =	vadd.f32 v4, v1  }
0x157: {  	v4 =	vld [tilespmem:s30+$0x40]  }
0x158: {  	v1 =	vadd.f32 v2, v1  }
0x159: {  	v2 =	vld [tilespmem:s30+$0x50]  }
0x15a: {  	v1 =	vadd.f32 v3, v1  }
0x15b: {  	v3 =	vld [tilespmem:s30+$0x60]  }
0x15c: {  	v1 =	vadd.f32 v4, v1  }
0x15d: {  	v4 =	vld [tilespmem:s30+$0x70]  }
0x15e: {  	v1 =	vadd.f32 v2, v1  }
0x15f: {  	v2 =	vld [tilespmem:s30+$0x80]  }
0x160: {  	v1 =	vadd.f32 v3, v1  }
0x161: {  	v3 =	vld [tilespmem:s30+$0x90]  }
0x162: {  	v1 =	vadd.f32 v4, v1  }
0x163: {  	v4 =	vld [tilespmem:s30+$0xA0]  }
0x164: {  	v1 =	vadd.f32 v2, v1  }
0x165: {  	v2 =	vld [tilespmem:s30+$0xB0]  }
0x166: {  	v1 =	vadd.f32 v3, v1  }
0x167: {  	v3 =	vld [tilespmem:s30+$0xC0]  }
0x168: {  	v1 =	vadd.f32 v4, v1  }
0x169: {  	v4 =	vld [tilespmem:s30+$0xD0]  }
0x16a: {  	v1 =	vadd.f32 v2, v1;
	_ =	sdelay $0x1  }
0x16b: {  	v1 =	vadd.f32 v3, v1;
	_ =	sdelay $0x1  }
.Ltmp8:
0x16c: {  	v1 =	vadd.f32 v4, v1;
	(pc) =	sbr.rel @p1 .LBB2_10-.Ltmp8, $4  }
0x16d: {  	s0 =	sand.u32 $0x7F0, s29;
	s29 =	smov.u32 s31  }
0x16e: {  	s30 =	sadd.s32 $0x1B0, s30;
	[tilespmem:s0+$0x1CB00] =	vst v1  }
0x16f: {  	v1 =	vld [tilespmem:s30+$0xFFFFFF30]  }
0x170: {  	s31 =	sadd.s32 $0x10, s31;
	v2 =	vld [tilespmem:$0x1D300]  }
0x171: {  	_ = 	snop  }
0x172: {  	v3 =	vld [tilespmem:s30+$0xFFFFFF40];
	_ =	sdelay $0x1  }
0x173: {  	v4 =	vld [tilespmem:s30+$0xFFFFFF50]  }
0x174: {  	v1 =	vadd.f32 v1, v2  }
0x175: {  	v2 =	vld [tilespmem:s30+$0xFFFFFF60]  }
0x176: {  	v1 =	vadd.f32 v3, v1  }
0x177: {  	v3 =	vld [tilespmem:s30+$0xFFFFFF70]  }
0x178: {  	v1 =	vadd.f32 v4, v1  }
0x179: {  	v56 =	vld [tilespmem:s30+$0xFFFFFF80]  }
0x17a: {  	v1 =	vadd.f32 v2, v1  }
0x17b: {  	v2 =	vld [tilespmem:s30+$0xFFFFFF90]  }
0x17c: {  	v1 =	vadd.f32 v3, v1  }
0x17d: {  	v3 =	vld [tilespmem:s30+$0xFFFFFFA0]  }
0x17e: {  	v1 =	vadd.f32 v56, v1  }
0x17f: {  	v57 =	vld [tilespmem:s30+$0xFFFFFFB0]  }
0x180: {  	v1 =	vadd.f32 v2, v1  }
0x181: {  	v2 =	vld [tilespmem:s30+$0xFFFFFFC0]  }
0x182: {  	v1 =	vadd.f32 v3, v1  }
0x183: {  	v3 =	vld [tilespmem:s30+$0xFFFFFFD0]  }
0x184: {  	v1 =	vadd.f32 v57, v1  }
0x185: {  	v58 =	vld [tilespmem:s30+$0xFFFFFFE0]  }
0x186: {  	v1 =	vadd.f32 v2, v1  }
0x187: {  	v2 =	vld [tilespmem:s30+$0xFFFFFFF0]  }
0x188: {  	v1 =	vadd.f32 v3, v1  }
0x189: {  	v3 =	vld [tilespmem:s30+$0x0]  }
0x18a: {  	v1 =	vadd.f32 v58, v1  }
0x18b: {  	v59 =	vld [tilespmem:s30+$0x10]  }
0x18c: {  	v1 =	vadd.f32 v2, v1  }
0x18d: {  	v2 =	vld [tilespmem:s30+$0x20]  }
0x18e: {  	v1 =	vadd.f32 v3, v1  }
0x18f: {  	v3 =	vld [tilespmem:s30+$0x30]  }
0x190: {  	v1 =	vadd.f32 v59, v1  }
0x191: {  	v60 =	vld [tilespmem:s30+$0x40]  }
0x192: {  	v1 =	vadd.f32 v2, v1  }
0x193: {  	v2 =	vld [tilespmem:s30+$0x50]  }
0x194: {  	v1 =	vadd.f32 v3, v1  }
0x195: {  	v3 =	vld [tilespmem:s30+$0x60]  }
0x196: {  	v1 =	vadd.f32 v60, v1  }
0x197: {  	v61 =	vld [tilespmem:s30+$0x70]  }
0x198: {  	v1 =	vadd.f32 v2, v1  }
0x199: {  	v2 =	vld [tilespmem:s30+$0x80]  }
0x19a: {  	v1 =	vadd.f32 v3, v1  }
0x19b: {  	v3 =	vld [tilespmem:s30+$0x90]  }
0x19c: {  	v1 =	vadd.f32 v61, v1  }
0x19d: {  	v62 =	vld [tilespmem:s30+$0xA0]  }
0x19e: {  	v1 =	vadd.f32 v2, v1  }
0x19f: {  	v2 =	vld [tilespmem:s30+$0xB0]  }
0x1a0: {  	v1 =	vadd.f32 v3, v1  }
0x1a1: {  	v3 =	vld [tilespmem:s30+$0xC0]  }
0x1a2: {  	v1 =	vadd.f32 v62, v1  }
0x1a3: {  	v63 =	vld [tilespmem:s30+$0xD0]  }
0x1a4: {  	v1 =	vadd.f32 v2, v1;
	_ =	sdelay $0x1  }
0x1a5: {  	s0 =	sadd.s32 s6, s28;
	v1 =	vadd.f32 v3, v1  }
0x1a6: {  	p1 =	sgt.u32 s0, $0x30C  }
0x1a7: {  	p2 =	sne.s32 @p1 s0, $0x30D;
	v1 =	vadd.f32 v63, v1  }
0x1a8: {  	s1 =	sand.u32 $0x7F0, s29;
	p2 =	por p2, !p1  }
0x1a9: {  	s2 =	simm.s32 @!p2 $0x1CB00;
	[tilespmem:s1+$0x1CB00] =	vst v1;
	s1 =	simm.s32 @!p2 $0x0  }
0x1aa: {  	[hbm4b:s10+s1] =	stream.linear.scatter @!p2 [tilespmem:s2], [sflag:$0x4], $0x200, $0x38;
	[tilespmem:$0x1D310] =	vst v63  }
0x1ab: {  	s1 =	simm.s32 @!p2 $0x4  }
0x1ac: {  	s0 =	sshll.u32 @!p1 s0, $0x8;
	_ =	swait.ge @!p2 [sflag:s1], $0x200  }
0x1ad: {  	s0 =	sadd.s32 @!p1 s3, s0;
	[sflag:s1] =	ssyncset.done @!p2 $0x0  }
0x1ae: {  	s2 =	simm.s32 @!p1 $0x1CB00;
	[sflag:s1] =	ssyncadd.s32 @!p2 $0xFFFFFE00;
	s1 =	simm.s32 @!p1 $0x0  }
0x1af: {  	[hbm4b:s0+s1] =	stream.linear.scatter @!p1 [tilespmem:s2], [sflag:$0x4], $0x800, $0x38;
	[tilespmem:$0x1D310] =	vst v63  }
0x1b0: {  	s0 =	simm.s32 @!p1 $0x4  }
0x1b1: {  	_ =	swait.ge @!p1 [sflag:s0], $0x800  }
0x1b2: {  	[sflag:s0] =	ssyncset.done @!p1 $0x0  }
0x1b3: {  	[sflag:s0] =	ssyncadd.s32 @!p1 $0xFFFFF800  }
.LBB2_12:
0x1b4: {  	s28 =	sadd.s32 $0x2, s28  }
0x1b5: {  	p1 =	sge.u32 s28, s8  }
.Ltmp9:
0x1b6: {  	_ = 	snop;
	(pc) =	sbr.rel @p1 .LBB2_16-.Ltmp9, $1  }
0x1b7: {  	_ =	sdelay $0x3  }
0x1b8: {  	s1 =	simm.s32 $0x10  }
0x1b9: {  	s31 =	simm.s32 $0x40;
	v3 =	vor.u32 s1, v0  }
0x1ba: {  	s12 =	simm.s32 $0x30;
	v7 =	vor.u32 s31, v0;
	v5 =	vmulhi.u32 $0x2F684BDB, v3  }
0x1bb: {  	s2 =	simm.s32 $0x0;
	v6 =	vor.u32 s12, v0;
	v10 =	vmulhi.u32 $0x2F684BDB, v7  }
0x1bc: {  	v2 =	vor.u32 s2, v0;
	s1 =	simm.s32 $0x60;
	v15 =	vmulhi.u32 $0x2F684BDB, v6  }
0x1bd: {  	s12 =	simm.s32 $0x50;
	v11 =	vor.u32 s1, v0;
	v46 =	vmulhi.u32 $0x2F684BDB, v2  }
0x1be: {  	s2 =	simm.s32 $0x20;
	v13 =	vor.u32 s12, v0;
	v14 =	vmulhi.u32 $0x2F684BDB, v11  }
0x1bf: {  	s31 =	simm.s32 $0x70;
	v9 =	vor.u32 s2, v0;
	v16 =	vmulhi.u32 $0x2F684BDB, v13  }
0x1c0: {  	v54 =	vor.u32 s31, v0;
	v53 =	vmulhi.u32 $0x2F684BDB, v9  }
0x1c1: {  	s0 =	sadd.s32 s6, s28;
	v56 =	vmulhi.u32 $0x2F684BDB, v54;
	v12 =	vsub.s32 v3, v5  }
0x1c2: {  	s0 =	smul.u32 $0x1B0, s0;
	v18 =	vsub.s32 v7, v10;
	v19 =	vsub.s32 v6, v15;
	v51 =	vsub.s32 v2, v46  }
0x1c3: {  	v12 =	vshrl.u32 v12, $0x1;
	v17 =	vsub.s32 v11, v14;
	v18 =	vshrl.u32 v18, $0x1  }
0x1c4: {  	s0 =	sadd.s32 s7, s0;
	v34 =	vsub.s32 v13, v16;
	v35 =	vshrl.u32 v19, $0x1;
	v52 =	vshrl.u32 v51, $0x1  }
0x1c5: {  	[tilespmem:s4], [sflag:$0x4] =	stream.linear.gather [hbm4b:s0+s4], $0xD80, $0x38;
	v55 =	vsub.s32 v9, v53;
	v57 =	vsub.s32 v54, v56;
	v17 =	vshrl.u32 v17, $0x1;
	[tilespmem:$0x1D310] =	vst v63  }
0x1c6: {  	_ =	swait.ge [sflag:s22], $0xD80;
	v10 =	vadd.s32 v10, v18;
	v15 =	vadd.s32 v15, v35;
	v5 =	vadd.s32 v5, v12  }
0x1c7: {  	[sflag:s22] =	ssyncset.done $0x0;
	v14 =	vadd.s32 v14, v17;
	v10 =	vshrl.u32 v10, $0x4;
	v17 =	vshrl.u32 v34, $0x1  }
0x1c8: {  	s28 =	simm.s32 $0x40;
	[sflag:s22] =	ssyncadd.s32 $0xFFFFF280;
	v15 =	vshrl.u32 v15, $0x4;
	v5 =	vshrl.u32 v5, $0x4;
	v14 =	vshrl.u32 v14, $0x4  }
0x1c9: {  	v1 =	vld [tilespmem:s28+$0x0];
	v10 =	vmul.u32 $0x1B, v10;
	v16 =	vadd.s32 v16, v17;
	v15 =	vmul.u32 $0x1B, v15  }
0x1ca: {  	v4 =	vld [tilespmem:s28+$0xFFFFFFD0];
	v5 =	vmul.u32 $0x1B, v5;
	v14 =	vmul.u32 $0x1B, v14;
	v38 =	vshrl.u32 v16, $0x4  }
0x1cb: {  	v58 =	vshrl.u32 v57, $0x1;
	v8 =	vld [tilespmem:s28+$0x30];
	v7 =	vsub.s32 v7, v10;
	v42 =	vmul.u32 $0x1B, v38  }
0x1cc: {  	v20 =	vld [tilespmem:s28+$0x10];
	v6 =	vsub.s32 v6, v15;
	v3 =	vsub.s32 v3, v5;
	v11 =	vsub.s32 v11, v14  }
0x1cd: {  	v44 =	vshrl.u32 v7, $0x3;
	v7 =	vand.u32 $0x7, v7;
	v49 =	vand.u32 $0x7, v6  }
0x1ce: {  	v36 =	vld [tilespmem:s28+$0x20];
	v6 =	vshrl.u32 v6, $0x3;
	v60 =	vshrl.u32 v3, $0x3;
	v3 =	vand.u32 $0x7, v3  }
0x1cf: {  	v37 =	vld [tilespmem:s28+$0xFFFFFFC0];
	v40 =	vshrl.u32 v11, $0x3;
	v11 =	vand.u32 $0x7, v11;
	v10 =	vsub.s32 v13, v42  }
0x1d0: {  	v41 =	vld [tilespmem:s28+$0xFFFFFFF0];
	v45 =	vmul.u32 $0xC3500, v44;
	v6 =	vmul.u32 $0xC3500, v6;
	v1 =	vshll.u32 v1, $0x3  }
0x1d1: {  	v4 =	vshll.u32 v4, $0x3;
	v8 =	vshll.u32 v8, $0x3;
	v39 =	vshll.u32 v20, $0x3  }
0x1d2: {  	v43 =	vmul.u32 $0xC3500, v40;
	v48 =	vshrl.u32 v10, $0x3;
	v1 =	vadd.s32 v45, v1  }
0x1d3: {  	v1 =	vor.u32 v7, v1;
	v7 =	vand.u32 $0x7, v10;
	v10 =	vadd.s32 v46, v52  }
0x1d4: {  	v19 =	vshll.u32 v36, $0x3;
	v18 =	vshll.u32 v37, $0x3;
	v10 =	vshrl.u32 v10, $0x4  }
0x1d5: {  	v47 =	vshll.u32 v41, $0x3;
	v14 =	vadd.s32 v43, v19;
	v10 =	vmul.u32 $0x1B, v10  }
0x1d6: {  	v50 =	vmul.u32 $0xC3500, v48;
	v19 =	vshrl.u32 v55, $0x1;
	v11 =	vor.u32 v11, v14  }
0x1d7: {  	v15 =	vadd.s32 v53, v19;
	v2 =	vsub.s32 v2, v10;
	v10 =	vadd.s32 v56, v58  }
0x1d8: {  	v12 =	vadd.s32 v50, v39;
	v15 =	vshrl.u32 v15, $0x4;
	v5 =	vshrl.u32 v10, $0x4  }
0x1d9: {  	v59 =	vshrl.u32 v2, $0x3;
	v10 =	vmul.u32 $0xC3500, v60;
	v5 =	vmul.u32 $0x1B, v5  }
0x1da: {  	v7 =	vor.u32 v7, v12;
	v15 =	vmul.u32 $0x1B, v15;
	v16 =	vmul.u32 $0xC3500, v59  }
0x1db: {  	v61 =	vld [tilespmem:s28+$0xFFFFFFE0];
	v2 =	vand.u32 $0x7, v2;
	v4 =	vadd.s32 v10, v4;
	v5 =	vsub.s32 v54, v5  }
0x1dc: {  	[tilespmem:s28+$0x0] =	vst v1;
	v16 =	vadd.s32 v16, v18;
	v1 =	vor.u32 v3, v4;
	v62 =	vshrl.u32 v5, $0x3  }
0x1dd: {  	[tilespmem:s28+$0x20] =	vst v11;
	v3 =	vsub.s32 v9, v15;
	v2 =	vor.u32 v2, v16;
	v4 =	vmul.u32 $0xC3500, v62  }
0x1de: {  	v63 =	vand.u32 $0x7, v5;
	v5 =	vshrl.u32 v3, $0x3;
	[tilespmem:s28+$0xFFFFFFD0] =	vst v1;
	v1 =	vadd.s32 v6, v47  }
0x1df: {  	[tilespmem:s28+$0xFFFFFFC0] =	vst v2;
	v2 =	vand.u32 $0x7, v3;
	v3 =	vmul.u32 $0xC3500, v5;
	v6 =	vadd.s32 v4, v8  }
0x1e0: {  	s29 =	simm.s32 $0xF0;
	s30 =	simm.s32 $0xC0;
	[tilespmem:s28+$0x10] =	vst v7;
	v5 =	vor.u32 v49, v1;
	v4 =	vshll.u32 v61, $0x3;
	v1 =	vor.u32 v63, v6  }
.LBB2_14:
0x1e1: {  	s0 =	sadd.s32 $0xFFFFFF90, s29  }
0x1e2: {  	s1 =	sadd.s32 $0xFFFFFFA0, s29;
	s2 =	sadd.s32 $0xFFFFFFB0, s29;
	v6 =	vld [tilespmem:s30+$0x0];
	v4 =	vadd.s32 v3, v4;
	[tilespmem:s28+$0xFFFFFFF0] =	vst v5;
	s31 =	smov.u32 s29  }
0x1e3: {  	s12 =	sadd.s32 $0xFFFFFFE0, s29;
	v5 =	vor.u32 s0, v0;
	v3 =	vor.u32 s1, v0;
	v7 =	vld [tilespmem:s30+$0xFFFFFFD0];
	s0 =	sadd.s32 $0xFFFFFFC0, s29;
	s1 =	sadd.s32 $0xFFFFFFD0, s29;
	v2 =	vor.u32 v2, v4;
	[tilespmem:s28+$0x30] =	vst v1  }
0x1e4: {  	p1 =	sne.s32 s29, $0xD70;
	s29 =	sadd.s32 $0x80, s29;
	v4 =	vmulhi.u32 $0x2F684BDB, v3;
	v8 =	vor.u32 s0, v0;
	v9 =	vor.u32 s1, v0;
	s0 =	sadd.s32 $0xFFFFFFF0, s31;
	v10 =	vld [tilespmem:s30+$0x30];
	[tilespmem:s28+$0xFFFFFFE0] =	vst v2  }
0x1e5: {  	v2 =	vor.u32 s2, v0;
	s28 =	smov.u32 s30;
	v1 =	vld [tilespmem:s30+$0xFFFFFFE0];
	v11 =	vmulhi.u32 $0x2F684BDB, v9;
	v12 =	vor.u32 s0, v0  }
0x1e6: {  	v14 =	vor.u32 s12, v0;
	v13 =	vsub.s32 v3, v4;
	v15 =	vmulhi.u32 $0x2F684BDB, v12  }
0x1e7: {  	v16 =	vmulhi.u32 $0x2F684BDB, v8;
	v13 =	vshrl.u32 v13, $0x1;
	v6 =	vshll.u32 v6, $0x3  }
0x1e8: {  	v17 =	vmulhi.u32 $0x2F684BDB, v14;
	v7 =	vshll.u32 v7, $0x3;
	v18 =	vsub.s32 v12, v15  }
0x1e9: {  	v19 =	vsub.s32 v9, v11;
	v18 =	vshrl.u32 v18, $0x1;
	v10 =	vshll.u32 v10, $0x3  }
0x1ea: {  	v20 =	vsub.s32 v8, v16;
	v19 =	vshrl.u32 v19, $0x1;
	v21 =	vld [tilespmem:s30+$0x10];
	v15 =	vadd.s32 v15, v18  }
0x1eb: {  	v11 =	vadd.s32 v11, v19;
	v18 =	vsub.s32 v14, v17;
	v15 =	vshrl.u32 v15, $0x4  }
0x1ec: {  	v19 =	vshrl.u32 v20, $0x1;
	v11 =	vshrl.u32 v11, $0x4;
	v15 =	vmul.u32 $0x1B, v15;
	v20 =	vld [tilespmem:s30+$0x20]  }
0x1ed: {  	v16 =	vadd.s32 v16, v19;
	v11 =	vmul.u32 $0x1B, v11;
	v18 =	vshrl.u32 v18, $0x1  }
0x1ee: {  	v16 =	vshrl.u32 v16, $0x4;
	v17 =	vadd.s32 v17, v18;
	v19 =	vld [tilespmem:s30+$0xFFFFFFC0];
	v12 =	vsub.s32 v12, v15  }
0x1ef: {  	v15 =	vshrl.u32 v17, $0x4;
	v17 =	vshll.u32 v21, $0x3;
	v18 =	vshrl.u32 v12, $0x3  }
0x1f0: {  	v9 =	vsub.s32 v9, v11;
	v11 =	vmul.u32 $0x1B, v15;
	v21 =	vld [tilespmem:s30+$0xFFFFFFF0];
	v15 =	vmul.u32 $0xC3500, v18  }
0x1f1: {  	v16 =	vmul.u32 $0x1B, v16;
	v18 =	vshrl.u32 v9, $0x3;
	v20 =	vshll.u32 v20, $0x3  }
0x1f2: {  	v12 =	vand.u32 $0x7, v12;
	v9 =	vand.u32 $0x7, v9;
	v15 =	vadd.s32 v15, v20  }
0x1f3: {  	v11 =	vsub.s32 v14, v11;
	v19 =	vshll.u32 v19, $0x3;
	v12 =	vor.u32 v12, v15  }
0x1f4: {  	v4 =	vadd.s32 v4, v13;
	v8 =	vsub.s32 v8, v16;
	v13 =	vmul.u32 $0xC3500, v18;
	[tilespmem:s30+$0x20] =	vst v12  }
0x1f5: {  	v15 =	vshrl.u32 v11, $0x3;
	v12 =	vmulhi.u32 $0x2F684BDB, v5;
	v14 =	vshll.u32 v21, $0x3  }
0x1f6: {  	v16 =	vand.u32 $0x7, v8;
	v6 =	vadd.s32 v13, v6;
	v13 =	vmul.u32 $0xC3500, v15  }
0x1f7: {  	v6 =	vor.u32 v9, v6;
	v9 =	vand.u32 $0x7, v11;
	v15 =	vsub.s32 v5, v12  }
0x1f8: {  	v8 =	vshrl.u32 v8, $0x3;
	v11 =	vshrl.u32 v15, $0x1;
	v15 =	vmulhi.u32 $0x2F684BDB, v2;
	[tilespmem:s30+$0x0] =	vst v6  }
0x1f9: {  	v8 =	vmul.u32 $0xC3500, v8;
	v6 =	vadd.s32 v12, v11;
	v11 =	vor.u32 s31, v0  }
0x1fa: {  	v6 =	vshrl.u32 v6, $0x4;
	v12 =	vsub.s32 v2, v15;
	v18 =	vmulhi.u32 $0x2F684BDB, v11  }
0x1fb: {  	v13 =	vadd.s32 v13, v17;
	v6 =	vmul.u32 $0x1B, v6;
	v12 =	vshrl.u32 v12, $0x1  }
0x1fc: {  	v4 =	vshrl.u32 v4, $0x4;
	v12 =	vadd.s32 v15, v12;
	v15 =	vsub.s32 v11, v18  }
0x1fd: {  	v4 =	vmul.u32 $0x1B, v4;
	v5 =	vsub.s32 v5, v6;
	v6 =	vshrl.u32 v15, $0x1  }
0x1fe: {  	v15 =	vshrl.u32 v5, $0x3;
	v5 =	vand.u32 $0x7, v5;
	v6 =	vadd.s32 v18, v6  }
0x1ff: {  	v3 =	vsub.s32 v3, v4;
	v15 =	vmul.u32 $0xC3500, v15;
	v4 =	vshrl.u32 v6, $0x4  }
0x200: {  	v6 =	vshrl.u32 v3, $0x3;
	v3 =	vand.u32 $0x7, v3;
	v4 =	vmul.u32 $0x1B, v4  }
0x201: {  	v12 =	vshrl.u32 v12, $0x4;
	v6 =	vmul.u32 $0xC3500, v6;
	v15 =	vadd.s32 v15, v19  }
0x202: {  	v12 =	vmul.u32 $0x1B, v12;
	v5 =	vor.u32 v5, v15;
	v4 =	vsub.s32 v11, v4  }
.Ltmp10:
0x203: {  	[tilespmem:s30+$0xFFFFFFC0] =	vst v5;
	v5 =	vadd.s32 v6, v7;
	v6 =	vshrl.u32 v4, $0x3;
	v7 =	vand.u32 $0x7, v4;
	(pc) =	sbr.rel @p1 .LBB2_14-.Ltmp10, $4  }
0x204: {  	v2 =	vsub.s32 v2, v12;
	v3 =	vor.u32 v3, v5;
	v4 =	vmul.u32 $0xC3500, v6  }
0x205: {  	v5 =	vor.u32 v9, v13;
	[tilespmem:s30+$0xFFFFFFD0] =	vst v3;
	v3 =	vshrl.u32 v2, $0x3;
	v2 =	vand.u32 $0x7, v2  }
0x206: {  	v6 =	vadd.s32 v8, v14;
	v3 =	vmul.u32 $0xC3500, v3;
	[tilespmem:s30+$0x10] =	vst v5;
	v8 =	vadd.s32 v4, v10  }
0x207: {  	v4 =	vshll.u32 v1, $0x3;
	v5 =	vor.u32 v16, v6;
	s30 =	sadd.s32 $0x80, s30;
	v1 =	vor.u32 v7, v8  }
0x208: {  	v3 =	vadd.s32 v3, v4;
	[tilespmem:s28+$0xFFFFFFF0] =	vst v5  }
0x209: {  	[tilespmem:s28+$0x30] =	vst v1;
	v2 =	vor.u32 v2, v3  }
0x20a: {  	s0 =	simm.s32 $0x1B00;
	[tilespmem:s28+$0xFFFFFFE0] =	vst v2  }
0x20b: {  	[tilespmem:s0], [sflag:$0x1] =	stream.indirect.gather [hbm4b:s5+s14], $0x10, s4, s14, $0xb8;
	[tilespmem:$0x1D310] =	vst v63  }
0x20c: {  	s28 =	simm.s32 $0x2300  }
0x20d: {  	[tilespmem:s28], [sflag:$0x1] =	stream.indirect.gather [hbm4b:s5+s14], $0x10, s14, s14, $0xb8;
	[tilespmem:$0x1D310] =	vst v63  }
0x20e: {  	s29 =	simm.s32 $0x100;
	s1 =	simm.s32 $0x2B00  }
0x20f: {  	[tilespmem:s1], [sflag:$0x1] =	stream.indirect.gather [hbm4b:s5+s14], $0x10, s29, s14, $0xb8;
	[tilespmem:$0x1D310] =	vst v63  }
0x210: {  	s30 =	simm.s32 $0x180;
	s31 =	simm.s32 $0x3300  }
0x211: {  	[tilespmem:s31], [sflag:$0x1] =	stream.indirect.gather [hbm4b:s5+s14], $0x10, s30, s14, $0xb8;
	[tilespmem:$0x1D310] =	vst v63  }
0x212: {  	s2 =	simm.s32 $0x200;
	s12 =	simm.s32 $0x3B00  }
0x213: {  	[tilespmem:s12], [sflag:$0x1] =	stream.indirect.gather [hbm4b:s5+s14], $0x10, s2, s14, $0xb8;
	[tilespmem:$0x1D310] =	vst v63  }
0x214: {  	s28 =	simm.s32 $0x280;
	s29 =	simm.s32 $0x4300  }
0x215: {  	[tilespmem:s29], [sflag:$0x1] =	stream.indirect.gather [hbm4b:s5+s14], $0x10, s28, s14, $0xb8;
	[tilespmem:$0x1D310] =	vst v63  }
0x216: {  	s30 =	simm.s32 $0x300;
	s31 =	simm.s32 $0x4B00  }
0x217: {  	[tilespmem:s31], [sflag:$0x1] =	stream.indirect.gather [hbm4b:s5+s14], $0x10, s30, s14, $0xb8;
	[tilespmem:$0x1D310] =	vst v63  }
0x218: {  	s2 =	simm.s32 $0x380;
	s12 =	simm.s32 $0x5300  }
0x219: {  	[tilespmem:s12], [sflag:$0x1] =	stream.indirect.gather [hbm4b:s5+s14], $0x10, s2, s14, $0xb8;
	[tilespmem:$0x1D310] =	vst v63  }
0x21a: {  	s28 =	simm.s32 $0x400;
	s29 =	simm.s32 $0x5B00  }
0x21b: {  	[tilespmem:s29], [sflag:$0x1] =	stream.indirect.gather [hbm4b:s5+s14], $0x10, s28, s14, $0xb8;
	[tilespmem:$0x1D310] =	vst v63  }
0x21c: {  	s30 =	simm.s32 $0x480;
	s31 =	simm.s32 $0x6300  }
0x21d: {  	[tilespmem:s31], [sflag:$0x1] =	stream.indirect.gather [hbm4b:s5+s14], $0x10, s30, s14, $0xb8;
	[tilespmem:$0x1D310] =	vst v63  }
0x21e: {  	s2 =	simm.s32 $0x500;
	s12 =	simm.s32 $0x6B00  }
0x21f: {  	[tilespmem:s12], [sflag:$0x1] =	stream.indirect.gather [hbm4b:s5+s14], $0x10, s2, s14, $0xb8;
	[tilespmem:$0x1D310] =	vst v63  }
0x220: {  	s28 =	simm.s32 $0x580;
	s29 =	simm.s32 $0x7300  }
0x221: {  	[tilespmem:s29], [sflag:$0x1] =	stream.indirect.gather [hbm4b:s5+s14], $0x10, s28, s14, $0xb8;
	[tilespmem:$0x1D310] =	vst v63  }
0x222: {  	s30 =	simm.s32 $0x600;
	s31 =	simm.s32 $0x7B00  }
0x223: {  	[tilespmem:s31], [sflag:$0x1] =	stream.indirect.gather [hbm4b:s5+s14], $0x10, s30, s14, $0xb8;
	[tilespmem:$0x1D310] =	vst v63  }
0x224: {  	s2 =	simm.s32 $0x680;
	s12 =	simm.s32 $0x8300  }
0x225: {  	[tilespmem:s12], [sflag:$0x1] =	stream.indirect.gather [hbm4b:s5+s14], $0x10, s2, s14, $0xb8;
	[tilespmem:$0x1D310] =	vst v63  }
0x226: {  	s28 =	simm.s32 $0x700;
	s29 =	simm.s32 $0x8B00  }
0x227: {  	[tilespmem:s29], [sflag:$0x1] =	stream.indirect.gather [hbm4b:s5+s14], $0x10, s28, s14, $0xb8;
	[tilespmem:$0x1D310] =	vst v63  }
0x228: {  	s30 =	simm.s32 $0x780;
	s31 =	simm.s32 $0x9300  }
0x229: {  	[tilespmem:s31], [sflag:$0x1] =	stream.indirect.gather [hbm4b:s5+s14], $0x10, s30, s14, $0xb8;
	[tilespmem:$0x1D310] =	vst v63  }
0x22a: {  	s2 =	simm.s32 $0x800;
	s12 =	simm.s32 $0x9B00  }
0x22b: {  	[tilespmem:s12], [sflag:$0x1] =	stream.indirect.gather [hbm4b:s5+s14], $0x10, s2, s14, $0xb8;
	[tilespmem:$0x1D310] =	vst v63  }
0x22c: {  	s28 =	simm.s32 $0x880;
	s29 =	simm.s32 $0xA300  }
0x22d: {  	[tilespmem:s29], [sflag:$0x1] =	stream.indirect.gather [hbm4b:s5+s14], $0x10, s28, s14, $0xb8;
	[tilespmem:$0x1D310] =	vst v63  }
0x22e: {  	s30 =	simm.s32 $0x900;
	s31 =	simm.s32 $0xAB00  }
0x22f: {  	[tilespmem:s31], [sflag:$0x1] =	stream.indirect.gather [hbm4b:s5+s14], $0x10, s30, s14, $0xb8;
	[tilespmem:$0x1D310] =	vst v63  }
0x230: {  	s1 =	simm.s32 $0x980;
	s2 =	simm.s32 $0xB300  }
0x231: {  	[tilespmem:s2], [sflag:$0x1] =	stream.indirect.gather [hbm4b:s5+s14], $0x10, s1, s14, $0xb8;
	[tilespmem:$0x1D310] =	vst v63  }
0x232: {  	s12 =	simm.s32 $0xA00;
	s28 =	simm.s32 $0xBB00  }
0x233: {  	[tilespmem:s28], [sflag:$0x1] =	stream.indirect.gather [hbm4b:s5+s14], $0x10, s12, s14, $0xb8;
	[tilespmem:$0x1D310] =	vst v63  }
0x234: {  	s29 =	simm.s32 $0xA80;
	s30 =	simm.s32 $0xC300  }
0x235: {  	[tilespmem:s30], [sflag:$0x1] =	stream.indirect.gather [hbm4b:s5+s14], $0x10, s29, s14, $0xb8;
	[tilespmem:$0x1D310] =	vst v63  }
0x236: {  	s31 =	simm.s32 $0xB00  }
0x237: {  	[tilespmem:s9], [sflag:$0x1] =	stream.indirect.gather [hbm4b:s5+s14], $0x10, s31, s14, $0xb8;
	[tilespmem:$0x1D310] =	vst v63  }
0x238: {  	_ = 	snop  }
0x239: {  	[tilespmem:s13], [sflag:$0x1] =	stream.indirect.gather [hbm4b:s5+s14], $0x10, s11, s14, $0xb8;
	[tilespmem:$0x1D310] =	vst v63  }
0x23a: {  	_ = 	snop  }
0x23b: {  	[tilespmem:s16], [sflag:$0x1] =	stream.indirect.gather [hbm4b:s5+s14], $0x10, s15, s14, $0xb8;
	[tilespmem:$0x1D310] =	vst v63  }
0x23c: {  	_ = 	snop  }
0x23d: {  	[tilespmem:s18], [sflag:$0x1] =	stream.indirect.gather [hbm4b:s5+s14], $0x10, s17, s14, $0xb8;
	[tilespmem:$0x1D310] =	vst v63  }
0x23e: {  	_ = 	snop  }
0x23f: {  	[tilespmem:s20], [sflag:$0x1] =	stream.indirect.gather [hbm4b:s5+s14], $0x10, s19, s14, $0xb8;
	[tilespmem:$0x1D310] =	vst v63  }
.LBB2_16:
.Ltmp11:
0x240: {  	(pc) =	sbr.rel @p0 .LBB2_20-.Ltmp11, $1  }
0x241: {  	_ =	sdelay $0x3  }
0x242: {  	_ =	swait.ge [sflag:s24], $0xD800  }
0x243: {  	[sflag:s24] =	ssyncset.done $0x0  }
0x244: {  	s29 =	simm.s32 $0xF3D0;
	[sflag:s24] =	ssyncadd.s32 $0xFFFF2800  }
0x245: {  	v1 =	vld [tilespmem:s29+$0xFFFFFF30]  }
0x246: {  	s28 =	simm.s32 $0x0;
	s30 =	simm.s32 $0x10;
	v2 =	vld [tilespmem:$0x1D300]  }
.LBB2_18:
0x247: {  	p0 =	sne.s32 s30, $0x7F0  }
0x248: {  	v3 =	vld [tilespmem:s29+$0xFFFFFF40];
	_ =	sdelay $0x1  }
0x249: {  	v4 =	vld [tilespmem:s29+$0xFFFFFF50]  }
0x24a: {  	v1 =	vadd.f32 v1, v2  }
0x24b: {  	v2 =	vld [tilespmem:s29+$0xFFFFFF60]  }
0x24c: {  	v1 =	vadd.f32 v3, v1  }
0x24d: {  	v3 =	vld [tilespmem:s29+$0xFFFFFF70]  }
0x24e: {  	v1 =	vadd.f32 v4, v1  }
0x24f: {  	v4 =	vld [tilespmem:s29+$0xFFFFFF80]  }
0x250: {  	v1 =	vadd.f32 v2, v1  }
0x251: {  	v2 =	vld [tilespmem:s29+$0xFFFFFF90]  }
0x252: {  	v1 =	vadd.f32 v3, v1  }
0x253: {  	v3 =	vld [tilespmem:s29+$0xFFFFFFA0]  }
0x254: {  	v1 =	vadd.f32 v4, v1  }
0x255: {  	v4 =	vld [tilespmem:s29+$0xFFFFFFB0]  }
0x256: {  	v1 =	vadd.f32 v2, v1  }
0x257: {  	v2 =	vld [tilespmem:s29+$0xFFFFFFC0]  }
0x258: {  	v1 =	vadd.f32 v3, v1  }
0x259: {  	v3 =	vld [tilespmem:s29+$0xFFFFFFD0]  }
0x25a: {  	v1 =	vadd.f32 v4, v1  }
0x25b: {  	v4 =	vld [tilespmem:s29+$0xFFFFFFE0]  }
0x25c: {  	v1 =	vadd.f32 v2, v1  }
0x25d: {  	v2 =	vld [tilespmem:s29+$0xFFFFFFF0]  }
0x25e: {  	v1 =	vadd.f32 v3, v1  }
0x25f: {  	v3 =	vld [tilespmem:s29+$0x0]  }
0x260: {  	v1 =	vadd.f32 v4, v1  }
0x261: {  	v4 =	vld [tilespmem:s29+$0x10]  }
0x262: {  	v1 =	vadd.f32 v2, v1  }
0x263: {  	v2 =	vld [tilespmem:s29+$0x20]  }
0x264: {  	v1 =	vadd.f32 v3, v1  }
0x265: {  	v3 =	vld [tilespmem:s29+$0x30]  }
0x266: {  	v1 =	vadd.f32 v4, v1  }
0x267: {  	v4 =	vld [tilespmem:s29+$0x40]  }
0x268: {  	v1 =	vadd.f32 v2, v1  }
0x269: {  	v2 =	vld [tilespmem:s29+$0x50]  }
0x26a: {  	v1 =	vadd.f32 v3, v1  }
0x26b: {  	v3 =	vld [tilespmem:s29+$0x60]  }
0x26c: {  	v1 =	vadd.f32 v4, v1  }
0x26d: {  	v4 =	vld [tilespmem:s29+$0x70]  }
0x26e: {  	v1 =	vadd.f32 v2, v1  }
0x26f: {  	v2 =	vld [tilespmem:s29+$0x80]  }
0x270: {  	v1 =	vadd.f32 v3, v1  }
0x271: {  	v3 =	vld [tilespmem:s29+$0x90]  }
0x272: {  	v1 =	vadd.f32 v4, v1  }
0x273: {  	v4 =	vld [tilespmem:s29+$0xA0]  }
0x274: {  	v1 =	vadd.f32 v2, v1  }
0x275: {  	v2 =	vld [tilespmem:s29+$0xB0]  }
0x276: {  	v1 =	vadd.f32 v3, v1  }
0x277: {  	v3 =	vld [tilespmem:s29+$0xC0]  }
0x278: {  	v1 =	vadd.f32 v4, v1  }
0x279: {  	v4 =	vld [tilespmem:s29+$0xD0]  }
0x27a: {  	v1 =	vadd.f32 v2, v1;
	_ =	sdelay $0x1  }
0x27b: {  	v1 =	vadd.f32 v3, v1;
	_ =	sdelay $0x1  }
.Ltmp12:
0x27c: {  	v1 =	vadd.f32 v4, v1;
	(pc) =	sbr.rel @p0 .LBB2_18-.Ltmp12, $4  }
0x27d: {  	s0 =	sand.u32 $0x7F0, s28;
	s28 =	smov.u32 s30  }
0x27e: {  	s29 =	sadd.s32 $0x1B0, s29;
	[tilespmem:s0+$0x1CB00] =	vst v1  }
0x27f: {  	v1 =	vld [tilespmem:s29+$0xFFFFFF30]  }
0x280: {  	s30 =	sadd.s32 $0x10, s30;
	v2 =	vld [tilespmem:$0x1D300]  }
0x281: {  	_ = 	snop  }
0x282: {  	v3 =	vld [tilespmem:s29+$0xFFFFFF40];
	_ =	sdelay $0x1  }
0x283: {  	v4 =	vld [tilespmem:s29+$0xFFFFFF50]  }
0x284: {  	v1 =	vadd.f32 v1, v2  }
0x285: {  	v2 =	vld [tilespmem:s29+$0xFFFFFF60]  }
0x286: {  	v1 =	vadd.f32 v3, v1  }
0x287: {  	v3 =	vld [tilespmem:s29+$0xFFFFFF70]  }
0x288: {  	v1 =	vadd.f32 v4, v1  }
0x289: {  	v56 =	vld [tilespmem:s29+$0xFFFFFF80]  }
0x28a: {  	v1 =	vadd.f32 v2, v1  }
0x28b: {  	v2 =	vld [tilespmem:s29+$0xFFFFFF90]  }
0x28c: {  	v1 =	vadd.f32 v3, v1  }
0x28d: {  	v3 =	vld [tilespmem:s29+$0xFFFFFFA0]  }
0x28e: {  	v1 =	vadd.f32 v56, v1  }
0x28f: {  	v57 =	vld [tilespmem:s29+$0xFFFFFFB0]  }
0x290: {  	v1 =	vadd.f32 v2, v1  }
0x291: {  	v2 =	vld [tilespmem:s29+$0xFFFFFFC0]  }
0x292: {  	v1 =	vadd.f32 v3, v1  }
0x293: {  	v3 =	vld [tilespmem:s29+$0xFFFFFFD0]  }
0x294: {  	v1 =	vadd.f32 v57, v1  }
0x295: {  	v58 =	vld [tilespmem:s29+$0xFFFFFFE0]  }
0x296: {  	v1 =	vadd.f32 v2, v1  }
0x297: {  	v2 =	vld [tilespmem:s29+$0xFFFFFFF0]  }
0x298: {  	v1 =	vadd.f32 v3, v1  }
0x299: {  	v3 =	vld [tilespmem:s29+$0x0]  }
0x29a: {  	v1 =	vadd.f32 v58, v1  }
0x29b: {  	v59 =	vld [tilespmem:s29+$0x10]  }
0x29c: {  	v1 =	vadd.f32 v2, v1  }
0x29d: {  	v2 =	vld [tilespmem:s29+$0x20]  }
0x29e: {  	v1 =	vadd.f32 v3, v1  }
0x29f: {  	v3 =	vld [tilespmem:s29+$0x30]  }
0x2a0: {  	v1 =	vadd.f32 v59, v1  }
0x2a1: {  	v60 =	vld [tilespmem:s29+$0x40]  }
0x2a2: {  	v1 =	vadd.f32 v2, v1  }
0x2a3: {  	v2 =	vld [tilespmem:s29+$0x50]  }
0x2a4: {  	v1 =	vadd.f32 v3, v1  }
0x2a5: {  	v3 =	vld [tilespmem:s29+$0x60]  }
0x2a6: {  	v1 =	vadd.f32 v60, v1  }
0x2a7: {  	v61 =	vld [tilespmem:s29+$0x70]  }
0x2a8: {  	v1 =	vadd.f32 v2, v1  }
0x2a9: {  	v2 =	vld [tilespmem:s29+$0x80]  }
0x2aa: {  	v1 =	vadd.f32 v3, v1  }
0x2ab: {  	v3 =	vld [tilespmem:s29+$0x90]  }
0x2ac: {  	v1 =	vadd.f32 v61, v1  }
0x2ad: {  	v62 =	vld [tilespmem:s29+$0xA0]  }
0x2ae: {  	v1 =	vadd.f32 v2, v1  }
0x2af: {  	v2 =	vld [tilespmem:s29+$0xB0]  }
0x2b0: {  	v1 =	vadd.f32 v3, v1  }
0x2b1: {  	v3 =	vld [tilespmem:s29+$0xC0]  }
0x2b2: {  	v1 =	vadd.f32 v62, v1  }
0x2b3: {  	v63 =	vld [tilespmem:s29+$0xD0]  }
0x2b4: {  	v1 =	vadd.f32 v2, v1;
	_ =	sdelay $0x1  }
0x2b5: {  	v1 =	vadd.f32 v3, v1  }
0x2b6: {  	p0 =	sgt.u32 s26, $0x30C  }
0x2b7: {  	p1 =	sne.s32 @p0 s26, $0x30D;
	v1 =	vadd.f32 v63, v1  }
0x2b8: {  	s0 =	sand.u32 $0x7F0, s28;
	p1 =	por p1, !p0  }
0x2b9: {  	s1 =	simm.s32 @!p1 $0x1CB00;
	[tilespmem:s0+$0x1CB00] =	vst v1;
	s0 =	simm.s32 @!p1 $0x0  }
0x2ba: {  	[hbm4b:s10+s0] =	stream.linear.scatter @!p1 [tilespmem:s1], [sflag:$0x3], $0x200, $0x38;
	[tilespmem:$0x1D310] =	vst v63  }
0x2bb: {  	s0 =	simm.s32 @!p1 $0x3  }
0x2bc: {  	_ =	swait.ge @!p1 [sflag:s0], $0x200  }
0x2bd: {  	[sflag:s0] =	ssyncset.done @!p1 $0x0  }
0x2be: {  	[sflag:s0] =	ssyncadd.s32 @!p1 $0xFFFFFE00;
	s0 =	sshll.u32 @!p0 s26, $0x8  }
0x2bf: {  	s2 =	simm.s32 @!p0 $0x1CB00;
	s1 =	simm.s32 @!p0 $0x0;
	s0 =	sadd.s32 @!p0 s3, s0  }
0x2c0: {  	[hbm4b:s0+s1] =	stream.linear.scatter @!p0 [tilespmem:s2], [sflag:$0x4], $0x800, $0x38;
	[tilespmem:$0x1D310] =	vst v63  }
.Ltmp13:
0x2c1: {  	_ = 	snop;
	(pc) =	sbr.rel .LBB2_20-.Ltmp13, $4  }
0x2c2: {  	s0 =	simm.s32 @!p0 $0x4  }
0x2c3: {  	_ =	swait.ge @!p0 [sflag:s0], $0x800  }
0x2c4: {  	[sflag:s0] =	ssyncset.done @!p0 $0x0  }
0x2c5: {  	[sflag:s0] =	ssyncadd.s32 @!p0 $0xFFFFF800  }
.LBB2_22:
0x2c6: {  	_ =	sfence.sel $0x180000  }
0x2c7: {  	[bflag:$0x0] =	sbarrier.arrive $0xFFFF  }
0x2c8: {  	_ =	strace $0x90000047  }
0x2c9: {  	s0 =	stileid.u32;
	[bflag:$0x2] =	sbarrier.arrive $0xFFFF  }
0x2ca: {  	p0 =	sne.s32 s0, $0x0;
	s0 =	rddreg [dreg:$0x3]  }
0x2cb: {  	s0 =	sadd.s32 @!p0 $0x100000, s0  }
0x2cc: {  	[sflag:s0] =	ssyncadd.tile.s32 @!p0 $0x1;
	_ =	shalt  }
.Lfunc_end2:
_tile_overlayer_lowered:
.L_overlay_start_2:
0x2cd: {  	(tag) =	ssettag $0x2  }
0x2ce: {  	s0 =	rddreg [dreg:$0x0];
	s2 =	stileid.u32  }
0x2cf: {  	s1 =	rddreg [dreg:$0x1];
	p0 =	sne.s32 s2, $0x0  }
0x2d0: {  	s3 =	rddreg [dreg:$0x2];
	[bflag:$0x3] =	sbarrier.arrive $0xFFFF;
	s2 =	simm.s32 @!p0 $0x1C03  }
0x2d1: {  	[timem:s3], [sflag:s2] =	dma.local @!p0 [hbm:s0], s1  }
0x2d2: {  	s0 =	simm.s32 @!p0 $0x3  }
0x2d3: {  	_ =	swait.ge @!p0 [sflag:s0], s1  }
0x2d4: {  	s1 =	ssub.s32 @!p0 $0x0, s1;
	[sflag:s0] =	ssyncset.done @!p0 $0x0  }
0x2d5: {  	[sflag:s0] =	ssyncadd.s32 @!p0 s1  }
0x2d6: {  	[bflag:$0x3] =	sbarrier.arrive $0xFFFF  }
0x2d7: {  	_ =	shalt  }

</sc_bundles>
